<compile_context>
chip_gen: v7x
topology: tpu7x:2x2x1
jax: 0.10.2.dev20260603
libtpu: 0.0.44.dev20260713+nightly
codegen_flags: <defaults>
</compile_context>

<pallas_src>
import functools

import jax
import jax.numpy as jnp
from jax import lax
from jax.experimental import pallas as pl
from jax.experimental.pallas import tpu as pltpu
from jax.experimental.pallas import tpu_sc as plsc

MU2 = 7.0
D = 64
B = 16384
NU = 1000000
L = 16
NC = 2
NS = 16
NW = NC * NS
BW = B // NW
NG = BW // L
RSW = BW + 8
PAD = 16


def _make_item_kernel():
  mesh = plsc.VectorSubcoreMesh(core_axis_name="c", subcore_axis_name="s")

  def body(i_idx_hbm, u_idx_hbm, i_emb_hbm, u_bias_hbm, i_bias_hbm,
           rows_hbm, part_hbm, i_idx_v, u_idx_v, rows_v, ub_v, ib_v,
           part_v, sem):
    wid = lax.axis_index("s") * NC + lax.axis_index("c")
    base = wid * BW

    pltpu.sync_copy(i_idx_hbm.at[pl.ds(base, BW)], i_idx_v)
    pltpu.sync_copy(u_idx_hbm.at[pl.ds(base, BW)], u_idx_v)

    c0 = pltpu.async_copy(i_emb_hbm.at[i_idx_v], rows_v, sem)
    c1 = pltpu.async_copy(u_bias_hbm.at[u_idx_v], ub_v, sem)
    c2 = pltpu.async_copy(i_bias_hbm.at[i_idx_v], ib_v, sem)
    c0.wait()
    c1.wait()
    c2.wait()

    def grp(g, carry):
      gbase = g * L
      part_v[pl.ds(gbase, L)] = (ub_v[pl.ds(gbase, L)] +
                                 ib_v[pl.ds(gbase, L)] + MU2)
      return carry

    lax.fori_loop(0, NG, grp, 0)
    pltpu.sync_copy(rows_v, rows_hbm.at[pl.ds(base, BW), pl.ds(0, D)])
    pltpu.sync_copy(part_v, part_hbm.at[pl.ds(base, BW)])

  return pl.kernel(
      body,
      out_type=(jax.ShapeDtypeStruct((B, 128), jnp.float32),
                jax.ShapeDtypeStruct((B,), jnp.float32)),
      mesh=mesh,
      scratch_types=[
          pltpu.VMEM((BW,), jnp.int32),
          pltpu.VMEM((BW,), jnp.int32),
          pltpu.VMEM((BW, D), jnp.float32),
          pltpu.VMEM((BW,), jnp.float32),
          pltpu.VMEM((BW,), jnp.float32),
          pltpu.VMEM((BW,), jnp.float32),
          pltpu.SemaphoreType.DMA,
      ],
      compiler_params=pltpu.CompilerParams(
          needs_layout_passes=False, use_tc_tiling_on_sc=False,
          has_side_effects=pltpu.SideEffectType.PURE),
  )


def _make_user_kernel():
  mesh = plsc.VectorSubcoreMesh(core_axis_name="c", subcore_axis_name="s")

  def body(su_hbm, ord_hbm, sb_hbm, rs_hbm, nw_hbm, u_t_hbm, irows_hbm,
           dots_hbm, su_v, ord_v, sb_v, rs_v, nw_v, irows_v, slab_a,
           slab_b, slab_c, slab_d, slab_e, slab_f, out_v, sem, sem_a, sem_b,
           sem_c, sem_d, sem_e, sem_f):
    wid = lax.axis_index("s") * NC + lax.axis_index("c")
    base = wid * BW

    pltpu.sync_copy(su_hbm.at[pl.ds(base, BW)], su_v.at[pl.ds(0, BW)])
    pltpu.sync_copy(ord_hbm.at[pl.ds(base, BW)], ord_v)
    pltpu.sync_copy(sb_hbm.at[pl.ds(base, BW)], sb_v.at[pl.ds(0, BW)])
    pltpu.sync_copy(rs_hbm.at[pl.ds(wid * RSW, RSW)], rs_v.at[pl.ds(0, RSW)])
    pltpu.sync_copy(nw_hbm, nw_v.at[pl.ds(0, NW)])
    ci = pltpu.async_copy(irows_hbm.at[ord_v], irows_v, sem)

    def sread(ref, i):
      return ref[pl.ds(i, L)][0]

    n = sread(nw_v, wid)

    def fetch(k, buf, fsem):
      @pl.when(k < n)
      def _():
        sb = sread(sb_v, sread(rs_v, k))
        col = pl.multiple_of(sb, 128)
        pltpu.async_copy(u_t_hbm.at[:, pl.ds(col, 128)], buf, fsem)

    fetch(0, slab_a, sem_a)
    fetch(1, slab_b, sem_b)
    fetch(2, slab_c, sem_c)
    fetch(3, slab_d, sem_d)
    fetch(4, slab_e, sem_e)
    fetch(5, slab_f, sem_f)
    ci.wait()

    cvecs = [16 * q + lax.iota(jnp.int32, L) for q in range(4)]

    lane = lax.iota(jnp.int32, L)
    last_lane = lane == (L - 1)

    def run(k, buf):
      rs0 = sread(rs_v, k)
      rs1 = jnp.minimum(sread(rs_v, k + 1), BW)
      sb = sread(sb_v, rs0)

      def elem(e, carry):
        l = sread(su_v, e) - sb
        lv = jnp.full((L,), l, jnp.int32)
        acc = jnp.zeros((L,), jnp.float32)
        for q in range(4):
          uq = plsc.load_gather(buf, [cvecs[q], lv])
          iq = irows_v[e, pl.ds(16 * q, L)]
          acc = acc + uq * iq
        cs = plsc.cumsum(acc)
        plsc.store_scatter(out_v, [jnp.full((L,), e, jnp.int32)], cs,
                           mask=last_lane)
        return carry

      lax.fori_loop(rs0, rs1, elem, 0)

    def step(k, carry):
      parity = lax.rem(k, 6)
      for pv, (buf, fsem) in enumerate([(slab_a, sem_a), (slab_b, sem_b),
                                        (slab_c, sem_c), (slab_d, sem_d),
                                        (slab_e, sem_e), (slab_f, sem_f)]):
        @pl.when(parity == pv)
        def _(buf=buf, fsem=fsem):
          pltpu.make_async_copy(u_t_hbm.at[:, pl.ds(0, 128)], buf,
                                fsem).wait()
          run(k, buf)
          fetch(k + 6, buf, fsem)

      return carry

    lax.fori_loop(0, n, step, 0)

    def flush(g, carry):
      gbase = g * L
      out_v[pl.ds(gbase, L)] = out_v[pl.ds(gbase, L)] + 0.0
      return carry

    lax.fori_loop(0, NG, flush, 0)
    plsc.subcore_barrier()
    pltpu.sync_copy(out_v, dots_hbm.at[pl.ds(base, BW)])

  return pl.kernel(
      body,
      out_type=jax.ShapeDtypeStruct((B,), jnp.float32),
      mesh=mesh,
      scratch_types=[
          pltpu.VMEM((BW + PAD,), jnp.int32),
          pltpu.VMEM((BW,), jnp.int32),
          pltpu.VMEM((BW + PAD,), jnp.int32),
          pltpu.VMEM((RSW + PAD,), jnp.int32),
          pltpu.VMEM((NW + PAD,), jnp.int32),
          pltpu.VMEM((BW, 128), jnp.float32),
          pltpu.VMEM((D, 128), jnp.float32),
          pltpu.VMEM((D, 128), jnp.float32),
          pltpu.VMEM((D, 128), jnp.float32),
          pltpu.VMEM((D, 128), jnp.float32),
          pltpu.VMEM((D, 128), jnp.float32),
          pltpu.VMEM((D, 128), jnp.float32),
          pltpu.VMEM((BW,), jnp.float32),
          pltpu.SemaphoreType.DMA,
          pltpu.SemaphoreType.DMA,
          pltpu.SemaphoreType.DMA,
          pltpu.SemaphoreType.DMA,
          pltpu.SemaphoreType.DMA,
          pltpu.SemaphoreType.DMA,
          pltpu.SemaphoreType.DMA,
      ],
      compiler_params=pltpu.CompilerParams(
          needs_layout_passes=False,
          has_side_effects=pltpu.SideEffectType.PURE),
  )


def _make_fin_kernel():
  mesh = plsc.VectorSubcoreMesh(core_axis_name="c", subcore_axis_name="s")

  def body(dots_hbm, inv_hbm, part_hbm, out_hbm, inv_v, d_v, p_v, out_v,
           sem):
    wid = lax.axis_index("s") * NC + lax.axis_index("c")
    base = wid * BW

    pltpu.sync_copy(inv_hbm.at[pl.ds(base, BW)], inv_v)
    pltpu.sync_copy(part_hbm.at[pl.ds(base, BW)], p_v)
    c0 = pltpu.async_copy(dots_hbm.at[inv_v], d_v, sem)
    c0.wait()

    def grp(g, carry):
      gbase = g * L
      out_v[pl.ds(gbase, L)] = d_v[pl.ds(gbase, L)] + p_v[pl.ds(gbase, L)]
      return carry

    lax.fori_loop(0, NG, grp, 0)
    pltpu.sync_copy(out_v, out_hbm.at[pl.ds(base, BW)])

  return pl.kernel(
      body,
      out_type=jax.ShapeDtypeStruct((B,), jnp.float32),
      mesh=mesh,
      scratch_types=[
          pltpu.VMEM((BW,), jnp.int32),
          pltpu.VMEM((BW,), jnp.float32),
          pltpu.VMEM((BW,), jnp.float32),
          pltpu.VMEM((BW,), jnp.float32),
          pltpu.SemaphoreType.DMA,
      ],
      compiler_params=pltpu.CompilerParams(
          needs_layout_passes=False, use_tc_tiling_on_sc=False,
          has_side_effects=pltpu.SideEffectType.PURE),
  )


@jax.jit
def _mf(user_indices, item_indices, user_embedding, item_embedding,
        user_bias, item_bias):
  u_t = user_embedding.T
  ub = user_bias.reshape(-1)
  ib = item_bias.reshape(-1)

  iot = jnp.arange(B, dtype=jnp.int32)
  su, order = lax.sort((user_indices, iot), num_keys=1)
  inv = jnp.zeros((B,), jnp.int32).at[order].set(iot)
  sbase = lax.shift_right_logical(su, 7) * 128
  s2 = sbase.reshape(NW, BW)
  new = jnp.concatenate(
      [jnp.ones((NW, 1), jnp.bool_), s2[:, 1:] != s2[:, :-1]], axis=1)
  pos = jnp.broadcast_to(jnp.arange(BW, dtype=jnp.int32), (NW, BW))
  keyed = jnp.where(new, pos, 2 * BW)
  rs = jnp.sort(keyed, axis=1)
  rstart = jnp.concatenate(
      [rs, jnp.full((NW, RSW - BW), 2 * BW, jnp.int32)], axis=1)
  nw = jnp.sum(new.astype(jnp.int32), axis=1)

  i_rows, part = _make_item_kernel()(item_indices, user_indices,
                                     item_embedding, ub, ib)
  dots = _make_user_kernel()(su, order, sbase, rstart.reshape(-1), nw,
                             u_t, i_rows)
  return _make_fin_kernel()(dots, inv, part)


def kernel(user_indices, item_indices, user_embedding, item_embedding,
           user_bias, item_bias):
  return _mf(user_indices.astype(jnp.int32), item_indices.astype(jnp.int32),
             user_embedding, item_embedding, user_bias, item_bias)

# --- scband reference (transcript-rebuilt; emitter-appended) ---
"""Pipeline reference for scband-bias-mf-11802570129432 (READ-ONLY COPY).

The authoritative reference and input builder live on the scoring server;
editing this copy changes nothing except your own understanding.
"""

import jax, jax.numpy as jnp
import numpy as np

NUM_USERS = 1000000
NUM_ITEMS = 100000
LATENT_DIM = 64
MU = 3.5
BATCH = 16384


def setup_inputs(seed: int = 0) -> dict:
    key = jax.random.key(seed)
    k1, k2, k3, k4 = jax.random.split(key, 4)
    user_indices = jax.random.randint(k1, (BATCH,), 0, NUM_USERS, dtype=jnp.int64 if jax.config.jax_enable_x64 else jnp.int32)
    item_indices = jax.random.randint(k2, (BATCH,), 0, NUM_ITEMS, dtype=jnp.int64 if jax.config.jax_enable_x64 else jnp.int32)
    # torch.nn.Embedding default init: N(0, 1)
    user_embedding = jax.random.normal(k3, (NUM_USERS, LATENT_DIM), dtype=jnp.float32)
    item_embedding = jax.random.normal(k4, (NUM_ITEMS, LATENT_DIM), dtype=jnp.float32)
    # biases are explicitly zero-initialized in the torch module
    user_bias = jnp.zeros((NUM_USERS, 1), dtype=jnp.float32)
    item_bias = jnp.zeros((NUM_ITEMS, 1), dtype=jnp.float32)
    return {
        "user_indices": user_indices,
        "item_indices": item_indices,
        "user_embedding": user_embedding,
        "item_embedding": item_embedding,
        "user_bias": user_bias,
        "item_bias": item_bias,
    }


def reference(user_indices, item_indices, user_embedding, item_embedding, user_bias, item_bias):
    user_vec = jnp.take(user_embedding, user_indices, axis=0)  # [B, D]
    item_vec = jnp.take(item_embedding, item_indices, axis=0)  # [B, D]
    dot = jnp.sum(user_vec * item_vec, axis=-1)                # [B]
    ub = jnp.take(user_bias, user_indices, axis=0).reshape(-1)
    ib = jnp.take(item_bias, item_indices, axis=0).reshape(-1)
    # faithful to original: mu is added twice
    rating = dot + MU + ub + ib + MU
    return rating

if __name__ == "__main__":
    import jax
    _d = setup_inputs()
    print(jax.jit(kernel)(*tuple(_d.values())))

</pallas_src>

<mosaic_0001>
#map = affine_map<(d0, d1) -> (0)>
#map1 = affine_map<(d0, d1) -> (0, 0)>
module attributes {stable_mosaic.version = 14 : i64} {
  func.func @body(%arg0: i32, %arg1: i32, %arg2: memref<16384xi32, #tpu.memory_space<hbm>>, %arg3: memref<16384xi32, #tpu.memory_space<hbm>>, %arg4: memref<100000x64xf32, #tpu.memory_space<hbm>>, %arg5: memref<1000000xf32, #tpu.memory_space<hbm>>, %arg6: memref<100000xf32, #tpu.memory_space<hbm>>, %arg7: memref<16384x128xf32, #tpu.memory_space<hbm>>, %arg8: memref<16384xf32, #tpu.memory_space<hbm>>, %arg9: memref<512xi32, #tpu.memory_space<vmem>>, %arg10: memref<512xi32, #tpu.memory_space<vmem>>, %arg11: memref<512x64xf32, #tpu.memory_space<vmem>>, %arg12: memref<512xf32, #tpu.memory_space<vmem>>, %arg13: memref<512xf32, #tpu.memory_space<vmem>>, %arg14: memref<512xf32, #tpu.memory_space<vmem>>, %arg15: memref<!tpu.dma_semaphore, #tpu.memory_space<semaphore_mem>>) attributes {dimension_semantics = [#tpu.dimension_semantics<core_parallel>, #tpu.dimension_semantics<subcore_parallel>], iteration_bounds = array<i64: 2, 16>, scalar_prefetch = 0 : i64, scratch_operands = 7 : i64, tpu.core_type = #tpu.core_type<sc_vector_subcore>, window_params = [{transform_indices = #map}, {transform_indices = #map}, {transform_indices = #map1}, {transform_indices = #map}, {transform_indices = #map}, {transform_indices = #map1}, {transform_indices = #map}]} {
    %mul3A = arith.constant 2 : i32
    %mul3A_0 = arith.muli %arg1, %mul3A : i32
    %add3A = arith.addi %mul3A_0, %arg0 : i32
    %mul3A_1 = arith.constant 512 : i32
    %mul3A_2 = arith.muli %add3A, %mul3A_1 : i32
    "tpu.region"() ({
      %run_scoped3A = tpu.sem_alloc : memref<!tpu.dma_semaphore, #tpu.memory_space<semaphore_mem>>
      %dma_start3A_20 = tpu.memref_slice %arg2[%mul3A_2] : memref<16384xi32, #tpu.memory_space<hbm>> -> memref<512xi32, #tpu.memory_space<hbm>>
      %dma_start3A_21 = tpu.memref_slice %arg2[%mul3A_2] : memref<16384xi32, #tpu.memory_space<hbm>> -> memref<512xi32, #tpu.memory_space<hbm>>
      tpu.enqueue_dma source(%dma_start3A_21 : memref<512xi32, #tpu.memory_space<hbm>>) target(%arg9 : memref<512xi32, #tpu.memory_space<vmem>>) target_semaphore(%run_scoped3A : memref<!tpu.dma_semaphore, #tpu.memory_space<semaphore_mem>>)
      %dma_wait3A_22 = tpu.memref_slice %arg2[%mul3A_2] : memref<16384xi32, #tpu.memory_space<hbm>> -> memref<512xi32, #tpu.memory_space<hbm>>
      %dma_wait3A_23 = tpu.memref_slice %arg2[%mul3A_2] : memref<16384xi32, #tpu.memory_space<hbm>> -> memref<512xi32, #tpu.memory_space<hbm>>
      tpu.wait_dma2 semaphore(%run_scoped3A : memref<!tpu.dma_semaphore, #tpu.memory_space<semaphore_mem>>) src(%dma_wait3A_23 : memref<512xi32, #tpu.memory_space<hbm>>) dst(%arg9 : memref<512xi32, #tpu.memory_space<vmem>>)
      tpu.yield
    }) : () -> ()
    "tpu.region"() ({
      %run_scoped3A = tpu.sem_alloc : memref<!tpu.dma_semaphore, #tpu.memory_space<semaphore_mem>>
      %dma_start3A_20 = tpu.memref_slice %arg3[%mul3A_2] : memref<16384xi32, #tpu.memory_space<hbm>> -> memref<512xi32, #tpu.memory_space<hbm>>
      %dma_start3A_21 = tpu.memref_slice %arg3[%mul3A_2] : memref<16384xi32, #tpu.memory_space<hbm>> -> memref<512xi32, #tpu.memory_space<hbm>>
      tpu.enqueue_dma source(%dma_start3A_21 : memref<512xi32, #tpu.memory_space<hbm>>) target(%arg10 : memref<512xi32, #tpu.memory_space<vmem>>) target_semaphore(%run_scoped3A : memref<!tpu.dma_semaphore, #tpu.memory_space<semaphore_mem>>)
      %dma_wait3A_22 = tpu.memref_slice %arg3[%mul3A_2] : memref<16384xi32, #tpu.memory_space<hbm>> -> memref<512xi32, #tpu.memory_space<hbm>>
      %dma_wait3A_23 = tpu.memref_slice %arg3[%mul3A_2] : memref<16384xi32, #tpu.memory_space<hbm>> -> memref<512xi32, #tpu.memory_space<hbm>>
      tpu.wait_dma2 semaphore(%run_scoped3A : memref<!tpu.dma_semaphore, #tpu.memory_space<semaphore_mem>>) src(%dma_wait3A_23 : memref<512xi32, #tpu.memory_space<hbm>>) dst(%arg10 : memref<512xi32, #tpu.memory_space<vmem>>)
      tpu.yield
    }) : () -> ()
    %dma_start3A = arith.constant 0 : i32
    %dma_start3A_3 = arith.constant 0 : i32
    %dma_start3A_4 = tpu.memref_slice %arg4[%dma_start3A, %dma_start3A_3] : memref<100000x64xf32, #tpu.memory_space<hbm>> -> memref<100000x64xf32, #tpu.memory_space<hbm>>
    tpu.enqueue_indirect_dma source(%dma_start3A_4 : memref<100000x64xf32, #tpu.memory_space<hbm>>) target(%arg11 : memref<512x64xf32, #tpu.memory_space<vmem>>) offsets(%arg9 : memref<512xi32, #tpu.memory_space<vmem>>) semaphore(%arg15 : memref<!tpu.dma_semaphore, #tpu.memory_space<semaphore_mem>>)
    %dma_start3A_5 = arith.constant 0 : i32
    %dma_start3A_6 = tpu.memref_slice %arg5[%dma_start3A_5] : memref<1000000xf32, #tpu.memory_space<hbm>> -> memref<1000000xf32, #tpu.memory_space<hbm>>
    tpu.enqueue_indirect_dma source(%dma_start3A_6 : memref<1000000xf32, #tpu.memory_space<hbm>>) target(%arg12 : memref<512xf32, #tpu.memory_space<vmem>>) offsets(%arg10 : memref<512xi32, #tpu.memory_space<vmem>>) semaphore(%arg15 : memref<!tpu.dma_semaphore, #tpu.memory_space<semaphore_mem>>)
    %dma_start3A_7 = arith.constant 0 : i32
    %dma_start3A_8 = tpu.memref_slice %arg6[%dma_start3A_7] : memref<100000xf32, #tpu.memory_space<hbm>> -> memref<100000xf32, #tpu.memory_space<hbm>>
    tpu.enqueue_indirect_dma source(%dma_start3A_8 : memref<100000xf32, #tpu.memory_space<hbm>>) target(%arg13 : memref<512xf32, #tpu.memory_space<vmem>>) offsets(%arg9 : memref<512xi32, #tpu.memory_space<vmem>>) semaphore(%arg15 : memref<!tpu.dma_semaphore, #tpu.memory_space<semaphore_mem>>)
    %dma_wait3A = arith.constant 0 : i32
    %dma_wait3A_9 = arith.constant 0 : i32
    %dma_wait3A_10 = tpu.memref_slice %arg4[%dma_wait3A, %dma_wait3A_9] : memref<100000x64xf32, #tpu.memory_space<hbm>> -> memref<100000x64xf32, #tpu.memory_space<hbm>>
    tpu.wait_indirect_dma semaphore(%arg15 : memref<!tpu.dma_semaphore, #tpu.memory_space<semaphore_mem>>) src(%dma_wait3A_10 : memref<100000x64xf32, #tpu.memory_space<hbm>>) dst(%arg11 : memref<512x64xf32, #tpu.memory_space<vmem>>)
    %dma_wait3A_11 = arith.constant 0 : i32
    %dma_wait3A_12 = tpu.memref_slice %arg5[%dma_wait3A_11] : memref<1000000xf32, #tpu.memory_space<hbm>> -> memref<1000000xf32, #tpu.memory_space<hbm>>
    tpu.wait_indirect_dma semaphore(%arg15 : memref<!tpu.dma_semaphore, #tpu.memory_space<semaphore_mem>>) src(%dma_wait3A_12 : memref<1000000xf32, #tpu.memory_space<hbm>>) dst(%arg12 : memref<512xf32, #tpu.memory_space<vmem>>)
    %dma_wait3A_13 = arith.constant 0 : i32
    %dma_wait3A_14 = tpu.memref_slice %arg6[%dma_wait3A_13] : memref<100000xf32, #tpu.memory_space<hbm>> -> memref<100000xf32, #tpu.memory_space<hbm>>
    tpu.wait_indirect_dma semaphore(%arg15 : memref<!tpu.dma_semaphore, #tpu.memory_space<semaphore_mem>>) src(%dma_wait3A_14 : memref<100000xf32, #tpu.memory_space<hbm>>) dst(%arg13 : memref<512xf32, #tpu.memory_space<vmem>>)
    %scan3A = arith.constant 0 : i32
    %scan3A_15 = arith.constant 0 : i32
    %scan3A_16 = arith.constant 32 : i32
    %scan3A_17 = arith.addi %scan3A_15, %scan3A_16 : i32
    %scan3A_18 = arith.constant 1 : i32
    scf.for %scan3A_20 = %scan3A_15 to %scan3A_17 step %scan3A_18  : i32 {
      %mul3A_21 = arith.constant 16 : i32
      %mul3A_22 = arith.muli %scan3A_20, %mul3A_21 : i32
      %get3A = arith.index_cast %mul3A_22 : i32 to index
      %get3A_23 = tpu.vector_load %arg12[%get3A] {strides = array<i32>} : memref<512xf32, #tpu.memory_space<vmem>>, vector<16xf32>,
      %get3A_24 = arith.index_cast %mul3A_22 : i32 to index
      %get3A_25 = tpu.vector_load %arg13[%get3A_24] {strides = array<i32>} : memref<512xf32, #tpu.memory_space<vmem>>, vector<16xf32>,
      %add3A_26 = arith.addf %get3A_23, %get3A_25 : vector<16xf32>
      %add3A_27 = arith.constant 7.000000e+00 : f32
      %add3A_28 = vector.broadcast %add3A_27 : f32 to vector<16xf32>
      %add3A_29 = arith.addf %add3A_26, %add3A_28 : vector<16xf32>
      %swap3A = arith.index_cast %mul3A_22 : i32 to index
      %swap3A_30 = tpu.vector_load %arg14[%swap3A] {strides = array<i32>} : memref<512xf32, #tpu.memory_space<vmem>>, vector<16xf32>,
      tpu.vector_store %arg14[%swap3A], %add3A_29 {strides = array<i32>} : memref<512xf32, #tpu.memory_space<vmem>>, vector<16xf32>,
    }
    %scan3A_19 = arith.constant 32 : i32
    "tpu.region"() ({
      %run_scoped3A = tpu.sem_alloc : memref<!tpu.dma_semaphore, #tpu.memory_space<semaphore_mem>>
      %dma_start3A_20 = arith.constant 0 : i32
      %dma_start3A_21 = tpu.memref_slice %arg7[%mul3A_2, %dma_start3A_20] : memref<16384x128xf32, #tpu.memory_space<hbm>> -> memref<512x64xf32, #tpu.memory_space<hbm>>
      %dma_start3A_22 = arith.constant 0 : i32
      %dma_start3A_23 = tpu.memref_slice %arg7[%mul3A_2, %dma_start3A_22] : memref<16384x128xf32, #tpu.memory_space<hbm>> -> memref<512x64xf32, #tpu.memory_space<hbm>>
      tpu.enqueue_dma source(%arg11 : memref<512x64xf32, #tpu.memory_space<vmem>>) target(%dma_start3A_23 : memref<512x64xf32, #tpu.memory_space<hbm>>) target_semaphore(%run_scoped3A : memref<!tpu.dma_semaphore, #tpu.memory_space<semaphore_mem>>)
      %dma_wait3A_24 = arith.constant 0 : i32
      %dma_wait3A_25 = tpu.memref_slice %arg7[%mul3A_2, %dma_wait3A_24] : memref<16384x128xf32, #tpu.memory_space<hbm>> -> memref<512x64xf32, #tpu.memory_space<hbm>>
      %dma_wait3A_26 = arith.constant 0 : i32
      %dma_wait3A_27 = tpu.memref_slice %arg7[%mul3A_2, %dma_wait3A_26] : memref<16384x128xf32, #tpu.memory_space<hbm>> -> memref<512x64xf32, #tpu.memory_space<hbm>>
      tpu.wait_dma2 semaphore(%run_scoped3A : memref<!tpu.dma_semaphore, #tpu.memory_space<semaphore_mem>>) src(%arg11 : memref<512x64xf32, #tpu.memory_space<vmem>>) dst(%dma_wait3A_27 : memref<512x64xf32, #tpu.memory_space<hbm>>)
      tpu.yield
    }) : () -> ()
    "tpu.region"() ({
      %run_scoped3A = tpu.sem_alloc : memref<!tpu.dma_semaphore, #tpu.memory_space<semaphore_mem>>
      %dma_start3A_20 = tpu.memref_slice %arg8[%mul3A_2] : memref<16384xf32, #tpu.memory_space<hbm>> -> memref<512xf32, #tpu.memory_space<hbm>>
      %dma_start3A_21 = tpu.memref_slice %arg8[%mul3A_2] : memref<16384xf32, #tpu.memory_space<hbm>> -> memref<512xf32, #tpu.memory_space<hbm>>
      tpu.enqueue_dma source(%arg14 : memref<512xf32, #tpu.memory_space<vmem>>) target(%dma_start3A_21 : memref<512xf32, #tpu.memory_space<hbm>>) target_semaphore(%run_scoped3A : memref<!tpu.dma_semaphore, #tpu.memory_space<semaphore_mem>>)
      %dma_wait3A_22 = tpu.memref_slice %arg8[%mul3A_2] : memref<16384xf32, #tpu.memory_space<hbm>> -> memref<512xf32, #tpu.memory_space<hbm>>
      %dma_wait3A_23 = tpu.memref_slice %arg8[%mul3A_2] : memref<16384xf32, #tpu.memory_space<hbm>> -> memref<512xf32, #tpu.memory_space<hbm>>
      tpu.wait_dma2 semaphore(%run_scoped3A : memref<!tpu.dma_semaphore, #tpu.memory_space<semaphore_mem>>) src(%arg14 : memref<512xf32, #tpu.memory_space<vmem>>) dst(%dma_wait3A_23 : memref<512xf32, #tpu.memory_space<hbm>>)
      tpu.yield
    }) : () -> ()
    return
  }
}

#map = affine_map<(d0, d1) -> (0)>
module attributes {stable_mosaic.version = 14 : i64} {
  func.func @body(%arg0: i32, %arg1: i32, %arg2: memref<16384xf32, #tpu.memory_space<hbm>>, %arg3: memref<16384xi32, #tpu.memory_space<hbm>>, %arg4: memref<16384xf32, #tpu.memory_space<hbm>>, %arg5: memref<16384xf32, #tpu.memory_space<hbm>>, %arg6: memref<512xi32, #tpu.memory_space<vmem>>, %arg7: memref<512xf32, #tpu.memory_space<vmem>>, %arg8: memref<512xf32, #tpu.memory_space<vmem>>, %arg9: memref<512xf32, #tpu.memory_space<vmem>>, %arg10: memref<!tpu.dma_semaphore, #tpu.memory_space<semaphore_mem>>) attributes {dimension_semantics = [#tpu.dimension_semantics<core_parallel>, #tpu.dimension_semantics<subcore_parallel>], iteration_bounds = array<i64: 2, 16>, scalar_prefetch = 0 : i64, scratch_operands = 5 : i64, tpu.core_type = #tpu.core_type<sc_vector_subcore>, window_params = [{transform_indices = #map}, {transform_indices = #map}, {transform_indices = #map}, {transform_indices = #map}]} {
    %mul3A = arith.constant 2 : i32
    %mul3A_0 = arith.muli %arg1, %mul3A : i32
    %add3A = arith.addi %mul3A_0, %arg0 : i32
    %mul3A_1 = arith.constant 512 : i32
    %mul3A_2 = arith.muli %add3A, %mul3A_1 : i32
    "tpu.region"() ({
      %run_scoped3A = tpu.sem_alloc : memref<!tpu.dma_semaphore, #tpu.memory_space<semaphore_mem>>
      %dma_start3A_10 = tpu.memref_slice %arg3[%mul3A_2] : memref<16384xi32, #tpu.memory_space<hbm>> -> memref<512xi32, #tpu.memory_space<hbm>>
      %dma_start3A_11 = tpu.memref_slice %arg3[%mul3A_2] : memref<16384xi32, #tpu.memory_space<hbm>> -> memref<512xi32, #tpu.memory_space<hbm>>
      tpu.enqueue_dma source(%dma_start3A_11 : memref<512xi32, #tpu.memory_space<hbm>>) target(%arg6 : memref<512xi32, #tpu.memory_space<vmem>>) target_semaphore(%run_scoped3A : memref<!tpu.dma_semaphore, #tpu.memory_space<semaphore_mem>>)
      %dma_wait3A_12 = tpu.memref_slice %arg3[%mul3A_2] : memref<16384xi32, #tpu.memory_space<hbm>> -> memref<512xi32, #tpu.memory_space<hbm>>
      %dma_wait3A_13 = tpu.memref_slice %arg3[%mul3A_2] : memref<16384xi32, #tpu.memory_space<hbm>> -> memref<512xi32, #tpu.memory_space<hbm>>
      tpu.wait_dma2 semaphore(%run_scoped3A : memref<!tpu.dma_semaphore, #tpu.memory_space<semaphore_mem>>) src(%dma_wait3A_13 : memref<512xi32, #tpu.memory_space<hbm>>) dst(%arg6 : memref<512xi32, #tpu.memory_space<vmem>>)
      tpu.yield
    }) : () -> ()
    "tpu.region"() ({
      %run_scoped3A = tpu.sem_alloc : memref<!tpu.dma_semaphore, #tpu.memory_space<semaphore_mem>>
      %dma_start3A_10 = tpu.memref_slice %arg4[%mul3A_2] : memref<16384xf32, #tpu.memory_space<hbm>> -> memref<512xf32, #tpu.memory_space<hbm>>
      %dma_start3A_11 = tpu.memref_slice %arg4[%mul3A_2] : memref<16384xf32, #tpu.memory_space<hbm>> -> memref<512xf32, #tpu.memory_space<hbm>>
      tpu.enqueue_dma source(%dma_start3A_11 : memref<512xf32, #tpu.memory_space<hbm>>) target(%arg8 : memref<512xf32, #tpu.memory_space<vmem>>) target_semaphore(%run_scoped3A : memref<!tpu.dma_semaphore, #tpu.memory_space<semaphore_mem>>)
      %dma_wait3A_12 = tpu.memref_slice %arg4[%mul3A_2] : memref<16384xf32, #tpu.memory_space<hbm>> -> memref<512xf32, #tpu.memory_space<hbm>>
      %dma_wait3A_13 = tpu.memref_slice %arg4[%mul3A_2] : memref<16384xf32, #tpu.memory_space<hbm>> -> memref<512xf32, #tpu.memory_space<hbm>>
      tpu.wait_dma2 semaphore(%run_scoped3A : memref<!tpu.dma_semaphore, #tpu.memory_space<semaphore_mem>>) src(%dma_wait3A_13 : memref<512xf32, #tpu.memory_space<hbm>>) dst(%arg8 : memref<512xf32, #tpu.memory_space<vmem>>)
      tpu.yield
    }) : () -> ()
    %dma_start3A = arith.constant 0 : i32
    %dma_start3A_3 = tpu.memref_slice %arg2[%dma_start3A] : memref<16384xf32, #tpu.memory_space<hbm>> -> memref<16384xf32, #tpu.memory_space<hbm>>
    tpu.enqueue_indirect_dma source(%dma_start3A_3 : memref<16384xf32, #tpu.memory_space<hbm>>) target(%arg7 : memref<512xf32, #tpu.memory_space<vmem>>) offsets(%arg6 : memref<512xi32, #tpu.memory_space<vmem>>) semaphore(%arg10 : memref<!tpu.dma_semaphore, #tpu.memory_space<semaphore_mem>>)
    %dma_wait3A = arith.constant 0 : i32
    %dma_wait3A_4 = tpu.memref_slice %arg2[%dma_wait3A] : memref<16384xf32, #tpu.memory_space<hbm>> -> memref<16384xf32, #tpu.memory_space<hbm>>
    tpu.wait_indirect_dma semaphore(%arg10 : memref<!tpu.dma_semaphore, #tpu.memory_space<semaphore_mem>>) src(%dma_wait3A_4 : memref<16384xf32, #tpu.memory_space<hbm>>) dst(%arg7 : memref<512xf32, #tpu.memory_space<vmem>>)
    %scan3A = arith.constant 0 : i32
    %scan3A_5 = arith.constant 0 : i32
    %scan3A_6 = arith.constant 32 : i32
    %scan3A_7 = arith.addi %scan3A_5, %scan3A_6 : i32
    %scan3A_8 = arith.constant 1 : i32
    scf.for %scan3A_10 = %scan3A_5 to %scan3A_7 step %scan3A_8  : i32 {
      %mul3A_11 = arith.constant 16 : i32
      %mul3A_12 = arith.muli %scan3A_10, %mul3A_11 : i32
      %get3A = arith.index_cast %mul3A_12 : i32 to index
      %get3A_13 = tpu.vector_load %arg7[%get3A] {strides = array<i32>} : memref<512xf32, #tpu.memory_space<vmem>>, vector<16xf32>,
      %get3A_14 = arith.index_cast %mul3A_12 : i32 to index
      %get3A_15 = tpu.vector_load %arg8[%get3A_14] {strides = array<i32>} : memref<512xf32, #tpu.memory_space<vmem>>, vector<16xf32>,
      %add3A_16 = arith.addf %get3A_13, %get3A_15 : vector<16xf32>
      %swap3A = arith.index_cast %mul3A_12 : i32 to index
      %swap3A_17 = tpu.vector_load %arg9[%swap3A] {strides = array<i32>} : memref<512xf32, #tpu.memory_space<vmem>>, vector<16xf32>,
      tpu.vector_store %arg9[%swap3A], %add3A_16 {strides = array<i32>} : memref<512xf32, #tpu.memory_space<vmem>>, vector<16xf32>,
    }
    %scan3A_9 = arith.constant 32 : i32
    "tpu.region"() ({
      %run_scoped3A = tpu.sem_alloc : memref<!tpu.dma_semaphore, #tpu.memory_space<semaphore_mem>>
      %dma_start3A_10 = tpu.memref_slice %arg5[%mul3A_2] : memref<16384xf32, #tpu.memory_space<hbm>> -> memref<512xf32, #tpu.memory_space<hbm>>
      %dma_start3A_11 = tpu.memref_slice %arg5[%mul3A_2] : memref<16384xf32, #tpu.memory_space<hbm>> -> memref<512xf32, #tpu.memory_space<hbm>>
      tpu.enqueue_dma source(%arg9 : memref<512xf32, #tpu.memory_space<vmem>>) target(%dma_start3A_11 : memref<512xf32, #tpu.memory_space<hbm>>) target_semaphore(%run_scoped3A : memref<!tpu.dma_semaphore, #tpu.memory_space<semaphore_mem>>)
      %dma_wait3A_12 = tpu.memref_slice %arg5[%mul3A_2] : memref<16384xf32, #tpu.memory_space<hbm>> -> memref<512xf32, #tpu.memory_space<hbm>>
      %dma_wait3A_13 = tpu.memref_slice %arg5[%mul3A_2] : memref<16384xf32, #tpu.memory_space<hbm>> -> memref<512xf32, #tpu.memory_space<hbm>>
      tpu.wait_dma2 semaphore(%run_scoped3A : memref<!tpu.dma_semaphore, #tpu.memory_space<semaphore_mem>>) src(%arg9 : memref<512xf32, #tpu.memory_space<vmem>>) dst(%dma_wait3A_13 : memref<512xf32, #tpu.memory_space<hbm>>)
      tpu.yield
    }) : () -> ()
    return
  }
}

#map = affine_map<(d0, d1) -> (0)>
#map1 = affine_map<(d0, d1) -> (0, 0)>
module attributes {stable_mosaic.version = 14 : i64} {
  func.func @body(%arg0: i32, %arg1: i32, %arg2: memref<16384xi32, #tpu.memory_space<hbm>>, %arg3: memref<16384xi32, #tpu.memory_space<hbm>>, %arg4: memref<16384xi32, #tpu.memory_space<hbm>>, %arg5: memref<16640xi32, #tpu.memory_space<hbm>>, %arg6: memref<32xi32, #tpu.memory_space<hbm>>, %arg7: memref<64x1000000xf32, #tpu.memory_space<hbm>>, %arg8: memref<16384x128xf32, #tpu.memory_space<hbm>>, %arg9: memref<16384xf32, #tpu.memory_space<hbm>>, %arg10: memref<528xi32, #tpu.memory_space<vmem>>, %arg11: memref<512xi32, #tpu.memory_space<vmem>>, %arg12: memref<528xi32, #tpu.memory_space<vmem>>, %arg13: memref<536xi32, #tpu.memory_space<vmem>>, %arg14: memref<48xi32, #tpu.memory_space<vmem>>, %arg15: memref<512x128xf32, #tpu.memory_space<vmem>>, %arg16: memref<64x128xf32, #tpu.memory_space<vmem>>, %arg17: memref<64x128xf32, #tpu.memory_space<vmem>>, %arg18: memref<64x128xf32, #tpu.memory_space<vmem>>, %arg19: memref<64x128xf32, #tpu.memory_space<vmem>>, %arg20: memref<64x128xf32, #tpu.memory_space<vmem>>, %arg21: memref<64x128xf32, #tpu.memory_space<vmem>>, %arg22: memref<512xf32, #tpu.memory_space<vmem>>, %arg23: memref<!tpu.dma_semaphore, #tpu.memory_space<semaphore_mem>>, %arg24: memref<!tpu.dma_semaphore, #tpu.memory_space<semaphore_mem>>, %arg25: memref<!tpu.dma_semaphore, #tpu.memory_space<semaphore_mem>>, %arg26: memref<!tpu.dma_semaphore, #tpu.memory_space<semaphore_mem>>, %arg27: memref<!tpu.dma_semaphore, #tpu.memory_space<semaphore_mem>>, %arg28: memref<!tpu.dma_semaphore, #tpu.memory_space<semaphore_mem>>, %arg29: memref<!tpu.dma_semaphore, #tpu.memory_space<semaphore_mem>>) attributes {dimension_semantics = [#tpu.dimension_semantics<core_parallel>, #tpu.dimension_semantics<subcore_parallel>], iteration_bounds = array<i64: 2, 16>, scalar_prefetch = 0 : i64, scratch_operands = 20 : i64, tpu.core_type = #tpu.core_type<sc_vector_subcore>, window_params = [{transform_indices = #map}, {transform_indices = #map}, {transform_indices = #map}, {transform_indices = #map}, {transform_indices = #map}, {transform_indices = #map1}, {transform_indices = #map1}, {transform_indices = #map}]} {
    %mul3A = arith.constant 2 : i32
    %mul3A_0 = arith.muli %arg1, %mul3A : i32
    %add3A = arith.addi %mul3A_0, %arg0 : i32
    %mul3A_1 = arith.constant 512 : i32
    %mul3A_2 = arith.muli %add3A, %mul3A_1 : i32
    "tpu.region"() ({
      %run_scoped3A = tpu.sem_alloc : memref<!tpu.dma_semaphore, #tpu.memory_space<semaphore_mem>>
      %dma_start3A_69 = arith.constant 0 : i32
      %dma_start3A_70 = tpu.memref_slice %arg10[%dma_start3A_69] : memref<528xi32, #tpu.memory_space<vmem>> -> memref<512xi32, #tpu.memory_space<vmem>>
      %dma_start3A_71 = tpu.memref_slice %arg2[%mul3A_2] : memref<16384xi32, #tpu.memory_space<hbm>> -> memref<512xi32, #tpu.memory_space<hbm>>
      %dma_start3A_72 = arith.constant 0 : i32
      %dma_start3A_73 = tpu.memref_slice %arg10[%dma_start3A_72] : memref<528xi32, #tpu.memory_space<vmem>> -> memref<512xi32, #tpu.memory_space<vmem>>
      %dma_start3A_74 = tpu.memref_slice %arg2[%mul3A_2] : memref<16384xi32, #tpu.memory_space<hbm>> -> memref<512xi32, #tpu.memory_space<hbm>>
      tpu.enqueue_dma source(%dma_start3A_74 : memref<512xi32, #tpu.memory_space<hbm>>) target(%dma_start3A_73 : memref<512xi32, #tpu.memory_space<vmem>>) target_semaphore(%run_scoped3A : memref<!tpu.dma_semaphore, #tpu.memory_space<semaphore_mem>>)
      %dma_wait3A_75 = arith.constant 0 : i32
      %dma_wait3A_76 = tpu.memref_slice %arg10[%dma_wait3A_75] : memref<528xi32, #tpu.memory_space<vmem>> -> memref<512xi32, #tpu.memory_space<vmem>>
      %dma_wait3A_77 = tpu.memref_slice %arg2[%mul3A_2] : memref<16384xi32, #tpu.memory_space<hbm>> -> memref<512xi32, #tpu.memory_space<hbm>>
      %dma_wait3A_78 = arith.constant 0 : i32
      %dma_wait3A_79 = tpu.memref_slice %arg10[%dma_wait3A_78] : memref<528xi32, #tpu.memory_space<vmem>> -> memref<512xi32, #tpu.memory_space<vmem>>
      %dma_wait3A_80 = tpu.memref_slice %arg2[%mul3A_2] : memref<16384xi32, #tpu.memory_space<hbm>> -> memref<512xi32, #tpu.memory_space<hbm>>
      tpu.wait_dma2 semaphore(%run_scoped3A : memref<!tpu.dma_semaphore, #tpu.memory_space<semaphore_mem>>) src(%dma_wait3A_80 : memref<512xi32, #tpu.memory_space<hbm>>) dst(%dma_wait3A_79 : memref<512xi32, #tpu.memory_space<vmem>>)
      tpu.yield
    }) : () -> ()
    "tpu.region"() ({
      %run_scoped3A = tpu.sem_alloc : memref<!tpu.dma_semaphore, #tpu.memory_space<semaphore_mem>>
      %dma_start3A_69 = tpu.memref_slice %arg3[%mul3A_2] : memref<16384xi32, #tpu.memory_space<hbm>> -> memref<512xi32, #tpu.memory_space<hbm>>
      %dma_start3A_70 = tpu.memref_slice %arg3[%mul3A_2] : memref<16384xi32, #tpu.memory_space<hbm>> -> memref<512xi32, #tpu.memory_space<hbm>>
      tpu.enqueue_dma source(%dma_start3A_70 : memref<512xi32, #tpu.memory_space<hbm>>) target(%arg11 : memref<512xi32, #tpu.memory_space<vmem>>) target_semaphore(%run_scoped3A : memref<!tpu.dma_semaphore, #tpu.memory_space<semaphore_mem>>)
      %dma_wait3A_71 = tpu.memref_slice %arg3[%mul3A_2] : memref<16384xi32, #tpu.memory_space<hbm>> -> memref<512xi32, #tpu.memory_space<hbm>>
      %dma_wait3A_72 = tpu.memref_slice %arg3[%mul3A_2] : memref<16384xi32, #tpu.memory_space<hbm>> -> memref<512xi32, #tpu.memory_space<hbm>>
      tpu.wait_dma2 semaphore(%run_scoped3A : memref<!tpu.dma_semaphore, #tpu.memory_space<semaphore_mem>>) src(%dma_wait3A_72 : memref<512xi32, #tpu.memory_space<hbm>>) dst(%arg11 : memref<512xi32, #tpu.memory_space<vmem>>)
      tpu.yield
    }) : () -> ()
    "tpu.region"() ({
      %run_scoped3A = tpu.sem_alloc : memref<!tpu.dma_semaphore, #tpu.memory_space<semaphore_mem>>
      %dma_start3A_69 = arith.constant 0 : i32
      %dma_start3A_70 = tpu.memref_slice %arg12[%dma_start3A_69] : memref<528xi32, #tpu.memory_space<vmem>> -> memref<512xi32, #tpu.memory_space<vmem>>
      %dma_start3A_71 = tpu.memref_slice %arg4[%mul3A_2] : memref<16384xi32, #tpu.memory_space<hbm>> -> memref<512xi32, #tpu.memory_space<hbm>>
      %dma_start3A_72 = arith.constant 0 : i32
      %dma_start3A_73 = tpu.memref_slice %arg12[%dma_start3A_72] : memref<528xi32, #tpu.memory_space<vmem>> -> memref<512xi32, #tpu.memory_space<vmem>>
      %dma_start3A_74 = tpu.memref_slice %arg4[%mul3A_2] : memref<16384xi32, #tpu.memory_space<hbm>> -> memref<512xi32, #tpu.memory_space<hbm>>
      tpu.enqueue_dma source(%dma_start3A_74 : memref<512xi32, #tpu.memory_space<hbm>>) target(%dma_start3A_73 : memref<512xi32, #tpu.memory_space<vmem>>) target_semaphore(%run_scoped3A : memref<!tpu.dma_semaphore, #tpu.memory_space<semaphore_mem>>)
      %dma_wait3A_75 = arith.constant 0 : i32
      %dma_wait3A_76 = tpu.memref_slice %arg12[%dma_wait3A_75] : memref<528xi32, #tpu.memory_space<vmem>> -> memref<512xi32, #tpu.memory_space<vmem>>
      %dma_wait3A_77 = tpu.memref_slice %arg4[%mul3A_2] : memref<16384xi32, #tpu.memory_space<hbm>> -> memref<512xi32, #tpu.memory_space<hbm>>
      %dma_wait3A_78 = arith.constant 0 : i32
      %dma_wait3A_79 = tpu.memref_slice %arg12[%dma_wait3A_78] : memref<528xi32, #tpu.memory_space<vmem>> -> memref<512xi32, #tpu.memory_space<vmem>>
      %dma_wait3A_80 = tpu.memref_slice %arg4[%mul3A_2] : memref<16384xi32, #tpu.memory_space<hbm>> -> memref<512xi32, #tpu.memory_space<hbm>>
      tpu.wait_dma2 semaphore(%run_scoped3A : memref<!tpu.dma_semaphore, #tpu.memory_space<semaphore_mem>>) src(%dma_wait3A_80 : memref<512xi32, #tpu.memory_space<hbm>>) dst(%dma_wait3A_79 : memref<512xi32, #tpu.memory_space<vmem>>)
      tpu.yield
    }) : () -> ()
    %mul3A_3 = arith.constant 520 : i32
    %mul3A_4 = arith.muli %add3A, %mul3A_3 : i32
    "tpu.region"() ({
      %run_scoped3A = tpu.sem_alloc : memref<!tpu.dma_semaphore, #tpu.memory_space<semaphore_mem>>
      %dma_start3A_69 = arith.constant 0 : i32
      %dma_start3A_70 = tpu.memref_slice %arg13[%dma_start3A_69] : memref<536xi32, #tpu.memory_space<vmem>> -> memref<520xi32, #tpu.memory_space<vmem>>
      %dma_start3A_71 = tpu.memref_slice %arg5[%mul3A_4] : memref<16640xi32, #tpu.memory_space<hbm>> -> memref<520xi32, #tpu.memory_space<hbm>>
      %dma_start3A_72 = arith.constant 0 : i32
      %dma_start3A_73 = tpu.memref_slice %arg13[%dma_start3A_72] : memref<536xi32, #tpu.memory_space<vmem>> -> memref<520xi32, #tpu.memory_space<vmem>>
      %dma_start3A_74 = tpu.memref_slice %arg5[%mul3A_4] : memref<16640xi32, #tpu.memory_space<hbm>> -> memref<520xi32, #tpu.memory_space<hbm>>
      tpu.enqueue_dma source(%dma_start3A_74 : memref<520xi32, #tpu.memory_space<hbm>>) target(%dma_start3A_73 : memref<520xi32, #tpu.memory_space<vmem>>) target_semaphore(%run_scoped3A : memref<!tpu.dma_semaphore, #tpu.memory_space<semaphore_mem>>)
      %dma_wait3A_75 = arith.constant 0 : i32
      %dma_wait3A_76 = tpu.memref_slice %arg13[%dma_wait3A_75] : memref<536xi32, #tpu.memory_space<vmem>> -> memref<520xi32, #tpu.memory_space<vmem>>
      %dma_wait3A_77 = tpu.memref_slice %arg5[%mul3A_4] : memref<16640xi32, #tpu.memory_space<hbm>> -> memref<520xi32, #tpu.memory_space<hbm>>
      %dma_wait3A_78 = arith.constant 0 : i32
      %dma_wait3A_79 = tpu.memref_slice %arg13[%dma_wait3A_78] : memref<536xi32, #tpu.memory_space<vmem>> -> memref<520xi32, #tpu.memory_space<vmem>>
      %dma_wait3A_80 = tpu.memref_slice %arg5[%mul3A_4] : memref<16640xi32, #tpu.memory_space<hbm>> -> memref<520xi32, #tpu.memory_space<hbm>>
      tpu.wait_dma2 semaphore(%run_scoped3A : memref<!tpu.dma_semaphore, #tpu.memory_space<semaphore_mem>>) src(%dma_wait3A_80 : memref<520xi32, #tpu.memory_space<hbm>>) dst(%dma_wait3A_79 : memref<520xi32, #tpu.memory_space<vmem>>)
      tpu.yield
    }) : () -> ()
    "tpu.region"() ({
      %run_scoped3A = tpu.sem_alloc : memref<!tpu.dma_semaphore, #tpu.memory_space<semaphore_mem>>
      %dma_start3A_69 = arith.constant 0 : i32
      %dma_start3A_70 = tpu.memref_slice %arg14[%dma_start3A_69] : memref<48xi32, #tpu.memory_space<vmem>> -> memref<32xi32, #tpu.memory_space<vmem>>
      %dma_start3A_71 = arith.constant 0 : i32
      %dma_start3A_72 = tpu.memref_slice %arg14[%dma_start3A_71] : memref<48xi32, #tpu.memory_space<vmem>> -> memref<32xi32, #tpu.memory_space<vmem>>
      tpu.enqueue_dma source(%arg6 : memref<32xi32, #tpu.memory_space<hbm>>) target(%dma_start3A_72 : memref<32xi32, #tpu.memory_space<vmem>>) target_semaphore(%run_scoped3A : memref<!tpu.dma_semaphore, #tpu.memory_space<semaphore_mem>>)
      %dma_wait3A_73 = arith.constant 0 : i32
      %dma_wait3A_74 = tpu.memref_slice %arg14[%dma_wait3A_73] : memref<48xi32, #tpu.memory_space<vmem>> -> memref<32xi32, #tpu.memory_space<vmem>>
      %dma_wait3A_75 = arith.constant 0 : i32
      %dma_wait3A_76 = tpu.memref_slice %arg14[%dma_wait3A_75] : memref<48xi32, #tpu.memory_space<vmem>> -> memref<32xi32, #tpu.memory_space<vmem>>
      tpu.wait_dma2 semaphore(%run_scoped3A : memref<!tpu.dma_semaphore, #tpu.memory_space<semaphore_mem>>) src(%arg6 : memref<32xi32, #tpu.memory_space<hbm>>) dst(%dma_wait3A_76 : memref<32xi32, #tpu.memory_space<vmem>>)
      tpu.yield
    }) : () -> ()
    %dma_start3A = arith.constant 0 : i32
    %dma_start3A_5 = arith.constant 0 : i32
    %dma_start3A_6 = tpu.memref_slice %arg8[%dma_start3A, %dma_start3A_5] : memref<16384x128xf32, #tpu.memory_space<hbm>> -> memref<16384x128xf32, #tpu.memory_space<hbm>>
    tpu.enqueue_indirect_dma source(%dma_start3A_6 : memref<16384x128xf32, #tpu.memory_space<hbm>>) target(%arg15 : memref<512x128xf32, #tpu.memory_space<vmem>>) offsets(%arg11 : memref<512xi32, #tpu.memory_space<vmem>>) semaphore(%arg23 : memref<!tpu.dma_semaphore, #tpu.memory_space<semaphore_mem>>)
    %get3A = arith.index_cast %add3A : i32 to index
    %get3A_7 = tpu.vector_load %arg14[%get3A] {strides = array<i32>} : memref<48xi32, #tpu.memory_space<vmem>>, vector<16xi32>,
    %slice3A = vector.extract_strided_slice %get3A_7 {offsets = [0], sizes = [1], strides = [1]} : vector<16xi32> to vector<1xi32>
    %squeeze3A = vector.extract %slice3A[0] : i32 from vector<1xi32>
    %gt3A = arith.constant 0 : i32
    %gt3A_8 = arith.cmpi sgt, %squeeze3A, %gt3A : i32
    %convert_element_type3A = arith.extui %gt3A_8 : i1 to i32
    %cond3A = arith.constant 0 : i32
    %cond3A_9 = arith.cmpi ne, %convert_element_type3A, %cond3A : i32
    scf.if %cond3A_9 {
      %get3A_69 = arith.constant 0 : index
      %get3A_70 = tpu.vector_load %arg13[%get3A_69] {strides = array<i32>} : memref<536xi32, #tpu.memory_space<vmem>>, vector<16xi32>,
      %slice3A_71 = vector.extract_strided_slice %get3A_70 {offsets = [0], sizes = [1], strides = [1]} : vector<16xi32> to vector<1xi32>
      %squeeze3A_72 = vector.extract %slice3A_71[0] : i32 from vector<1xi32>
      %get3A_73 = arith.index_cast %squeeze3A_72 : i32 to index
      %get3A_74 = tpu.vector_load %arg12[%get3A_73] {strides = array<i32>} : memref<528xi32, #tpu.memory_space<vmem>>, vector<16xi32>,
      %slice3A_75 = vector.extract_strided_slice %get3A_74 {offsets = [0], sizes = [1], strides = [1]} : vector<16xi32> to vector<1xi32>
      %squeeze3A_76 = vector.extract %slice3A_75[0] : i32 from vector<1xi32>
      %multiple_of3A = tpu.assume_multiple %squeeze3A_76, 128 : i32
      %dma_start3A_77 = arith.constant 0 : i32
      %dma_start3A_78 = tpu.memref_slice %arg7[%dma_start3A_77, %multiple_of3A] : memref<64x1000000xf32, #tpu.memory_space<hbm>> -> memref<64x128xf32, #tpu.memory_space<hbm>>
      %dma_start3A_79 = arith.constant 0 : i32
      %dma_start3A_80 = tpu.memref_slice %arg7[%dma_start3A_79, %multiple_of3A] : memref<64x1000000xf32, #tpu.memory_space<hbm>> -> memref<64x128xf32, #tpu.memory_space<hbm>>
      tpu.enqueue_dma source(%dma_start3A_80 : memref<64x128xf32, #tpu.memory_space<hbm>>) target(%arg16 : memref<64x128xf32, #tpu.memory_space<vmem>>) target_semaphore(%arg24 : memref<!tpu.dma_semaphore, #tpu.memory_space<semaphore_mem>>)
    } else {
    }
    %gt3A_10 = arith.constant 1 : i32
    %gt3A_11 = arith.cmpi sgt, %squeeze3A, %gt3A_10 : i32
    %convert_element_type3A_12 = arith.extui %gt3A_11 : i1 to i32
    %cond3A_13 = arith.constant 0 : i32
    %cond3A_14 = arith.cmpi ne, %convert_element_type3A_12, %cond3A_13 : i32
    scf.if %cond3A_14 {
      %get3A_69 = arith.constant 1 : index
      %get3A_70 = tpu.vector_load %arg13[%get3A_69] {strides = array<i32>} : memref<536xi32, #tpu.memory_space<vmem>>, vector<16xi32>,
      %slice3A_71 = vector.extract_strided_slice %get3A_70 {offsets = [0], sizes = [1], strides = [1]} : vector<16xi32> to vector<1xi32>
      %squeeze3A_72 = vector.extract %slice3A_71[0] : i32 from vector<1xi32>
      %get3A_73 = arith.index_cast %squeeze3A_72 : i32 to index
      %get3A_74 = tpu.vector_load %arg12[%get3A_73] {strides = array<i32>} : memref<528xi32, #tpu.memory_space<vmem>>, vector<16xi32>,
      %slice3A_75 = vector.extract_strided_slice %get3A_74 {offsets = [0], sizes = [1], strides = [1]} : vector<16xi32> to vector<1xi32>
      %squeeze3A_76 = vector.extract %slice3A_75[0] : i32 from vector<1xi32>
      %multiple_of3A = tpu.assume_multiple %squeeze3A_76, 128 : i32
      %dma_start3A_77 = arith.constant 0 : i32
      %dma_start3A_78 = tpu.memref_slice %arg7[%dma_start3A_77, %multiple_of3A] : memref<64x1000000xf32, #tpu.memory_space<hbm>> -> memref<64x128xf32, #tpu.memory_space<hbm>>
      %dma_start3A_79 = arith.constant 0 : i32
      %dma_start3A_80 = tpu.memref_slice %arg7[%dma_start3A_79, %multiple_of3A] : memref<64x1000000xf32, #tpu.memory_space<hbm>> -> memref<64x128xf32, #tpu.memory_space<hbm>>
      tpu.enqueue_dma source(%dma_start3A_80 : memref<64x128xf32, #tpu.memory_space<hbm>>) target(%arg17 : memref<64x128xf32, #tpu.memory_space<vmem>>) target_semaphore(%arg25 : memref<!tpu.dma_semaphore, #tpu.memory_space<semaphore_mem>>)
    } else {
    }
    %gt3A_15 = arith.constant 2 : i32
    %gt3A_16 = arith.cmpi sgt, %squeeze3A, %gt3A_15 : i32
    %convert_element_type3A_17 = arith.extui %gt3A_16 : i1 to i32
    %cond3A_18 = arith.constant 0 : i32
    %cond3A_19 = arith.cmpi ne, %convert_element_type3A_17, %cond3A_18 : i32
    scf.if %cond3A_19 {
      %get3A_69 = arith.constant 2 : index
      %get3A_70 = tpu.vector_load %arg13[%get3A_69] {strides = array<i32>} : memref<536xi32, #tpu.memory_space<vmem>>, vector<16xi32>,
      %slice3A_71 = vector.extract_strided_slice %get3A_70 {offsets = [0], sizes = [1], strides = [1]} : vector<16xi32> to vector<1xi32>
      %squeeze3A_72 = vector.extract %slice3A_71[0] : i32 from vector<1xi32>
      %get3A_73 = arith.index_cast %squeeze3A_72 : i32 to index
      %get3A_74 = tpu.vector_load %arg12[%get3A_73] {strides = array<i32>} : memref<528xi32, #tpu.memory_space<vmem>>, vector<16xi32>,
      %slice3A_75 = vector.extract_strided_slice %get3A_74 {offsets = [0], sizes = [1], strides = [1]} : vector<16xi32> to vector<1xi32>
      %squeeze3A_76 = vector.extract %slice3A_75[0] : i32 from vector<1xi32>
      %multiple_of3A = tpu.assume_multiple %squeeze3A_76, 128 : i32
      %dma_start3A_77 = arith.constant 0 : i32
      %dma_start3A_78 = tpu.memref_slice %arg7[%dma_start3A_77, %multiple_of3A] : memref<64x1000000xf32, #tpu.memory_space<hbm>> -> memref<64x128xf32, #tpu.memory_space<hbm>>
      %dma_start3A_79 = arith.constant 0 : i32
      %dma_start3A_80 = tpu.memref_slice %arg7[%dma_start3A_79, %multiple_of3A] : memref<64x1000000xf32, #tpu.memory_space<hbm>> -> memref<64x128xf32, #tpu.memory_space<hbm>>
      tpu.enqueue_dma source(%dma_start3A_80 : memref<64x128xf32, #tpu.memory_space<hbm>>) target(%arg18 : memref<64x128xf32, #tpu.memory_space<vmem>>) target_semaphore(%arg26 : memref<!tpu.dma_semaphore, #tpu.memory_space<semaphore_mem>>)
    } else {
    }
    %gt3A_20 = arith.constant 3 : i32
    %gt3A_21 = arith.cmpi sgt, %squeeze3A, %gt3A_20 : i32
    %convert_element_type3A_22 = arith.extui %gt3A_21 : i1 to i32
    %cond3A_23 = arith.constant 0 : i32
    %cond3A_24 = arith.cmpi ne, %convert_element_type3A_22, %cond3A_23 : i32
    scf.if %cond3A_24 {
      %get3A_69 = arith.constant 3 : index
      %get3A_70 = tpu.vector_load %arg13[%get3A_69] {strides = array<i32>} : memref<536xi32, #tpu.memory_space<vmem>>, vector<16xi32>,
      %slice3A_71 = vector.extract_strided_slice %get3A_70 {offsets = [0], sizes = [1], strides = [1]} : vector<16xi32> to vector<1xi32>
      %squeeze3A_72 = vector.extract %slice3A_71[0] : i32 from vector<1xi32>
      %get3A_73 = arith.index_cast %squeeze3A_72 : i32 to index
      %get3A_74 = tpu.vector_load %arg12[%get3A_73] {strides = array<i32>} : memref<528xi32, #tpu.memory_space<vmem>>, vector<16xi32>,
      %slice3A_75 = vector.extract_strided_slice %get3A_74 {offsets = [0], sizes = [1], strides = [1]} : vector<16xi32> to vector<1xi32>
      %squeeze3A_76 = vector.extract %slice3A_75[0] : i32 from vector<1xi32>
      %multiple_of3A = tpu.assume_multiple %squeeze3A_76, 128 : i32
      %dma_start3A_77 = arith.constant 0 : i32
      %dma_start3A_78 = tpu.memref_slice %arg7[%dma_start3A_77, %multiple_of3A] : memref<64x1000000xf32, #tpu.memory_space<hbm>> -> memref<64x128xf32, #tpu.memory_space<hbm>>
      %dma_start3A_79 = arith.constant 0 : i32
      %dma_start3A_80 = tpu.memref_slice %arg7[%dma_start3A_79, %multiple_of3A] : memref<64x1000000xf32, #tpu.memory_space<hbm>> -> memref<64x128xf32, #tpu.memory_space<hbm>>
      tpu.enqueue_dma source(%dma_start3A_80 : memref<64x128xf32, #tpu.memory_space<hbm>>) target(%arg19 : memref<64x128xf32, #tpu.memory_space<vmem>>) target_semaphore(%arg27 : memref<!tpu.dma_semaphore, #tpu.memory_space<semaphore_mem>>)
    } else {
    }
    %gt3A_25 = arith.constant 4 : i32
    %gt3A_26 = arith.cmpi sgt, %squeeze3A, %gt3A_25 : i32
    %convert_element_type3A_27 = arith.extui %gt3A_26 : i1 to i32
    %cond3A_28 = arith.constant 0 : i32
    %cond3A_29 = arith.cmpi ne, %convert_element_type3A_27, %cond3A_28 : i32
    scf.if %cond3A_29 {
      %get3A_69 = arith.constant 4 : index
      %get3A_70 = tpu.vector_load %arg13[%get3A_69] {strides = array<i32>} : memref<536xi32, #tpu.memory_space<vmem>>, vector<16xi32>,
      %slice3A_71 = vector.extract_strided_slice %get3A_70 {offsets = [0], sizes = [1], strides = [1]} : vector<16xi32> to vector<1xi32>
      %squeeze3A_72 = vector.extract %slice3A_71[0] : i32 from vector<1xi32>
      %get3A_73 = arith.index_cast %squeeze3A_72 : i32 to index
      %get3A_74 = tpu.vector_load %arg12[%get3A_73] {strides = array<i32>} : memref<528xi32, #tpu.memory_space<vmem>>, vector<16xi32>,
      %slice3A_75 = vector.extract_strided_slice %get3A_74 {offsets = [0], sizes = [1], strides = [1]} : vector<16xi32> to vector<1xi32>
      %squeeze3A_76 = vector.extract %slice3A_75[0] : i32 from vector<1xi32>
      %multiple_of3A = tpu.assume_multiple %squeeze3A_76, 128 : i32
      %dma_start3A_77 = arith.constant 0 : i32
      %dma_start3A_78 = tpu.memref_slice %arg7[%dma_start3A_77, %multiple_of3A] : memref<64x1000000xf32, #tpu.memory_space<hbm>> -> memref<64x128xf32, #tpu.memory_space<hbm>>
      %dma_start3A_79 = arith.constant 0 : i32
      %dma_start3A_80 = tpu.memref_slice %arg7[%dma_start3A_79, %multiple_of3A] : memref<64x1000000xf32, #tpu.memory_space<hbm>> -> memref<64x128xf32, #tpu.memory_space<hbm>>
      tpu.enqueue_dma source(%dma_start3A_80 : memref<64x128xf32, #tpu.memory_space<hbm>>) target(%arg20 : memref<64x128xf32, #tpu.memory_space<vmem>>) target_semaphore(%arg28 : memref<!tpu.dma_semaphore, #tpu.memory_space<semaphore_mem>>)
    } else {
    }
    %gt3A_30 = arith.constant 5 : i32
    %gt3A_31 = arith.cmpi sgt, %squeeze3A, %gt3A_30 : i32
    %convert_element_type3A_32 = arith.extui %gt3A_31 : i1 to i32
    %cond3A_33 = arith.constant 0 : i32
    %cond3A_34 = arith.cmpi ne, %convert_element_type3A_32, %cond3A_33 : i32
    scf.if %cond3A_34 {
      %get3A_69 = arith.constant 5 : index
      %get3A_70 = tpu.vector_load %arg13[%get3A_69] {strides = array<i32>} : memref<536xi32, #tpu.memory_space<vmem>>, vector<16xi32>,
      %slice3A_71 = vector.extract_strided_slice %get3A_70 {offsets = [0], sizes = [1], strides = [1]} : vector<16xi32> to vector<1xi32>
      %squeeze3A_72 = vector.extract %slice3A_71[0] : i32 from vector<1xi32>
      %get3A_73 = arith.index_cast %squeeze3A_72 : i32 to index
      %get3A_74 = tpu.vector_load %arg12[%get3A_73] {strides = array<i32>} : memref<528xi32, #tpu.memory_space<vmem>>, vector<16xi32>,
      %slice3A_75 = vector.extract_strided_slice %get3A_74 {offsets = [0], sizes = [1], strides = [1]} : vector<16xi32> to vector<1xi32>
      %squeeze3A_76 = vector.extract %slice3A_75[0] : i32 from vector<1xi32>
      %multiple_of3A = tpu.assume_multiple %squeeze3A_76, 128 : i32
      %dma_start3A_77 = arith.constant 0 : i32
      %dma_start3A_78 = tpu.memref_slice %arg7[%dma_start3A_77, %multiple_of3A] : memref<64x1000000xf32, #tpu.memory_space<hbm>> -> memref<64x128xf32, #tpu.memory_space<hbm>>
      %dma_start3A_79 = arith.constant 0 : i32
      %dma_start3A_80 = tpu.memref_slice %arg7[%dma_start3A_79, %multiple_of3A] : memref<64x1000000xf32, #tpu.memory_space<hbm>> -> memref<64x128xf32, #tpu.memory_space<hbm>>
      tpu.enqueue_dma source(%dma_start3A_80 : memref<64x128xf32, #tpu.memory_space<hbm>>) target(%arg21 : memref<64x128xf32, #tpu.memory_space<vmem>>) target_semaphore(%arg29 : memref<!tpu.dma_semaphore, #tpu.memory_space<semaphore_mem>>)
    } else {
    }
    %dma_wait3A = arith.constant 0 : i32
    %dma_wait3A_35 = arith.constant 0 : i32
    %dma_wait3A_36 = tpu.memref_slice %arg8[%dma_wait3A, %dma_wait3A_35] : memref<16384x128xf32, #tpu.memory_space<hbm>> -> memref<16384x128xf32, #tpu.memory_space<hbm>>
    tpu.wait_indirect_dma semaphore(%arg23 : memref<!tpu.dma_semaphore, #tpu.memory_space<semaphore_mem>>) src(%dma_wait3A_36 : memref<16384x128xf32, #tpu.memory_space<hbm>>) dst(%arg15 : memref<512x128xf32, #tpu.memory_space<vmem>>)
    %iota3A = tpu.iota {dimensions = array<i32: 0>} : vector<16xi32>
    %add3A_37 = arith.constant 0 : i32
    %add3A_38 = vector.broadcast %add3A_37 : i32 to vector<16xi32>
    %add3A_39 = arith.addi %add3A_38, %iota3A : vector<16xi32>
    %iota3A_40 = tpu.iota {dimensions = array<i32: 0>} : vector<16xi32>
    %add3A_41 = arith.constant 16 : i32
    %add3A_42 = vector.broadcast %add3A_41 : i32 to vector<16xi32>
    %add3A_43 = arith.addi %add3A_42, %iota3A_40 : vector<16xi32>
    %iota3A_44 = tpu.iota {dimensions = array<i32: 0>} : vector<16xi32>
    %add3A_45 = arith.constant 32 : i32
    %add3A_46 = vector.broadcast %add3A_45 : i32 to vector<16xi32>
    %add3A_47 = arith.addi %add3A_46, %iota3A_44 : vector<16xi32>
    %iota3A_48 = tpu.iota {dimensions = array<i32: 0>} : vector<16xi32>
    %add3A_49 = arith.constant 48 : i32
    %add3A_50 = vector.broadcast %add3A_49 : i32 to vector<16xi32>
    %add3A_51 = arith.addi %add3A_50, %iota3A_48 : vector<16xi32>
    %iota3A_52 = tpu.iota {dimensions = array<i32: 0>} : vector<16xi32>
    %eq3A = arith.constant 15 : i32
    %eq3A_53 = vector.broadcast %eq3A : i32 to vector<16xi32>
    %eq3A_54 = arith.cmpi eq, %iota3A_52, %eq3A_53 : vector<16xi32>
    %while3A = arith.constant 0 : i32
    %while3A_55 = arith.constant 0 : i32
    %while3A_56 = arith.subi %squeeze3A, %while3A_55 : i32
    %while3A_57 = arith.addi %while3A_55, %while3A_56 : i32
    %while3A_58 = arith.constant 1 : i32
    %while3A_59 = arith.divsi %while3A_56, %while3A_58 : i32
    %while3A_60 = arith.muli %while3A_59, %while3A_58 : i32
    %while3A_61 = arith.addi %while3A_55, %while3A_60 : i32
    %while3A_62 = arith.constant 1 : i32
    scf.for %while3A_69 = %while3A_55 to %while3A_61 step %while3A_62  : i32 {
      %rem3A = arith.constant 6 : i32
      %rem3A_70 = arith.remsi %while3A_69, %rem3A : i32
      %eq3A_71 = arith.constant 0 : i32
      %eq3A_72 = arith.cmpi eq, %rem3A_70, %eq3A_71 : i32
      %convert_element_type3A_73 = arith.extui %eq3A_72 : i1 to i32
      %cond3A_74 = arith.constant 0 : i32
      %cond3A_75 = arith.cmpi ne, %convert_element_type3A_73, %cond3A_74 : i32
      scf.if %cond3A_75 {
        %dma_wait3A_101 = arith.constant 0 : i32
        %dma_wait3A_102 = arith.constant 0 : i32
        %dma_wait3A_103 = tpu.memref_slice %arg7[%dma_wait3A_101, %dma_wait3A_102] : memref<64x1000000xf32, #tpu.memory_space<hbm>> -> memref<64x128xf32, #tpu.memory_space<hbm>>
        %dma_wait3A_104 = arith.constant 0 : i32
        %dma_wait3A_105 = arith.constant 0 : i32
        %dma_wait3A_106 = tpu.memref_slice %arg7[%dma_wait3A_104, %dma_wait3A_105] : memref<64x1000000xf32, #tpu.memory_space<hbm>> -> memref<64x128xf32, #tpu.memory_space<hbm>>
        tpu.wait_dma2 semaphore(%arg24 : memref<!tpu.dma_semaphore, #tpu.memory_space<semaphore_mem>>) src(%dma_wait3A_106 : memref<64x128xf32, #tpu.memory_space<hbm>>) dst(%arg16 : memref<64x128xf32, #tpu.memory_space<vmem>>)
        %get3A_107 = arith.index_cast %while3A_69 : i32 to index
        %get3A_108 = tpu.vector_load %arg13[%get3A_107] {strides = array<i32>} : memref<536xi32, #tpu.memory_space<vmem>>, vector<16xi32>,
        %slice3A_109 = vector.extract_strided_slice %get3A_108 {offsets = [0], sizes = [1], strides = [1]} : vector<16xi32> to vector<1xi32>
        %squeeze3A_110 = vector.extract %slice3A_109[0] : i32 from vector<1xi32>
        %add3A_111 = arith.constant 1 : i32
        %add3A_112 = arith.addi %while3A_69, %add3A_111 : i32
        %get3A_113 = arith.index_cast %add3A_112 : i32 to index
        %get3A_114 = tpu.vector_load %arg13[%get3A_113] {strides = array<i32>} : memref<536xi32, #tpu.memory_space<vmem>>, vector<16xi32>,
        %slice3A_115 = vector.extract_strided_slice %get3A_114 {offsets = [0], sizes = [1], strides = [1]} : vector<16xi32> to vector<1xi32>
        %squeeze3A_116 = vector.extract %slice3A_115[0] : i32 from vector<1xi32>
        %min3A = arith.constant 512 : i32
        %min3A_117 = arith.minsi %squeeze3A_116, %min3A : i32
        %get3A_118 = arith.index_cast %squeeze3A_110 : i32 to index
        %get3A_119 = tpu.vector_load %arg12[%get3A_118] {strides = array<i32>} : memref<528xi32, #tpu.memory_space<vmem>>, vector<16xi32>,
        %slice3A_120 = vector.extract_strided_slice %get3A_119 {offsets = [0], sizes = [1], strides = [1]} : vector<16xi32> to vector<1xi32>
        %squeeze3A_121 = vector.extract %slice3A_120[0] : i32 from vector<1xi32>
        %while3A_122 = arith.constant 0 : i32
        %while3A_123 = arith.subi %min3A_117, %squeeze3A_110 : i32
        %while3A_124 = arith.addi %squeeze3A_110, %while3A_123 : i32
        %while3A_125 = arith.constant 1 : i32
        %while3A_126 = arith.divsi %while3A_123, %while3A_125 : i32
        %while3A_127 = arith.muli %while3A_126, %while3A_125 : i32
        %while3A_128 = arith.addi %squeeze3A_110, %while3A_127 : i32
        %while3A_129 = arith.constant 1 : i32
        scf.for %while3A_136 = %squeeze3A_110 to %while3A_128 step %while3A_129  : i32 {
          %get3A_137 = arith.index_cast %while3A_136 : i32 to index
          %get3A_138 = tpu.vector_load %arg10[%get3A_137] {strides = array<i32>} : memref<528xi32, #tpu.memory_space<vmem>>, vector<16xi32>,
          %slice3A_139 = vector.extract_strided_slice %get3A_138 {offsets = [0], sizes = [1], strides = [1]} : vector<16xi32> to vector<1xi32>
          %squeeze3A_140 = vector.extract %slice3A_139[0] : i32 from vector<1xi32>
          %sub3A = arith.subi %squeeze3A_140, %squeeze3A_121 : i32
          %broadcast_in_dim3A = vector.broadcast %sub3A : i32 to vector<16xi32>
          %broadcast_in_dim3A_141 = arith.constant 0.000000e+00 : f32
          %broadcast_in_dim3A_142 = vector.broadcast %broadcast_in_dim3A_141 : f32 to vector<16xf32>
          %gather3A = tpu.vector_load_idx %arg16[%add3A_39, %broadcast_in_dim3A] : memref<64x128xf32, #tpu.memory_space<vmem>>[vector<16xi32>, vector<16xi32>], vector<16xf32>,
          %get3A_143 = arith.index_cast %while3A_136 : i32 to index
          %get3A_144 = arith.constant 0 : index
          %get3A_145 = tpu.vector_load %arg15[%get3A_143, %get3A_144] {strides = array<i32>} : memref<512x128xf32, #tpu.memory_space<vmem>>, vector<16xf32>,
          %mul3A_146 = arith.mulf %gather3A, %get3A_145 : vector<16xf32>
          %add3A_147 = arith.addf %broadcast_in_dim3A_142, %mul3A_146 : vector<16xf32>
          %gather3A_148 = tpu.vector_load_idx %arg16[%add3A_43, %broadcast_in_dim3A] : memref<64x128xf32, #tpu.memory_space<vmem>>[vector<16xi32>, vector<16xi32>], vector<16xf32>,
          %get3A_149 = arith.index_cast %while3A_136 : i32 to index
          %get3A_150 = arith.constant 16 : index
          %get3A_151 = tpu.vector_load %arg15[%get3A_149, %get3A_150] {strides = array<i32>} : memref<512x128xf32, #tpu.memory_space<vmem>>, vector<16xf32>,
          %mul3A_152 = arith.mulf %gather3A_148, %get3A_151 : vector<16xf32>
          %add3A_153 = arith.addf %add3A_147, %mul3A_152 : vector<16xf32>
          %gather3A_154 = tpu.vector_load_idx %arg16[%add3A_47, %broadcast_in_dim3A] : memref<64x128xf32, #tpu.memory_space<vmem>>[vector<16xi32>, vector<16xi32>], vector<16xf32>,
          %get3A_155 = arith.index_cast %while3A_136 : i32 to index
          %get3A_156 = arith.constant 32 : index
          %get3A_157 = tpu.vector_load %arg15[%get3A_155, %get3A_156] {strides = array<i32>} : memref<512x128xf32, #tpu.memory_space<vmem>>, vector<16xf32>,
          %mul3A_158 = arith.mulf %gather3A_154, %get3A_157 : vector<16xf32>
          %add3A_159 = arith.addf %add3A_153, %mul3A_158 : vector<16xf32>
          %gather3A_160 = tpu.vector_load_idx %arg16[%add3A_51, %broadcast_in_dim3A] : memref<64x128xf32, #tpu.memory_space<vmem>>[vector<16xi32>, vector<16xi32>], vector<16xf32>,
          %get3A_161 = arith.index_cast %while3A_136 : i32 to index
          %get3A_162 = arith.constant 48 : index
          %get3A_163 = tpu.vector_load %arg15[%get3A_161, %get3A_162] {strides = array<i32>} : memref<512x128xf32, #tpu.memory_space<vmem>>, vector<16xf32>,
          %mul3A_164 = arith.mulf %gather3A_160, %get3A_163 : vector<16xf32>
          %add3A_165 = arith.addf %add3A_159, %mul3A_164 : vector<16xf32>
          %broadcast_in_dim3A_166 = arith.constant true
          %broadcast_in_dim3A_167 = vector.broadcast %broadcast_in_dim3A_166 : i1 to vector<16xi1>
          %masked_cumsum3A = tpu.scan <sum>, %add3A_165 masked %broadcast_in_dim3A_167 : vector<16xf32>, vector<16xi1> -> vector<16xf32>
          %broadcast_in_dim3A_168 = vector.broadcast %while3A_136 : i32 to vector<16xi32>
          tpu.vector_store_idx %arg22[%broadcast_in_dim3A_168], %masked_cumsum3A masked %eq3A_54 : memref<512xf32, #tpu.memory_space<vmem>>[vector<16xi32>], vector<16xf32>, vector<16xi1>
        }
        %while3A_130 = arith.constant 1 : i32
        scf.for %while3A_136 = %while3A_128 to %while3A_124 step %while3A_130  : i32 {
          %get3A_137 = arith.index_cast %while3A_136 : i32 to index
          %get3A_138 = tpu.vector_load %arg10[%get3A_137] {strides = array<i32>} : memref<528xi32, #tpu.memory_space<vmem>>, vector<16xi32>,
          %slice3A_139 = vector.extract_strided_slice %get3A_138 {offsets = [0], sizes = [1], strides = [1]} : vector<16xi32> to vector<1xi32>
          %squeeze3A_140 = vector.extract %slice3A_139[0] : i32 from vector<1xi32>
          %sub3A = arith.subi %squeeze3A_140, %squeeze3A_121 : i32
          %broadcast_in_dim3A = vector.broadcast %sub3A : i32 to vector<16xi32>
          %broadcast_in_dim3A_141 = arith.constant 0.000000e+00 : f32
          %broadcast_in_dim3A_142 = vector.broadcast %broadcast_in_dim3A_141 : f32 to vector<16xf32>
          %gather3A = tpu.vector_load_idx %arg16[%add3A_39, %broadcast_in_dim3A] : memref<64x128xf32, #tpu.memory_space<vmem>>[vector<16xi32>, vector<16xi32>], vector<16xf32>,
          %get3A_143 = arith.index_cast %while3A_136 : i32 to index
          %get3A_144 = arith.constant 0 : index
          %get3A_145 = tpu.vector_load %arg15[%get3A_143, %get3A_144] {strides = array<i32>} : memref<512x128xf32, #tpu.memory_space<vmem>>, vector<16xf32>,
          %mul3A_146 = arith.mulf %gather3A, %get3A_145 : vector<16xf32>
          %add3A_147 = arith.addf %broadcast_in_dim3A_142, %mul3A_146 : vector<16xf32>
          %gather3A_148 = tpu.vector_load_idx %arg16[%add3A_43, %broadcast_in_dim3A] : memref<64x128xf32, #tpu.memory_space<vmem>>[vector<16xi32>, vector<16xi32>], vector<16xf32>,
          %get3A_149 = arith.index_cast %while3A_136 : i32 to index
          %get3A_150 = arith.constant 16 : index
          %get3A_151 = tpu.vector_load %arg15[%get3A_149, %get3A_150] {strides = array<i32>} : memref<512x128xf32, #tpu.memory_space<vmem>>, vector<16xf32>,
          %mul3A_152 = arith.mulf %gather3A_148, %get3A_151 : vector<16xf32>
          %add3A_153 = arith.addf %add3A_147, %mul3A_152 : vector<16xf32>
          %gather3A_154 = tpu.vector_load_idx %arg16[%add3A_47, %broadcast_in_dim3A] : memref<64x128xf32, #tpu.memory_space<vmem>>[vector<16xi32>, vector<16xi32>], vector<16xf32>,
          %get3A_155 = arith.index_cast %while3A_136 : i32 to index
          %get3A_156 = arith.constant 32 : index
          %get3A_157 = tpu.vector_load %arg15[%get3A_155, %get3A_156] {strides = array<i32>} : memref<512x128xf32, #tpu.memory_space<vmem>>, vector<16xf32>,
          %mul3A_158 = arith.mulf %gather3A_154, %get3A_157 : vector<16xf32>
          %add3A_159 = arith.addf %add3A_153, %mul3A_158 : vector<16xf32>
          %gather3A_160 = tpu.vector_load_idx %arg16[%add3A_51, %broadcast_in_dim3A] : memref<64x128xf32, #tpu.memory_space<vmem>>[vector<16xi32>, vector<16xi32>], vector<16xf32>,
          %get3A_161 = arith.index_cast %while3A_136 : i32 to index
          %get3A_162 = arith.constant 48 : index
          %get3A_163 = tpu.vector_load %arg15[%get3A_161, %get3A_162] {strides = array<i32>} : memref<512x128xf32, #tpu.memory_space<vmem>>, vector<16xf32>,
          %mul3A_164 = arith.mulf %gather3A_160, %get3A_163 : vector<16xf32>
          %add3A_165 = arith.addf %add3A_159, %mul3A_164 : vector<16xf32>
          %broadcast_in_dim3A_166 = arith.constant true
          %broadcast_in_dim3A_167 = vector.broadcast %broadcast_in_dim3A_166 : i1 to vector<16xi1>
          %masked_cumsum3A = tpu.scan <sum>, %add3A_165 masked %broadcast_in_dim3A_167 : vector<16xf32>, vector<16xi1> -> vector<16xf32>
          %broadcast_in_dim3A_168 = vector.broadcast %while3A_136 : i32 to vector<16xi32>
          tpu.vector_store_idx %arg22[%broadcast_in_dim3A_168], %masked_cumsum3A masked %eq3A_54 : memref<512xf32, #tpu.memory_space<vmem>>[vector<16xi32>], vector<16xf32>, vector<16xi1>
        }
        %add3A_131 = arith.constant 6 : i32
        %add3A_132 = arith.addi %while3A_69, %add3A_131 : i32
        %lt3A = arith.cmpi slt, %add3A_132, %squeeze3A : i32
        %convert_element_type3A_133 = arith.extui %lt3A : i1 to i32
        %cond3A_134 = arith.constant 0 : i32
        %cond3A_135 = arith.cmpi ne, %convert_element_type3A_133, %cond3A_134 : i32
        scf.if %cond3A_135 {
          %get3A_136 = arith.index_cast %add3A_132 : i32 to index
          %get3A_137 = tpu.vector_load %arg13[%get3A_136] {strides = array<i32>} : memref<536xi32, #tpu.memory_space<vmem>>, vector<16xi32>,
          %slice3A_138 = vector.extract_strided_slice %get3A_137 {offsets = [0], sizes = [1], strides = [1]} : vector<16xi32> to vector<1xi32>
          %squeeze3A_139 = vector.extract %slice3A_138[0] : i32 from vector<1xi32>
          %get3A_140 = arith.index_cast %squeeze3A_139 : i32 to index
          %get3A_141 = tpu.vector_load %arg12[%get3A_140] {strides = array<i32>} : memref<528xi32, #tpu.memory_space<vmem>>, vector<16xi32>,
          %slice3A_142 = vector.extract_strided_slice %get3A_141 {offsets = [0], sizes = [1], strides = [1]} : vector<16xi32> to vector<1xi32>
          %squeeze3A_143 = vector.extract %slice3A_142[0] : i32 from vector<1xi32>
          %multiple_of3A = tpu.assume_multiple %squeeze3A_143, 128 : i32
          %dma_start3A_144 = arith.constant 0 : i32
          %dma_start3A_145 = tpu.memref_slice %arg7[%dma_start3A_144, %multiple_of3A] : memref<64x1000000xf32, #tpu.memory_space<hbm>> -> memref<64x128xf32, #tpu.memory_space<hbm>>
          %dma_start3A_146 = arith.constant 0 : i32
          %dma_start3A_147 = tpu.memref_slice %arg7[%dma_start3A_146, %multiple_of3A] : memref<64x1000000xf32, #tpu.memory_space<hbm>> -> memref<64x128xf32, #tpu.memory_space<hbm>>
          tpu.enqueue_dma source(%dma_start3A_147 : memref<64x128xf32, #tpu.memory_space<hbm>>) target(%arg16 : memref<64x128xf32, #tpu.memory_space<vmem>>) target_semaphore(%arg24 : memref<!tpu.dma_semaphore, #tpu.memory_space<semaphore_mem>>)
        } else {
        }
      } else {
      }
      %eq3A_76 = arith.constant 1 : i32
      %eq3A_77 = arith.cmpi eq, %rem3A_70, %eq3A_76 : i32
      %convert_element_type3A_78 = arith.extui %eq3A_77 : i1 to i32
      %cond3A_79 = arith.constant 0 : i32
      %cond3A_80 = arith.cmpi ne, %convert_element_type3A_78, %cond3A_79 : i32
      scf.if %cond3A_80 {
        %dma_wait3A_101 = arith.constant 0 : i32
        %dma_wait3A_102 = arith.constant 0 : i32
        %dma_wait3A_103 = tpu.memref_slice %arg7[%dma_wait3A_101, %dma_wait3A_102] : memref<64x1000000xf32, #tpu.memory_space<hbm>> -> memref<64x128xf32, #tpu.memory_space<hbm>>
        %dma_wait3A_104 = arith.constant 0 : i32
        %dma_wait3A_105 = arith.constant 0 : i32
        %dma_wait3A_106 = tpu.memref_slice %arg7[%dma_wait3A_104, %dma_wait3A_105] : memref<64x1000000xf32, #tpu.memory_space<hbm>> -> memref<64x128xf32, #tpu.memory_space<hbm>>
        tpu.wait_dma2 semaphore(%arg25 : memref<!tpu.dma_semaphore, #tpu.memory_space<semaphore_mem>>) src(%dma_wait3A_106 : memref<64x128xf32, #tpu.memory_space<hbm>>) dst(%arg17 : memref<64x128xf32, #tpu.memory_space<vmem>>)
        %get3A_107 = arith.index_cast %while3A_69 : i32 to index
        %get3A_108 = tpu.vector_load %arg13[%get3A_107] {strides = array<i32>} : memref<536xi32, #tpu.memory_space<vmem>>, vector<16xi32>,
        %slice3A_109 = vector.extract_strided_slice %get3A_108 {offsets = [0], sizes = [1], strides = [1]} : vector<16xi32> to vector<1xi32>
        %squeeze3A_110 = vector.extract %slice3A_109[0] : i32 from vector<1xi32>
        %add3A_111 = arith.constant 1 : i32
        %add3A_112 = arith.addi %while3A_69, %add3A_111 : i32
        %get3A_113 = arith.index_cast %add3A_112 : i32 to index
        %get3A_114 = tpu.vector_load %arg13[%get3A_113] {strides = array<i32>} : memref<536xi32, #tpu.memory_space<vmem>>, vector<16xi32>,
        %slice3A_115 = vector.extract_strided_slice %get3A_114 {offsets = [0], sizes = [1], strides = [1]} : vector<16xi32> to vector<1xi32>
        %squeeze3A_116 = vector.extract %slice3A_115[0] : i32 from vector<1xi32>
        %min3A = arith.constant 512 : i32
        %min3A_117 = arith.minsi %squeeze3A_116, %min3A : i32
        %get3A_118 = arith.index_cast %squeeze3A_110 : i32 to index
        %get3A_119 = tpu.vector_load %arg12[%get3A_118] {strides = array<i32>} : memref<528xi32, #tpu.memory_space<vmem>>, vector<16xi32>,
        %slice3A_120 = vector.extract_strided_slice %get3A_119 {offsets = [0], sizes = [1], strides = [1]} : vector<16xi32> to vector<1xi32>
        %squeeze3A_121 = vector.extract %slice3A_120[0] : i32 from vector<1xi32>
        %while3A_122 = arith.constant 0 : i32
        %while3A_123 = arith.subi %min3A_117, %squeeze3A_110 : i32
        %while3A_124 = arith.addi %squeeze3A_110, %while3A_123 : i32
        %while3A_125 = arith.constant 1 : i32
        %while3A_126 = arith.divsi %while3A_123, %while3A_125 : i32
        %while3A_127 = arith.muli %while3A_126, %while3A_125 : i32
        %while3A_128 = arith.addi %squeeze3A_110, %while3A_127 : i32
        %while3A_129 = arith.constant 1 : i32
        scf.for %while3A_136 = %squeeze3A_110 to %while3A_128 step %while3A_129  : i32 {
          %get3A_137 = arith.index_cast %while3A_136 : i32 to index
          %get3A_138 = tpu.vector_load %arg10[%get3A_137] {strides = array<i32>} : memref<528xi32, #tpu.memory_space<vmem>>, vector<16xi32>,
          %slice3A_139 = vector.extract_strided_slice %get3A_138 {offsets = [0], sizes = [1], strides = [1]} : vector<16xi32> to vector<1xi32>
          %squeeze3A_140 = vector.extract %slice3A_139[0] : i32 from vector<1xi32>
          %sub3A = arith.subi %squeeze3A_140, %squeeze3A_121 : i32
          %broadcast_in_dim3A = vector.broadcast %sub3A : i32 to vector<16xi32>
          %broadcast_in_dim3A_141 = arith.constant 0.000000e+00 : f32
          %broadcast_in_dim3A_142 = vector.broadcast %broadcast_in_dim3A_141 : f32 to vector<16xf32>
          %gather3A = tpu.vector_load_idx %arg17[%add3A_39, %broadcast_in_dim3A] : memref<64x128xf32, #tpu.memory_space<vmem>>[vector<16xi32>, vector<16xi32>], vector<16xf32>,
          %get3A_143 = arith.index_cast %while3A_136 : i32 to index
          %get3A_144 = arith.constant 0 : index
          %get3A_145 = tpu.vector_load %arg15[%get3A_143, %get3A_144] {strides = array<i32>} : memref<512x128xf32, #tpu.memory_space<vmem>>, vector<16xf32>,
          %mul3A_146 = arith.mulf %gather3A, %get3A_145 : vector<16xf32>
          %add3A_147 = arith.addf %broadcast_in_dim3A_142, %mul3A_146 : vector<16xf32>
          %gather3A_148 = tpu.vector_load_idx %arg17[%add3A_43, %broadcast_in_dim3A] : memref<64x128xf32, #tpu.memory_space<vmem>>[vector<16xi32>, vector<16xi32>], vector<16xf32>,
          %get3A_149 = arith.index_cast %while3A_136 : i32 to index
          %get3A_150 = arith.constant 16 : index
          %get3A_151 = tpu.vector_load %arg15[%get3A_149, %get3A_150] {strides = array<i32>} : memref<512x128xf32, #tpu.memory_space<vmem>>, vector<16xf32>,
          %mul3A_152 = arith.mulf %gather3A_148, %get3A_151 : vector<16xf32>
          %add3A_153 = arith.addf %add3A_147, %mul3A_152 : vector<16xf32>
          %gather3A_154 = tpu.vector_load_idx %arg17[%add3A_47, %broadcast_in_dim3A] : memref<64x128xf32, #tpu.memory_space<vmem>>[vector<16xi32>, vector<16xi32>], vector<16xf32>,
          %get3A_155 = arith.index_cast %while3A_136 : i32 to index
          %get3A_156 = arith.constant 32 : index
          %get3A_157 = tpu.vector_load %arg15[%get3A_155, %get3A_156] {strides = array<i32>} : memref<512x128xf32, #tpu.memory_space<vmem>>, vector<16xf32>,
          %mul3A_158 = arith.mulf %gather3A_154, %get3A_157 : vector<16xf32>
          %add3A_159 = arith.addf %add3A_153, %mul3A_158 : vector<16xf32>
          %gather3A_160 = tpu.vector_load_idx %arg17[%add3A_51, %broadcast_in_dim3A] : memref<64x128xf32, #tpu.memory_space<vmem>>[vector<16xi32>, vector<16xi32>], vector<16xf32>,
          %get3A_161 = arith.index_cast %while3A_136 : i32 to index
          %get3A_162 = arith.constant 48 : index
          %get3A_163 = tpu.vector_load %arg15[%get3A_161, %get3A_162] {strides = array<i32>} : memref<512x128xf32, #tpu.memory_space<vmem>>, vector<16xf32>,
          %mul3A_164 = arith.mulf %gather3A_160, %get3A_163 : vector<16xf32>
          %add3A_165 = arith.addf %add3A_159, %mul3A_164 : vector<16xf32>
          %broadcast_in_dim3A_166 = arith.constant true
          %broadcast_in_dim3A_167 = vector.broadcast %broadcast_in_dim3A_166 : i1 to vector<16xi1>
          %masked_cumsum3A = tpu.scan <sum>, %add3A_165 masked %broadcast_in_dim3A_167 : vector<16xf32>, vector<16xi1> -> vector<16xf32>
          %broadcast_in_dim3A_168 = vector.broadcast %while3A_136 : i32 to vector<16xi32>
          tpu.vector_store_idx %arg22[%broadcast_in_dim3A_168], %masked_cumsum3A masked %eq3A_54 : memref<512xf32, #tpu.memory_space<vmem>>[vector<16xi32>], vector<16xf32>, vector<16xi1>
        }
        %while3A_130 = arith.constant 1 : i32
        scf.for %while3A_136 = %while3A_128 to %while3A_124 step %while3A_130  : i32 {
          %get3A_137 = arith.index_cast %while3A_136 : i32 to index
          %get3A_138 = tpu.vector_load %arg10[%get3A_137] {strides = array<i32>} : memref<528xi32, #tpu.memory_space<vmem>>, vector<16xi32>,
          %slice3A_139 = vector.extract_strided_slice %get3A_138 {offsets = [0], sizes = [1], strides = [1]} : vector<16xi32> to vector<1xi32>
          %squeeze3A_140 = vector.extract %slice3A_139[0] : i32 from vector<1xi32>
          %sub3A = arith.subi %squeeze3A_140, %squeeze3A_121 : i32
          %broadcast_in_dim3A = vector.broadcast %sub3A : i32 to vector<16xi32>
          %broadcast_in_dim3A_141 = arith.constant 0.000000e+00 : f32
          %broadcast_in_dim3A_142 = vector.broadcast %broadcast_in_dim3A_141 : f32 to vector<16xf32>
          %gather3A = tpu.vector_load_idx %arg17[%add3A_39, %broadcast_in_dim3A] : memref<64x128xf32, #tpu.memory_space<vmem>>[vector<16xi32>, vector<16xi32>], vector<16xf32>,
          %get3A_143 = arith.index_cast %while3A_136 : i32 to index
          %get3A_144 = arith.constant 0 : index
          %get3A_145 = tpu.vector_load %arg15[%get3A_143, %get3A_144] {strides = array<i32>} : memref<512x128xf32, #tpu.memory_space<vmem>>, vector<16xf32>,
          %mul3A_146 = arith.mulf %gather3A, %get3A_145 : vector<16xf32>
          %add3A_147 = arith.addf %broadcast_in_dim3A_142, %mul3A_146 : vector<16xf32>
          %gather3A_148 = tpu.vector_load_idx %arg17[%add3A_43, %broadcast_in_dim3A] : memref<64x128xf32, #tpu.memory_space<vmem>>[vector<16xi32>, vector<16xi32>], vector<16xf32>,
          %get3A_149 = arith.index_cast %while3A_136 : i32 to index
          %get3A_150 = arith.constant 16 : index
          %get3A_151 = tpu.vector_load %arg15[%get3A_149, %get3A_150] {strides = array<i32>} : memref<512x128xf32, #tpu.memory_space<vmem>>, vector<16xf32>,
          %mul3A_152 = arith.mulf %gather3A_148, %get3A_151 : vector<16xf32>
          %add3A_153 = arith.addf %add3A_147, %mul3A_152 : vector<16xf32>
          %gather3A_154 = tpu.vector_load_idx %arg17[%add3A_47, %broadcast_in_dim3A] : memref<64x128xf32, #tpu.memory_space<vmem>>[vector<16xi32>, vector<16xi32>], vector<16xf32>,
          %get3A_155 = arith.index_cast %while3A_136 : i32 to index
          %get3A_156 = arith.constant 32 : index
          %get3A_157 = tpu.vector_load %arg15[%get3A_155, %get3A_156] {strides = array<i32>} : memref<512x128xf32, #tpu.memory_space<vmem>>, vector<16xf32>,
          %mul3A_158 = arith.mulf %gather3A_154, %get3A_157 : vector<16xf32>
          %add3A_159 = arith.addf %add3A_153, %mul3A_158 : vector<16xf32>
          %gather3A_160 = tpu.vector_load_idx %arg17[%add3A_51, %broadcast_in_dim3A] : memref<64x128xf32, #tpu.memory_space<vmem>>[vector<16xi32>, vector<16xi32>], vector<16xf32>,
          %get3A_161 = arith.index_cast %while3A_136 : i32 to index
          %get3A_162 = arith.constant 48 : index
          %get3A_163 = tpu.vector_load %arg15[%get3A_161, %get3A_162] {strides = array<i32>} : memref<512x128xf32, #tpu.memory_space<vmem>>, vector<16xf32>,
          %mul3A_164 = arith.mulf %gather3A_160, %get3A_163 : vector<16xf32>
          %add3A_165 = arith.addf %add3A_159, %mul3A_164 : vector<16xf32>
          %broadcast_in_dim3A_166 = arith.constant true
          %broadcast_in_dim3A_167 = vector.broadcast %broadcast_in_dim3A_166 : i1 to vector<16xi1>
          %masked_cumsum3A = tpu.scan <sum>, %add3A_165 masked %broadcast_in_dim3A_167 : vector<16xf32>, vector<16xi1> -> vector<16xf32>
          %broadcast_in_dim3A_168 = vector.broadcast %while3A_136 : i32 to vector<16xi32>
          tpu.vector_store_idx %arg22[%broadcast_in_dim3A_168], %masked_cumsum3A masked %eq3A_54 : memref<512xf32, #tpu.memory_space<vmem>>[vector<16xi32>], vector<16xf32>, vector<16xi1>
        }
        %add3A_131 = arith.constant 6 : i32
        %add3A_132 = arith.addi %while3A_69, %add3A_131 : i32
        %lt3A = arith.cmpi slt, %add3A_132, %squeeze3A : i32
        %convert_element_type3A_133 = arith.extui %lt3A : i1 to i32
        %cond3A_134 = arith.constant 0 : i32
        %cond3A_135 = arith.cmpi ne, %convert_element_type3A_133, %cond3A_134 : i32
        scf.if %cond3A_135 {
          %get3A_136 = arith.index_cast %add3A_132 : i32 to index
          %get3A_137 = tpu.vector_load %arg13[%get3A_136] {strides = array<i32>} : memref<536xi32, #tpu.memory_space<vmem>>, vector<16xi32>,
          %slice3A_138 = vector.extract_strided_slice %get3A_137 {offsets = [0], sizes = [1], strides = [1]} : vector<16xi32> to vector<1xi32>
          %squeeze3A_139 = vector.extract %slice3A_138[0] : i32 from vector<1xi32>
          %get3A_140 = arith.index_cast %squeeze3A_139 : i32 to index
          %get3A_141 = tpu.vector_load %arg12[%get3A_140] {strides = array<i32>} : memref<528xi32, #tpu.memory_space<vmem>>, vector<16xi32>,
          %slice3A_142 = vector.extract_strided_slice %get3A_141 {offsets = [0], sizes = [1], strides = [1]} : vector<16xi32> to vector<1xi32>
          %squeeze3A_143 = vector.extract %slice3A_142[0] : i32 from vector<1xi32>
          %multiple_of3A = tpu.assume_multiple %squeeze3A_143, 128 : i32
          %dma_start3A_144 = arith.constant 0 : i32
          %dma_start3A_145 = tpu.memref_slice %arg7[%dma_start3A_144, %multiple_of3A] : memref<64x1000000xf32, #tpu.memory_space<hbm>> -> memref<64x128xf32, #tpu.memory_space<hbm>>
          %dma_start3A_146 = arith.constant 0 : i32
          %dma_start3A_147 = tpu.memref_slice %arg7[%dma_start3A_146, %multiple_of3A] : memref<64x1000000xf32, #tpu.memory_space<hbm>> -> memref<64x128xf32, #tpu.memory_space<hbm>>
          tpu.enqueue_dma source(%dma_start3A_147 : memref<64x128xf32, #tpu.memory_space<hbm>>) target(%arg17 : memref<64x128xf32, #tpu.memory_space<vmem>>) target_semaphore(%arg25 : memref<!tpu.dma_semaphore, #tpu.memory_space<semaphore_mem>>)
        } else {
        }
      } else {
      }
      %eq3A_81 = arith.constant 2 : i32
      %eq3A_82 = arith.cmpi eq, %rem3A_70, %eq3A_81 : i32
      %convert_element_type3A_83 = arith.extui %eq3A_82 : i1 to i32
      %cond3A_84 = arith.constant 0 : i32
      %cond3A_85 = arith.cmpi ne, %convert_element_type3A_83, %cond3A_84 : i32
      scf.if %cond3A_85 {
        %dma_wait3A_101 = arith.constant 0 : i32
        %dma_wait3A_102 = arith.constant 0 : i32
        %dma_wait3A_103 = tpu.memref_slice %arg7[%dma_wait3A_101, %dma_wait3A_102] : memref<64x1000000xf32, #tpu.memory_space<hbm>> -> memref<64x128xf32, #tpu.memory_space<hbm>>
        %dma_wait3A_104 = arith.constant 0 : i32
        %dma_wait3A_105 = arith.constant 0 : i32
        %dma_wait3A_106 = tpu.memref_slice %arg7[%dma_wait3A_104, %dma_wait3A_105] : memref<64x1000000xf32, #tpu.memory_space<hbm>> -> memref<64x128xf32, #tpu.memory_space<hbm>>
        tpu.wait_dma2 semaphore(%arg26 : memref<!tpu.dma_semaphore, #tpu.memory_space<semaphore_mem>>) src(%dma_wait3A_106 : memref<64x128xf32, #tpu.memory_space<hbm>>) dst(%arg18 : memref<64x128xf32, #tpu.memory_space<vmem>>)
        %get3A_107 = arith.index_cast %while3A_69 : i32 to index
        %get3A_108 = tpu.vector_load %arg13[%get3A_107] {strides = array<i32>} : memref<536xi32, #tpu.memory_space<vmem>>, vector<16xi32>,
        %slice3A_109 = vector.extract_strided_slice %get3A_108 {offsets = [0], sizes = [1], strides = [1]} : vector<16xi32> to vector<1xi32>
        %squeeze3A_110 = vector.extract %slice3A_109[0] : i32 from vector<1xi32>
        %add3A_111 = arith.constant 1 : i32
        %add3A_112 = arith.addi %while3A_69, %add3A_111 : i32
        %get3A_113 = arith.index_cast %add3A_112 : i32 to index
        %get3A_114 = tpu.vector_load %arg13[%get3A_113] {strides = array<i32>} : memref<536xi32, #tpu.memory_space<vmem>>, vector<16xi32>,
        %slice3A_115 = vector.extract_strided_slice %get3A_114 {offsets = [0], sizes = [1], strides = [1]} : vector<16xi32> to vector<1xi32>
        %squeeze3A_116 = vector.extract %slice3A_115[0] : i32 from vector<1xi32>
        %min3A = arith.constant 512 : i32
        %min3A_117 = arith.minsi %squeeze3A_116, %min3A : i32
        %get3A_118 = arith.index_cast %squeeze3A_110 : i32 to index
        %get3A_119 = tpu.vector_load %arg12[%get3A_118] {strides = array<i32>} : memref<528xi32, #tpu.memory_space<vmem>>, vector<16xi32>,
        %slice3A_120 = vector.extract_strided_slice %get3A_119 {offsets = [0], sizes = [1], strides = [1]} : vector<16xi32> to vector<1xi32>
        %squeeze3A_121 = vector.extract %slice3A_120[0] : i32 from vector<1xi32>
        %while3A_122 = arith.constant 0 : i32
        %while3A_123 = arith.subi %min3A_117, %squeeze3A_110 : i32
        %while3A_124 = arith.addi %squeeze3A_110, %while3A_123 : i32
        %while3A_125 = arith.constant 1 : i32
        %while3A_126 = arith.divsi %while3A_123, %while3A_125 : i32
        %while3A_127 = arith.muli %while3A_126, %while3A_125 : i32
        %while3A_128 = arith.addi %squeeze3A_110, %while3A_127 : i32
        %while3A_129 = arith.constant 1 : i32
        scf.for %while3A_136 = %squeeze3A_110 to %while3A_128 step %while3A_129  : i32 {
          %get3A_137 = arith.index_cast %while3A_136 : i32 to index
          %get3A_138 = tpu.vector_load %arg10[%get3A_137] {strides = array<i32>} : memref<528xi32, #tpu.memory_space<vmem>>, vector<16xi32>,
          %slice3A_139 = vector.extract_strided_slice %get3A_138 {offsets = [0], sizes = [1], strides = [1]} : vector<16xi32> to vector<1xi32>
          %squeeze3A_140 = vector.extract %slice3A_139[0] : i32 from vector<1xi32>
          %sub3A = arith.subi %squeeze3A_140, %squeeze3A_121 : i32
          %broadcast_in_dim3A = vector.broadcast %sub3A : i32 to vector<16xi32>
          %broadcast_in_dim3A_141 = arith.constant 0.000000e+00 : f32
          %broadcast_in_dim3A_142 = vector.broadcast %broadcast_in_dim3A_141 : f32 to vector<16xf32>
          %gather3A = tpu.vector_load_idx %arg18[%add3A_39, %broadcast_in_dim3A] : memref<64x128xf32, #tpu.memory_space<vmem>>[vector<16xi32>, vector<16xi32>], vector<16xf32>,
          %get3A_143 = arith.index_cast %while3A_136 : i32 to index
          %get3A_144 = arith.constant 0 : index
          %get3A_145 = tpu.vector_load %arg15[%get3A_143, %get3A_144] {strides = array<i32>} : memref<512x128xf32, #tpu.memory_space<vmem>>, vector<16xf32>,
          %mul3A_146 = arith.mulf %gather3A, %get3A_145 : vector<16xf32>
          %add3A_147 = arith.addf %broadcast_in_dim3A_142, %mul3A_146 : vector<16xf32>
          %gather3A_148 = tpu.vector_load_idx %arg18[%add3A_43, %broadcast_in_dim3A] : memref<64x128xf32, #tpu.memory_space<vmem>>[vector<16xi32>, vector<16xi32>], vector<16xf32>,
          %get3A_149 = arith.index_cast %while3A_136 : i32 to index
          %get3A_150 = arith.constant 16 : index
          %get3A_151 = tpu.vector_load %arg15[%get3A_149, %get3A_150] {strides = array<i32>} : memref<512x128xf32, #tpu.memory_space<vmem>>, vector<16xf32>,
          %mul3A_152 = arith.mulf %gather3A_148, %get3A_151 : vector<16xf32>
          %add3A_153 = arith.addf %add3A_147, %mul3A_152 : vector<16xf32>
          %gather3A_154 = tpu.vector_load_idx %arg18[%add3A_47, %broadcast_in_dim3A] : memref<64x128xf32, #tpu.memory_space<vmem>>[vector<16xi32>, vector<16xi32>], vector<16xf32>,
          %get3A_155 = arith.index_cast %while3A_136 : i32 to index
          %get3A_156 = arith.constant 32 : index
          %get3A_157 = tpu.vector_load %arg15[%get3A_155, %get3A_156] {strides = array<i32>} : memref<512x128xf32, #tpu.memory_space<vmem>>, vector<16xf32>,
          %mul3A_158 = arith.mulf %gather3A_154, %get3A_157 : vector<16xf32>
          %add3A_159 = arith.addf %add3A_153, %mul3A_158 : vector<16xf32>
          %gather3A_160 = tpu.vector_load_idx %arg18[%add3A_51, %broadcast_in_dim3A] : memref<64x128xf32, #tpu.memory_space<vmem>>[vector<16xi32>, vector<16xi32>], vector<16xf32>,
          %get3A_161 = arith.index_cast %while3A_136 : i32 to index
          %get3A_162 = arith.constant 48 : index
          %get3A_163 = tpu.vector_load %arg15[%get3A_161, %get3A_162] {strides = array<i32>} : memref<512x128xf32, #tpu.memory_space<vmem>>, vector<16xf32>,
          %mul3A_164 = arith.mulf %gather3A_160, %get3A_163 : vector<16xf32>
          %add3A_165 = arith.addf %add3A_159, %mul3A_164 : vector<16xf32>
          %broadcast_in_dim3A_166 = arith.constant true
          %broadcast_in_dim3A_167 = vector.broadcast %broadcast_in_dim3A_166 : i1 to vector<16xi1>
          %masked_cumsum3A = tpu.scan <sum>, %add3A_165 masked %broadcast_in_dim3A_167 : vector<16xf32>, vector<16xi1> -> vector<16xf32>
          %broadcast_in_dim3A_168 = vector.broadcast %while3A_136 : i32 to vector<16xi32>
          tpu.vector_store_idx %arg22[%broadcast_in_dim3A_168], %masked_cumsum3A masked %eq3A_54 : memref<512xf32, #tpu.memory_space<vmem>>[vector<16xi32>], vector<16xf32>, vector<16xi1>
        }
        %while3A_130 = arith.constant 1 : i32
        scf.for %while3A_136 = %while3A_128 to %while3A_124 step %while3A_130  : i32 {
          %get3A_137 = arith.index_cast %while3A_136 : i32 to index
          %get3A_138 = tpu.vector_load %arg10[%get3A_137] {strides = array<i32>} : memref<528xi32, #tpu.memory_space<vmem>>, vector<16xi32>,
          %slice3A_139 = vector.extract_strided_slice %get3A_138 {offsets = [0], sizes = [1], strides = [1]} : vector<16xi32> to vector<1xi32>
          %squeeze3A_140 = vector.extract %slice3A_139[0] : i32 from vector<1xi32>
          %sub3A = arith.subi %squeeze3A_140, %squeeze3A_121 : i32
          %broadcast_in_dim3A = vector.broadcast %sub3A : i32 to vector<16xi32>
          %broadcast_in_dim3A_141 = arith.constant 0.000000e+00 : f32
          %broadcast_in_dim3A_142 = vector.broadcast %broadcast_in_dim3A_141 : f32 to vector<16xf32>
          %gather3A = tpu.vector_load_idx %arg18[%add3A_39, %broadcast_in_dim3A] : memref<64x128xf32, #tpu.memory_space<vmem>>[vector<16xi32>, vector<16xi32>], vector<16xf32>,
          %get3A_143 = arith.index_cast %while3A_136 : i32 to index
          %get3A_144 = arith.constant 0 : index
          %get3A_145 = tpu.vector_load %arg15[%get3A_143, %get3A_144] {strides = array<i32>} : memref<512x128xf32, #tpu.memory_space<vmem>>, vector<16xf32>,
          %mul3A_146 = arith.mulf %gather3A, %get3A_145 : vector<16xf32>
          %add3A_147 = arith.addf %broadcast_in_dim3A_142, %mul3A_146 : vector<16xf32>
          %gather3A_148 = tpu.vector_load_idx %arg18[%add3A_43, %broadcast_in_dim3A] : memref<64x128xf32, #tpu.memory_space<vmem>>[vector<16xi32>, vector<16xi32>], vector<16xf32>,
          %get3A_149 = arith.index_cast %while3A_136 : i32 to index
          %get3A_150 = arith.constant 16 : index
          %get3A_151 = tpu.vector_load %arg15[%get3A_149, %get3A_150] {strides = array<i32>} : memref<512x128xf32, #tpu.memory_space<vmem>>, vector<16xf32>,
          %mul3A_152 = arith.mulf %gather3A_148, %get3A_151 : vector<16xf32>
          %add3A_153 = arith.addf %add3A_147, %mul3A_152 : vector<16xf32>
          %gather3A_154 = tpu.vector_load_idx %arg18[%add3A_47, %broadcast_in_dim3A] : memref<64x128xf32, #tpu.memory_space<vmem>>[vector<16xi32>, vector<16xi32>], vector<16xf32>,
          %get3A_155 = arith.index_cast %while3A_136 : i32 to index
          %get3A_156 = arith.constant 32 : index
          %get3A_157 = tpu.vector_load %arg15[%get3A_155, %get3A_156] {strides = array<i32>} : memref<512x128xf32, #tpu.memory_space<vmem>>, vector<16xf32>,
          %mul3A_158 = arith.mulf %gather3A_154, %get3A_157 : vector<16xf32>
          %add3A_159 = arith.addf %add3A_153, %mul3A_158 : vector<16xf32>
          %gather3A_160 = tpu.vector_load_idx %arg18[%add3A_51, %broadcast_in_dim3A] : memref<64x128xf32, #tpu.memory_space<vmem>>[vector<16xi32>, vector<16xi32>], vector<16xf32>,
          %get3A_161 = arith.index_cast %while3A_136 : i32 to index
          %get3A_162 = arith.constant 48 : index
          %get3A_163 = tpu.vector_load %arg15[%get3A_161, %get3A_162] {strides = array<i32>} : memref<512x128xf32, #tpu.memory_space<vmem>>, vector<16xf32>,
          %mul3A_164 = arith.mulf %gather3A_160, %get3A_163 : vector<16xf32>
          %add3A_165 = arith.addf %add3A_159, %mul3A_164 : vector<16xf32>
          %broadcast_in_dim3A_166 = arith.constant true
          %broadcast_in_dim3A_167 = vector.broadcast %broadcast_in_dim3A_166 : i1 to vector<16xi1>
          %masked_cumsum3A = tpu.scan <sum>, %add3A_165 masked %broadcast_in_dim3A_167 : vector<16xf32>, vector<16xi1> -> vector<16xf32>
          %broadcast_in_dim3A_168 = vector.broadcast %while3A_136 : i32 to vector<16xi32>
          tpu.vector_store_idx %arg22[%broadcast_in_dim3A_168], %masked_cumsum3A masked %eq3A_54 : memref<512xf32, #tpu.memory_space<vmem>>[vector<16xi32>], vector<16xf32>, vector<16xi1>
        }
        %add3A_131 = arith.constant 6 : i32
        %add3A_132 = arith.addi %while3A_69, %add3A_131 : i32
        %lt3A = arith.cmpi slt, %add3A_132, %squeeze3A : i32
        %convert_element_type3A_133 = arith.extui %lt3A : i1 to i32
        %cond3A_134 = arith.constant 0 : i32
        %cond3A_135 = arith.cmpi ne, %convert_element_type3A_133, %cond3A_134 : i32
        scf.if %cond3A_135 {
          %get3A_136 = arith.index_cast %add3A_132 : i32 to index
          %get3A_137 = tpu.vector_load %arg13[%get3A_136] {strides = array<i32>} : memref<536xi32, #tpu.memory_space<vmem>>, vector<16xi32>,
          %slice3A_138 = vector.extract_strided_slice %get3A_137 {offsets = [0], sizes = [1], strides = [1]} : vector<16xi32> to vector<1xi32>
          %squeeze3A_139 = vector.extract %slice3A_138[0] : i32 from vector<1xi32>
          %get3A_140 = arith.index_cast %squeeze3A_139 : i32 to index
          %get3A_141 = tpu.vector_load %arg12[%get3A_140] {strides = array<i32>} : memref<528xi32, #tpu.memory_space<vmem>>, vector<16xi32>,
          %slice3A_142 = vector.extract_strided_slice %get3A_141 {offsets = [0], sizes = [1], strides = [1]} : vector<16xi32> to vector<1xi32>
          %squeeze3A_143 = vector.extract %slice3A_142[0] : i32 from vector<1xi32>
          %multiple_of3A = tpu.assume_multiple %squeeze3A_143, 128 : i32
          %dma_start3A_144 = arith.constant 0 : i32
          %dma_start3A_145 = tpu.memref_slice %arg7[%dma_start3A_144, %multiple_of3A] : memref<64x1000000xf32, #tpu.memory_space<hbm>> -> memref<64x128xf32, #tpu.memory_space<hbm>>
          %dma_start3A_146 = arith.constant 0 : i32
          %dma_start3A_147 = tpu.memref_slice %arg7[%dma_start3A_146, %multiple_of3A] : memref<64x1000000xf32, #tpu.memory_space<hbm>> -> memref<64x128xf32, #tpu.memory_space<hbm>>
          tpu.enqueue_dma source(%dma_start3A_147 : memref<64x128xf32, #tpu.memory_space<hbm>>) target(%arg18 : memref<64x128xf32, #tpu.memory_space<vmem>>) target_semaphore(%arg26 : memref<!tpu.dma_semaphore, #tpu.memory_space<semaphore_mem>>)
        } else {
        }
      } else {
      }
      %eq3A_86 = arith.constant 3 : i32
      %eq3A_87 = arith.cmpi eq, %rem3A_70, %eq3A_86 : i32
      %convert_element_type3A_88 = arith.extui %eq3A_87 : i1 to i32
      %cond3A_89 = arith.constant 0 : i32
      %cond3A_90 = arith.cmpi ne, %convert_element_type3A_88, %cond3A_89 : i32
      scf.if %cond3A_90 {
        %dma_wait3A_101 = arith.constant 0 : i32
        %dma_wait3A_102 = arith.constant 0 : i32
        %dma_wait3A_103 = tpu.memref_slice %arg7[%dma_wait3A_101, %dma_wait3A_102] : memref<64x1000000xf32, #tpu.memory_space<hbm>> -> memref<64x128xf32, #tpu.memory_space<hbm>>
        %dma_wait3A_104 = arith.constant 0 : i32
        %dma_wait3A_105 = arith.constant 0 : i32
        %dma_wait3A_106 = tpu.memref_slice %arg7[%dma_wait3A_104, %dma_wait3A_105] : memref<64x1000000xf32, #tpu.memory_space<hbm>> -> memref<64x128xf32, #tpu.memory_space<hbm>>
        tpu.wait_dma2 semaphore(%arg27 : memref<!tpu.dma_semaphore, #tpu.memory_space<semaphore_mem>>) src(%dma_wait3A_106 : memref<64x128xf32, #tpu.memory_space<hbm>>) dst(%arg19 : memref<64x128xf32, #tpu.memory_space<vmem>>)
        %get3A_107 = arith.index_cast %while3A_69 : i32 to index
        %get3A_108 = tpu.vector_load %arg13[%get3A_107] {strides = array<i32>} : memref<536xi32, #tpu.memory_space<vmem>>, vector<16xi32>,
        %slice3A_109 = vector.extract_strided_slice %get3A_108 {offsets = [0], sizes = [1], strides = [1]} : vector<16xi32> to vector<1xi32>
        %squeeze3A_110 = vector.extract %slice3A_109[0] : i32 from vector<1xi32>
        %add3A_111 = arith.constant 1 : i32
        %add3A_112 = arith.addi %while3A_69, %add3A_111 : i32
        %get3A_113 = arith.index_cast %add3A_112 : i32 to index
        %get3A_114 = tpu.vector_load %arg13[%get3A_113] {strides = array<i32>} : memref<536xi32, #tpu.memory_space<vmem>>, vector<16xi32>,
        %slice3A_115 = vector.extract_strided_slice %get3A_114 {offsets = [0], sizes = [1], strides = [1]} : vector<16xi32> to vector<1xi32>
        %squeeze3A_116 = vector.extract %slice3A_115[0] : i32 from vector<1xi32>
        %min3A = arith.constant 512 : i32
        %min3A_117 = arith.minsi %squeeze3A_116, %min3A : i32
        %get3A_118 = arith.index_cast %squeeze3A_110 : i32 to index
        %get3A_119 = tpu.vector_load %arg12[%get3A_118] {strides = array<i32>} : memref<528xi32, #tpu.memory_space<vmem>>, vector<16xi32>,
        %slice3A_120 = vector.extract_strided_slice %get3A_119 {offsets = [0], sizes = [1], strides = [1]} : vector<16xi32> to vector<1xi32>
        %squeeze3A_121 = vector.extract %slice3A_120[0] : i32 from vector<1xi32>
        %while3A_122 = arith.constant 0 : i32
        %while3A_123 = arith.subi %min3A_117, %squeeze3A_110 : i32
        %while3A_124 = arith.addi %squeeze3A_110, %while3A_123 : i32
        %while3A_125 = arith.constant 1 : i32
        %while3A_126 = arith.divsi %while3A_123, %while3A_125 : i32
        %while3A_127 = arith.muli %while3A_126, %while3A_125 : i32
        %while3A_128 = arith.addi %squeeze3A_110, %while3A_127 : i32
        %while3A_129 = arith.constant 1 : i32
        scf.for %while3A_136 = %squeeze3A_110 to %while3A_128 step %while3A_129  : i32 {
          %get3A_137 = arith.index_cast %while3A_136 : i32 to index
          %get3A_138 = tpu.vector_load %arg10[%get3A_137] {strides = array<i32>} : memref<528xi32, #tpu.memory_space<vmem>>, vector<16xi32>,
          %slice3A_139 = vector.extract_strided_slice %get3A_138 {offsets = [0], sizes = [1], strides = [1]} : vector<16xi32> to vector<1xi32>
          %squeeze3A_140 = vector.extract %slice3A_139[0] : i32 from vector<1xi32>
          %sub3A = arith.subi %squeeze3A_140, %squeeze3A_121 : i32
          %broadcast_in_dim3A = vector.broadcast %sub3A : i32 to vector<16xi32>
          %broadcast_in_dim3A_141 = arith.constant 0.000000e+00 : f32
          %broadcast_in_dim3A_142 = vector.broadcast %broadcast_in_dim3A_141 : f32 to vector<16xf32>
          %gather3A = tpu.vector_load_idx %arg19[%add3A_39, %broadcast_in_dim3A] : memref<64x128xf32, #tpu.memory_space<vmem>>[vector<16xi32>, vector<16xi32>], vector<16xf32>,
          %get3A_143 = arith.index_cast %while3A_136 : i32 to index
          %get3A_144 = arith.constant 0 : index
          %get3A_145 = tpu.vector_load %arg15[%get3A_143, %get3A_144] {strides = array<i32>} : memref<512x128xf32, #tpu.memory_space<vmem>>, vector<16xf32>,
          %mul3A_146 = arith.mulf %gather3A, %get3A_145 : vector<16xf32>
          %add3A_147 = arith.addf %broadcast_in_dim3A_142, %mul3A_146 : vector<16xf32>
          %gather3A_148 = tpu.vector_load_idx %arg19[%add3A_43, %broadcast_in_dim3A] : memref<64x128xf32, #tpu.memory_space<vmem>>[vector<16xi32>, vector<16xi32>], vector<16xf32>,
          %get3A_149 = arith.index_cast %while3A_136 : i32 to index
          %get3A_150 = arith.constant 16 : index
          %get3A_151 = tpu.vector_load %arg15[%get3A_149, %get3A_150] {strides = array<i32>} : memref<512x128xf32, #tpu.memory_space<vmem>>, vector<16xf32>,
          %mul3A_152 = arith.mulf %gather3A_148, %get3A_151 : vector<16xf32>
          %add3A_153 = arith.addf %add3A_147, %mul3A_152 : vector<16xf32>
          %gather3A_154 = tpu.vector_load_idx %arg19[%add3A_47, %broadcast_in_dim3A] : memref<64x128xf32, #tpu.memory_space<vmem>>[vector<16xi32>, vector<16xi32>], vector<16xf32>,
          %get3A_155 = arith.index_cast %while3A_136 : i32 to index
          %get3A_156 = arith.constant 32 : index
          %get3A_157 = tpu.vector_load %arg15[%get3A_155, %get3A_156] {strides = array<i32>} : memref<512x128xf32, #tpu.memory_space<vmem>>, vector<16xf32>,
          %mul3A_158 = arith.mulf %gather3A_154, %get3A_157 : vector<16xf32>
          %add3A_159 = arith.addf %add3A_153, %mul3A_158 : vector<16xf32>
          %gather3A_160 = tpu.vector_load_idx %arg19[%add3A_51, %broadcast_in_dim3A] : memref<64x128xf32, #tpu.memory_space<vmem>>[vector<16xi32>, vector<16xi32>], vector<16xf32>,
          %get3A_161 = arith.index_cast %while3A_136 : i32 to index
          %get3A_162 = arith.constant 48 : index
          %get3A_163 = tpu.vector_load %arg15[%get3A_161, %get3A_162] {strides = array<i32>} : memref<512x128xf32, #tpu.memory_space<vmem>>, vector<16xf32>,
          %mul3A_164 = arith.mulf %gather3A_160, %get3A_163 : vector<16xf32>
          %add3A_165 = arith.addf %add3A_159, %mul3A_164 : vector<16xf32>
          %broadcast_in_dim3A_166 = arith.constant true
          %broadcast_in_dim3A_167 = vector.broadcast %broadcast_in_dim3A_166 : i1 to vector<16xi1>
          %masked_cumsum3A = tpu.scan <sum>, %add3A_165 masked %broadcast_in_dim3A_167 : vector<16xf32>, vector<16xi1> -> vector<16xf32>
          %broadcast_in_dim3A_168 = vector.broadcast %while3A_136 : i32 to vector<16xi32>
          tpu.vector_store_idx %arg22[%broadcast_in_dim3A_168], %masked_cumsum3A masked %eq3A_54 : memref<512xf32, #tpu.memory_space<vmem>>[vector<16xi32>], vector<16xf32>, vector<16xi1>
        }
        %while3A_130 = arith.constant 1 : i32
        scf.for %while3A_136 = %while3A_128 to %while3A_124 step %while3A_130  : i32 {
          %get3A_137 = arith.index_cast %while3A_136 : i32 to index
          %get3A_138 = tpu.vector_load %arg10[%get3A_137] {strides = array<i32>} : memref<528xi32, #tpu.memory_space<vmem>>, vector<16xi32>,
          %slice3A_139 = vector.extract_strided_slice %get3A_138 {offsets = [0], sizes = [1], strides = [1]} : vector<16xi32> to vector<1xi32>
          %squeeze3A_140 = vector.extract %slice3A_139[0] : i32 from vector<1xi32>
          %sub3A = arith.subi %squeeze3A_140, %squeeze3A_121 : i32
          %broadcast_in_dim3A = vector.broadcast %sub3A : i32 to vector<16xi32>
          %broadcast_in_dim3A_141 = arith.constant 0.000000e+00 : f32
          %broadcast_in_dim3A_142 = vector.broadcast %broadcast_in_dim3A_141 : f32 to vector<16xf32>
          %gather3A = tpu.vector_load_idx %arg19[%add3A_39, %broadcast_in_dim3A] : memref<64x128xf32, #tpu.memory_space<vmem>>[vector<16xi32>, vector<16xi32>], vector<16xf32>,
          %get3A_143 = arith.index_cast %while3A_136 : i32 to index
          %get3A_144 = arith.constant 0 : index
          %get3A_145 = tpu.vector_load %arg15[%get3A_143, %get3A_144] {strides = array<i32>} : memref<512x128xf32, #tpu.memory_space<vmem>>, vector<16xf32>,
          %mul3A_146 = arith.mulf %gather3A, %get3A_145 : vector<16xf32>
          %add3A_147 = arith.addf %broadcast_in_dim3A_142, %mul3A_146 : vector<16xf32>
          %gather3A_148 = tpu.vector_load_idx %arg19[%add3A_43, %broadcast_in_dim3A] : memref<64x128xf32, #tpu.memory_space<vmem>>[vector<16xi32>, vector<16xi32>], vector<16xf32>,
          %get3A_149 = arith.index_cast %while3A_136 : i32 to index
          %get3A_150 = arith.constant 16 : index
          %get3A_151 = tpu.vector_load %arg15[%get3A_149, %get3A_150] {strides = array<i32>} : memref<512x128xf32, #tpu.memory_space<vmem>>, vector<16xf32>,
          %mul3A_152 = arith.mulf %gather3A_148, %get3A_151 : vector<16xf32>
          %add3A_153 = arith.addf %add3A_147, %mul3A_152 : vector<16xf32>
          %gather3A_154 = tpu.vector_load_idx %arg19[%add3A_47, %broadcast_in_dim3A] : memref<64x128xf32, #tpu.memory_space<vmem>>[vector<16xi32>, vector<16xi32>], vector<16xf32>,
          %get3A_155 = arith.index_cast %while3A_136 : i32 to index
          %get3A_156 = arith.constant 32 : index
          %get3A_157 = tpu.vector_load %arg15[%get3A_155, %get3A_156] {strides = array<i32>} : memref<512x128xf32, #tpu.memory_space<vmem>>, vector<16xf32>,
          %mul3A_158 = arith.mulf %gather3A_154, %get3A_157 : vector<16xf32>
          %add3A_159 = arith.addf %add3A_153, %mul3A_158 : vector<16xf32>
          %gather3A_160 = tpu.vector_load_idx %arg19[%add3A_51, %broadcast_in_dim3A] : memref<64x128xf32, #tpu.memory_space<vmem>>[vector<16xi32>, vector<16xi32>], vector<16xf32>,
          %get3A_161 = arith.index_cast %while3A_136 : i32 to index
          %get3A_162 = arith.constant 48 : index
          %get3A_163 = tpu.vector_load %arg15[%get3A_161, %get3A_162] {strides = array<i32>} : memref<512x128xf32, #tpu.memory_space<vmem>>, vector<16xf32>,
          %mul3A_164 = arith.mulf %gather3A_160, %get3A_163 : vector<16xf32>
          %add3A_165 = arith.addf %add3A_159, %mul3A_164 : vector<16xf32>
          %broadcast_in_dim3A_166 = arith.constant true
          %broadcast_in_dim3A_167 = vector.broadcast %broadcast_in_dim3A_166 : i1 to vector<16xi1>
          %masked_cumsum3A = tpu.scan <sum>, %add3A_165 masked %broadcast_in_dim3A_167 : vector<16xf32>, vector<16xi1> -> vector<16xf32>
          %broadcast_in_dim3A_168 = vector.broadcast %while3A_136 : i32 to vector<16xi32>
          tpu.vector_store_idx %arg22[%broadcast_in_dim3A_168], %masked_cumsum3A masked %eq3A_54 : memref<512xf32, #tpu.memory_space<vmem>>[vector<16xi32>], vector<16xf32>, vector<16xi1>
        }
        %add3A_131 = arith.constant 6 : i32
        %add3A_132 = arith.addi %while3A_69, %add3A_131 : i32
        %lt3A = arith.cmpi slt, %add3A_132, %squeeze3A : i32
        %convert_element_type3A_133 = arith.extui %lt3A : i1 to i32
        %cond3A_134 = arith.constant 0 : i32
        %cond3A_135 = arith.cmpi ne, %convert_element_type3A_133, %cond3A_134 : i32
        scf.if %cond3A_135 {
          %get3A_136 = arith.index_cast %add3A_132 : i32 to index
          %get3A_137 = tpu.vector_load %arg13[%get3A_136] {strides = array<i32>} : memref<536xi32, #tpu.memory_space<vmem>>, vector<16xi32>,
          %slice3A_138 = vector.extract_strided_slice %get3A_137 {offsets = [0], sizes = [1], strides = [1]} : vector<16xi32> to vector<1xi32>
          %squeeze3A_139 = vector.extract %slice3A_138[0] : i32 from vector<1xi32>
          %get3A_140 = arith.index_cast %squeeze3A_139 : i32 to index
          %get3A_141 = tpu.vector_load %arg12[%get3A_140] {strides = array<i32>} : memref<528xi32, #tpu.memory_space<vmem>>, vector<16xi32>,
          %slice3A_142 = vector.extract_strided_slice %get3A_141 {offsets = [0], sizes = [1], strides = [1]} : vector<16xi32> to vector<1xi32>
          %squeeze3A_143 = vector.extract %slice3A_142[0] : i32 from vector<1xi32>
          %multiple_of3A = tpu.assume_multiple %squeeze3A_143, 128 : i32
          %dma_start3A_144 = arith.constant 0 : i32
          %dma_start3A_145 = tpu.memref_slice %arg7[%dma_start3A_144, %multiple_of3A] : memref<64x1000000xf32, #tpu.memory_space<hbm>> -> memref<64x128xf32, #tpu.memory_space<hbm>>
          %dma_start3A_146 = arith.constant 0 : i32
          %dma_start3A_147 = tpu.memref_slice %arg7[%dma_start3A_146, %multiple_of3A] : memref<64x1000000xf32, #tpu.memory_space<hbm>> -> memref<64x128xf32, #tpu.memory_space<hbm>>
          tpu.enqueue_dma source(%dma_start3A_147 : memref<64x128xf32, #tpu.memory_space<hbm>>) target(%arg19 : memref<64x128xf32, #tpu.memory_space<vmem>>) target_semaphore(%arg27 : memref<!tpu.dma_semaphore, #tpu.memory_space<semaphore_mem>>)
        } else {
        }
      } else {
      }
      %eq3A_91 = arith.constant 4 : i32
      %eq3A_92 = arith.cmpi eq, %rem3A_70, %eq3A_91 : i32
      %convert_element_type3A_93 = arith.extui %eq3A_92 : i1 to i32
      %cond3A_94 = arith.constant 0 : i32
      %cond3A_95 = arith.cmpi ne, %convert_element_type3A_93, %cond3A_94 : i32
      scf.if %cond3A_95 {
        %dma_wait3A_101 = arith.constant 0 : i32
        %dma_wait3A_102 = arith.constant 0 : i32
        %dma_wait3A_103 = tpu.memref_slice %arg7[%dma_wait3A_101, %dma_wait3A_102] : memref<64x1000000xf32, #tpu.memory_space<hbm>> -> memref<64x128xf32, #tpu.memory_space<hbm>>
        %dma_wait3A_104 = arith.constant 0 : i32
        %dma_wait3A_105 = arith.constant 0 : i32
        %dma_wait3A_106 = tpu.memref_slice %arg7[%dma_wait3A_104, %dma_wait3A_105] : memref<64x1000000xf32, #tpu.memory_space<hbm>> -> memref<64x128xf32, #tpu.memory_space<hbm>>
        tpu.wait_dma2 semaphore(%arg28 : memref<!tpu.dma_semaphore, #tpu.memory_space<semaphore_mem>>) src(%dma_wait3A_106 : memref<64x128xf32, #tpu.memory_space<hbm>>) dst(%arg20 : memref<64x128xf32, #tpu.memory_space<vmem>>)
        %get3A_107 = arith.index_cast %while3A_69 : i32 to index
        %get3A_108 = tpu.vector_load %arg13[%get3A_107] {strides = array<i32>} : memref<536xi32, #tpu.memory_space<vmem>>, vector<16xi32>,
        %slice3A_109 = vector.extract_strided_slice %get3A_108 {offsets = [0], sizes = [1], strides = [1]} : vector<16xi32> to vector<1xi32>
        %squeeze3A_110 = vector.extract %slice3A_109[0] : i32 from vector<1xi32>
        %add3A_111 = arith.constant 1 : i32
        %add3A_112 = arith.addi %while3A_69, %add3A_111 : i32
        %get3A_113 = arith.index_cast %add3A_112 : i32 to index
        %get3A_114 = tpu.vector_load %arg13[%get3A_113] {strides = array<i32>} : memref<536xi32, #tpu.memory_space<vmem>>, vector<16xi32>,
        %slice3A_115 = vector.extract_strided_slice %get3A_114 {offsets = [0], sizes = [1], strides = [1]} : vector<16xi32> to vector<1xi32>
        %squeeze3A_116 = vector.extract %slice3A_115[0] : i32 from vector<1xi32>
        %min3A = arith.constant 512 : i32
        %min3A_117 = arith.minsi %squeeze3A_116, %min3A : i32
        %get3A_118 = arith.index_cast %squeeze3A_110 : i32 to index
        %get3A_119 = tpu.vector_load %arg12[%get3A_118] {strides = array<i32>} : memref<528xi32, #tpu.memory_space<vmem>>, vector<16xi32>,
        %slice3A_120 = vector.extract_strided_slice %get3A_119 {offsets = [0], sizes = [1], strides = [1]} : vector<16xi32> to vector<1xi32>
        %squeeze3A_121 = vector.extract %slice3A_120[0] : i32 from vector<1xi32>
        %while3A_122 = arith.constant 0 : i32
        %while3A_123 = arith.subi %min3A_117, %squeeze3A_110 : i32
        %while3A_124 = arith.addi %squeeze3A_110, %while3A_123 : i32
        %while3A_125 = arith.constant 1 : i32
        %while3A_126 = arith.divsi %while3A_123, %while3A_125 : i32
        %while3A_127 = arith.muli %while3A_126, %while3A_125 : i32
        %while3A_128 = arith.addi %squeeze3A_110, %while3A_127 : i32
        %while3A_129 = arith.constant 1 : i32
        scf.for %while3A_136 = %squeeze3A_110 to %while3A_128 step %while3A_129  : i32 {
          %get3A_137 = arith.index_cast %while3A_136 : i32 to index
          %get3A_138 = tpu.vector_load %arg10[%get3A_137] {strides = array<i32>} : memref<528xi32, #tpu.memory_space<vmem>>, vector<16xi32>,
          %slice3A_139 = vector.extract_strided_slice %get3A_138 {offsets = [0], sizes = [1], strides = [1]} : vector<16xi32> to vector<1xi32>
          %squeeze3A_140 = vector.extract %slice3A_139[0] : i32 from vector<1xi32>
          %sub3A = arith.subi %squeeze3A_140, %squeeze3A_121 : i32
          %broadcast_in_dim3A = vector.broadcast %sub3A : i32 to vector<16xi32>
          %broadcast_in_dim3A_141 = arith.constant 0.000000e+00 : f32
          %broadcast_in_dim3A_142 = vector.broadcast %broadcast_in_dim3A_141 : f32 to vector<16xf32>
          %gather3A = tpu.vector_load_idx %arg20[%add3A_39, %broadcast_in_dim3A] : memref<64x128xf32, #tpu.memory_space<vmem>>[vector<16xi32>, vector<16xi32>], vector<16xf32>,
          %get3A_143 = arith.index_cast %while3A_136 : i32 to index
          %get3A_144 = arith.constant 0 : index
          %get3A_145 = tpu.vector_load %arg15[%get3A_143, %get3A_144] {strides = array<i32>} : memref<512x128xf32, #tpu.memory_space<vmem>>, vector<16xf32>,
          %mul3A_146 = arith.mulf %gather3A, %get3A_145 : vector<16xf32>
          %add3A_147 = arith.addf %broadcast_in_dim3A_142, %mul3A_146 : vector<16xf32>
          %gather3A_148 = tpu.vector_load_idx %arg20[%add3A_43, %broadcast_in_dim3A] : memref<64x128xf32, #tpu.memory_space<vmem>>[vector<16xi32>, vector<16xi32>], vector<16xf32>,
          %get3A_149 = arith.index_cast %while3A_136 : i32 to index
          %get3A_150 = arith.constant 16 : index
          %get3A_151 = tpu.vector_load %arg15[%get3A_149, %get3A_150] {strides = array<i32>} : memref<512x128xf32, #tpu.memory_space<vmem>>, vector<16xf32>,
          %mul3A_152 = arith.mulf %gather3A_148, %get3A_151 : vector<16xf32>
          %add3A_153 = arith.addf %add3A_147, %mul3A_152 : vector<16xf32>
          %gather3A_154 = tpu.vector_load_idx %arg20[%add3A_47, %broadcast_in_dim3A] : memref<64x128xf32, #tpu.memory_space<vmem>>[vector<16xi32>, vector<16xi32>], vector<16xf32>,
          %get3A_155 = arith.index_cast %while3A_136 : i32 to index
          %get3A_156 = arith.constant 32 : index
          %get3A_157 = tpu.vector_load %arg15[%get3A_155, %get3A_156] {strides = array<i32>} : memref<512x128xf32, #tpu.memory_space<vmem>>, vector<16xf32>,
          %mul3A_158 = arith.mulf %gather3A_154, %get3A_157 : vector<16xf32>
          %add3A_159 = arith.addf %add3A_153, %mul3A_158 : vector<16xf32>
          %gather3A_160 = tpu.vector_load_idx %arg20[%add3A_51, %broadcast_in_dim3A] : memref<64x128xf32, #tpu.memory_space<vmem>>[vector<16xi32>, vector<16xi32>], vector<16xf32>,
          %get3A_161 = arith.index_cast %while3A_136 : i32 to index
          %get3A_162 = arith.constant 48 : index
          %get3A_163 = tpu.vector_load %arg15[%get3A_161, %get3A_162] {strides = array<i32>} : memref<512x128xf32, #tpu.memory_space<vmem>>, vector<16xf32>,
          %mul3A_164 = arith.mulf %gather3A_160, %get3A_163 : vector<16xf32>
          %add3A_165 = arith.addf %add3A_159, %mul3A_164 : vector<16xf32>
          %broadcast_in_dim3A_166 = arith.constant true
          %broadcast_in_dim3A_167 = vector.broadcast %broadcast_in_dim3A_166 : i1 to vector<16xi1>
          %masked_cumsum3A = tpu.scan <sum>, %add3A_165 masked %broadcast_in_dim3A_167 : vector<16xf32>, vector<16xi1> -> vector<16xf32>
          %broadcast_in_dim3A_168 = vector.broadcast %while3A_136 : i32 to vector<16xi32>
          tpu.vector_store_idx %arg22[%broadcast_in_dim3A_168], %masked_cumsum3A masked %eq3A_54 : memref<512xf32, #tpu.memory_space<vmem>>[vector<16xi32>], vector<16xf32>, vector<16xi1>
        }
        %while3A_130 = arith.constant 1 : i32
        scf.for %while3A_136 = %while3A_128 to %while3A_124 step %while3A_130  : i32 {
          %get3A_137 = arith.index_cast %while3A_136 : i32 to index
          %get3A_138 = tpu.vector_load %arg10[%get3A_137] {strides = array<i32>} : memref<528xi32, #tpu.memory_space<vmem>>, vector<16xi32>,
          %slice3A_139 = vector.extract_strided_slice %get3A_138 {offsets = [0], sizes = [1], strides = [1]} : vector<16xi32> to vector<1xi32>
          %squeeze3A_140 = vector.extract %slice3A_139[0] : i32 from vector<1xi32>
          %sub3A = arith.subi %squeeze3A_140, %squeeze3A_121 : i32
          %broadcast_in_dim3A = vector.broadcast %sub3A : i32 to vector<16xi32>
          %broadcast_in_dim3A_141 = arith.constant 0.000000e+00 : f32
          %broadcast_in_dim3A_142 = vector.broadcast %broadcast_in_dim3A_141 : f32 to vector<16xf32>
          %gather3A = tpu.vector_load_idx %arg20[%add3A_39, %broadcast_in_dim3A] : memref<64x128xf32, #tpu.memory_space<vmem>>[vector<16xi32>, vector<16xi32>], vector<16xf32>,
          %get3A_143 = arith.index_cast %while3A_136 : i32 to index
          %get3A_144 = arith.constant 0 : index
          %get3A_145 = tpu.vector_load %arg15[%get3A_143, %get3A_144] {strides = array<i32>} : memref<512x128xf32, #tpu.memory_space<vmem>>, vector<16xf32>,
          %mul3A_146 = arith.mulf %gather3A, %get3A_145 : vector<16xf32>
          %add3A_147 = arith.addf %broadcast_in_dim3A_142, %mul3A_146 : vector<16xf32>
          %gather3A_148 = tpu.vector_load_idx %arg20[%add3A_43, %broadcast_in_dim3A] : memref<64x128xf32, #tpu.memory_space<vmem>>[vector<16xi32>, vector<16xi32>], vector<16xf32>,
          %get3A_149 = arith.index_cast %while3A_136 : i32 to index
          %get3A_150 = arith.constant 16 : index
          %get3A_151 = tpu.vector_load %arg15[%get3A_149, %get3A_150] {strides = array<i32>} : memref<512x128xf32, #tpu.memory_space<vmem>>, vector<16xf32>,
          %mul3A_152 = arith.mulf %gather3A_148, %get3A_151 : vector<16xf32>
          %add3A_153 = arith.addf %add3A_147, %mul3A_152 : vector<16xf32>
          %gather3A_154 = tpu.vector_load_idx %arg20[%add3A_47, %broadcast_in_dim3A] : memref<64x128xf32, #tpu.memory_space<vmem>>[vector<16xi32>, vector<16xi32>], vector<16xf32>,
          %get3A_155 = arith.index_cast %while3A_136 : i32 to index
          %get3A_156 = arith.constant 32 : index
          %get3A_157 = tpu.vector_load %arg15[%get3A_155, %get3A_156] {strides = array<i32>} : memref<512x128xf32, #tpu.memory_space<vmem>>, vector<16xf32>,
          %mul3A_158 = arith.mulf %gather3A_154, %get3A_157 : vector<16xf32>
          %add3A_159 = arith.addf %add3A_153, %mul3A_158 : vector<16xf32>
          %gather3A_160 = tpu.vector_load_idx %arg20[%add3A_51, %broadcast_in_dim3A] : memref<64x128xf32, #tpu.memory_space<vmem>>[vector<16xi32>, vector<16xi32>], vector<16xf32>,
          %get3A_161 = arith.index_cast %while3A_136 : i32 to index
          %get3A_162 = arith.constant 48 : index
          %get3A_163 = tpu.vector_load %arg15[%get3A_161, %get3A_162] {strides = array<i32>} : memref<512x128xf32, #tpu.memory_space<vmem>>, vector<16xf32>,
          %mul3A_164 = arith.mulf %gather3A_160, %get3A_163 : vector<16xf32>
          %add3A_165 = arith.addf %add3A_159, %mul3A_164 : vector<16xf32>
          %broadcast_in_dim3A_166 = arith.constant true
          %broadcast_in_dim3A_167 = vector.broadcast %broadcast_in_dim3A_166 : i1 to vector<16xi1>
          %masked_cumsum3A = tpu.scan <sum>, %add3A_165 masked %broadcast_in_dim3A_167 : vector<16xf32>, vector<16xi1> -> vector<16xf32>
          %broadcast_in_dim3A_168 = vector.broadcast %while3A_136 : i32 to vector<16xi32>
          tpu.vector_store_idx %arg22[%broadcast_in_dim3A_168], %masked_cumsum3A masked %eq3A_54 : memref<512xf32, #tpu.memory_space<vmem>>[vector<16xi32>], vector<16xf32>, vector<16xi1>
        }
        %add3A_131 = arith.constant 6 : i32
        %add3A_132 = arith.addi %while3A_69, %add3A_131 : i32
        %lt3A = arith.cmpi slt, %add3A_132, %squeeze3A : i32
        %convert_element_type3A_133 = arith.extui %lt3A : i1 to i32
        %cond3A_134 = arith.constant 0 : i32
        %cond3A_135 = arith.cmpi ne, %convert_element_type3A_133, %cond3A_134 : i32
        scf.if %cond3A_135 {
          %get3A_136 = arith.index_cast %add3A_132 : i32 to index
          %get3A_137 = tpu.vector_load %arg13[%get3A_136] {strides = array<i32>} : memref<536xi32, #tpu.memory_space<vmem>>, vector<16xi32>,
          %slice3A_138 = vector.extract_strided_slice %get3A_137 {offsets = [0], sizes = [1], strides = [1]} : vector<16xi32> to vector<1xi32>
          %squeeze3A_139 = vector.extract %slice3A_138[0] : i32 from vector<1xi32>
          %get3A_140 = arith.index_cast %squeeze3A_139 : i32 to index
          %get3A_141 = tpu.vector_load %arg12[%get3A_140] {strides = array<i32>} : memref<528xi32, #tpu.memory_space<vmem>>, vector<16xi32>,
          %slice3A_142 = vector.extract_strided_slice %get3A_141 {offsets = [0], sizes = [1], strides = [1]} : vector<16xi32> to vector<1xi32>
          %squeeze3A_143 = vector.extract %slice3A_142[0] : i32 from vector<1xi32>
          %multiple_of3A = tpu.assume_multiple %squeeze3A_143, 128 : i32
          %dma_start3A_144 = arith.constant 0 : i32
          %dma_start3A_145 = tpu.memref_slice %arg7[%dma_start3A_144, %multiple_of3A] : memref<64x1000000xf32, #tpu.memory_space<hbm>> -> memref<64x128xf32, #tpu.memory_space<hbm>>
          %dma_start3A_146 = arith.constant 0 : i32
          %dma_start3A_147 = tpu.memref_slice %arg7[%dma_start3A_146, %multiple_of3A] : memref<64x1000000xf32, #tpu.memory_space<hbm>> -> memref<64x128xf32, #tpu.memory_space<hbm>>
          tpu.enqueue_dma source(%dma_start3A_147 : memref<64x128xf32, #tpu.memory_space<hbm>>) target(%arg20 : memref<64x128xf32, #tpu.memory_space<vmem>>) target_semaphore(%arg28 : memref<!tpu.dma_semaphore, #tpu.memory_space<semaphore_mem>>)
        } else {
        }
      } else {
      }
      %eq3A_96 = arith.constant 5 : i32
      %eq3A_97 = arith.cmpi eq, %rem3A_70, %eq3A_96 : i32
      %convert_element_type3A_98 = arith.extui %eq3A_97 : i1 to i32
      %cond3A_99 = arith.constant 0 : i32
      %cond3A_100 = arith.cmpi ne, %convert_element_type3A_98, %cond3A_99 : i32
      scf.if %cond3A_100 {
        %dma_wait3A_101 = arith.constant 0 : i32
        %dma_wait3A_102 = arith.constant 0 : i32
        %dma_wait3A_103 = tpu.memref_slice %arg7[%dma_wait3A_101, %dma_wait3A_102] : memref<64x1000000xf32, #tpu.memory_space<hbm>> -> memref<64x128xf32, #tpu.memory_space<hbm>>
        %dma_wait3A_104 = arith.constant 0 : i32
        %dma_wait3A_105 = arith.constant 0 : i32
        %dma_wait3A_106 = tpu.memref_slice %arg7[%dma_wait3A_104, %dma_wait3A_105] : memref<64x1000000xf32, #tpu.memory_space<hbm>> -> memref<64x128xf32, #tpu.memory_space<hbm>>
        tpu.wait_dma2 semaphore(%arg29 : memref<!tpu.dma_semaphore, #tpu.memory_space<semaphore_mem>>) src(%dma_wait3A_106 : memref<64x128xf32, #tpu.memory_space<hbm>>) dst(%arg21 : memref<64x128xf32, #tpu.memory_space<vmem>>)
        %get3A_107 = arith.index_cast %while3A_69 : i32 to index
        %get3A_108 = tpu.vector_load %arg13[%get3A_107] {strides = array<i32>} : memref<536xi32, #tpu.memory_space<vmem>>, vector<16xi32>,
        %slice3A_109 = vector.extract_strided_slice %get3A_108 {offsets = [0], sizes = [1], strides = [1]} : vector<16xi32> to vector<1xi32>
        %squeeze3A_110 = vector.extract %slice3A_109[0] : i32 from vector<1xi32>
        %add3A_111 = arith.constant 1 : i32
        %add3A_112 = arith.addi %while3A_69, %add3A_111 : i32
        %get3A_113 = arith.index_cast %add3A_112 : i32 to index
        %get3A_114 = tpu.vector_load %arg13[%get3A_113] {strides = array<i32>} : memref<536xi32, #tpu.memory_space<vmem>>, vector<16xi32>,
        %slice3A_115 = vector.extract_strided_slice %get3A_114 {offsets = [0], sizes = [1], strides = [1]} : vector<16xi32> to vector<1xi32>
        %squeeze3A_116 = vector.extract %slice3A_115[0] : i32 from vector<1xi32>
        %min3A = arith.constant 512 : i32
        %min3A_117 = arith.minsi %squeeze3A_116, %min3A : i32
        %get3A_118 = arith.index_cast %squeeze3A_110 : i32 to index
        %get3A_119 = tpu.vector_load %arg12[%get3A_118] {strides = array<i32>} : memref<528xi32, #tpu.memory_space<vmem>>, vector<16xi32>,
        %slice3A_120 = vector.extract_strided_slice %get3A_119 {offsets = [0], sizes = [1], strides = [1]} : vector<16xi32> to vector<1xi32>
        %squeeze3A_121 = vector.extract %slice3A_120[0] : i32 from vector<1xi32>
        %while3A_122 = arith.constant 0 : i32
        %while3A_123 = arith.subi %min3A_117, %squeeze3A_110 : i32
        %while3A_124 = arith.addi %squeeze3A_110, %while3A_123 : i32
        %while3A_125 = arith.constant 1 : i32
        %while3A_126 = arith.divsi %while3A_123, %while3A_125 : i32
        %while3A_127 = arith.muli %while3A_126, %while3A_125 : i32
        %while3A_128 = arith.addi %squeeze3A_110, %while3A_127 : i32
        %while3A_129 = arith.constant 1 : i32
        scf.for %while3A_136 = %squeeze3A_110 to %while3A_128 step %while3A_129  : i32 {
          %get3A_137 = arith.index_cast %while3A_136 : i32 to index
          %get3A_138 = tpu.vector_load %arg10[%get3A_137] {strides = array<i32>} : memref<528xi32, #tpu.memory_space<vmem>>, vector<16xi32>,
          %slice3A_139 = vector.extract_strided_slice %get3A_138 {offsets = [0], sizes = [1], strides = [1]} : vector<16xi32> to vector<1xi32>
          %squeeze3A_140 = vector.extract %slice3A_139[0] : i32 from vector<1xi32>
          %sub3A = arith.subi %squeeze3A_140, %squeeze3A_121 : i32
          %broadcast_in_dim3A = vector.broadcast %sub3A : i32 to vector<16xi32>
          %broadcast_in_dim3A_141 = arith.constant 0.000000e+00 : f32
          %broadcast_in_dim3A_142 = vector.broadcast %broadcast_in_dim3A_141 : f32 to vector<16xf32>
          %gather3A = tpu.vector_load_idx %arg21[%add3A_39, %broadcast_in_dim3A] : memref<64x128xf32, #tpu.memory_space<vmem>>[vector<16xi32>, vector<16xi32>], vector<16xf32>,
          %get3A_143 = arith.index_cast %while3A_136 : i32 to index
          %get3A_144 = arith.constant 0 : index
          %get3A_145 = tpu.vector_load %arg15[%get3A_143, %get3A_144] {strides = array<i32>} : memref<512x128xf32, #tpu.memory_space<vmem>>, vector<16xf32>,
          %mul3A_146 = arith.mulf %gather3A, %get3A_145 : vector<16xf32>
          %add3A_147 = arith.addf %broadcast_in_dim3A_142, %mul3A_146 : vector<16xf32>
          %gather3A_148 = tpu.vector_load_idx %arg21[%add3A_43, %broadcast_in_dim3A] : memref<64x128xf32, #tpu.memory_space<vmem>>[vector<16xi32>, vector<16xi32>], vector<16xf32>,
          %get3A_149 = arith.index_cast %while3A_136 : i32 to index
          %get3A_150 = arith.constant 16 : index
          %get3A_151 = tpu.vector_load %arg15[%get3A_149, %get3A_150] {strides = array<i32>} : memref<512x128xf32, #tpu.memory_space<vmem>>, vector<16xf32>,
          %mul3A_152 = arith.mulf %gather3A_148, %get3A_151 : vector<16xf32>
          %add3A_153 = arith.addf %add3A_147, %mul3A_152 : vector<16xf32>
          %gather3A_154 = tpu.vector_load_idx %arg21[%add3A_47, %broadcast_in_dim3A] : memref<64x128xf32, #tpu.memory_space<vmem>>[vector<16xi32>, vector<16xi32>], vector<16xf32>,
          %get3A_155 = arith.index_cast %while3A_136 : i32 to index
          %get3A_156 = arith.constant 32 : index
          %get3A_157 = tpu.vector_load %arg15[%get3A_155, %get3A_156] {strides = array<i32>} : memref<512x128xf32, #tpu.memory_space<vmem>>, vector<16xf32>,
          %mul3A_158 = arith.mulf %gather3A_154, %get3A_157 : vector<16xf32>
          %add3A_159 = arith.addf %add3A_153, %mul3A_158 : vector<16xf32>
          %gather3A_160 = tpu.vector_load_idx %arg21[%add3A_51, %broadcast_in_dim3A] : memref<64x128xf32, #tpu.memory_space<vmem>>[vector<16xi32>, vector<16xi32>], vector<16xf32>,
          %get3A_161 = arith.index_cast %while3A_136 : i32 to index
          %get3A_162 = arith.constant 48 : index
          %get3A_163 = tpu.vector_load %arg15[%get3A_161, %get3A_162] {strides = array<i32>} : memref<512x128xf32, #tpu.memory_space<vmem>>, vector<16xf32>,
          %mul3A_164 = arith.mulf %gather3A_160, %get3A_163 : vector<16xf32>
          %add3A_165 = arith.addf %add3A_159, %mul3A_164 : vector<16xf32>
          %broadcast_in_dim3A_166 = arith.constant true
          %broadcast_in_dim3A_167 = vector.broadcast %broadcast_in_dim3A_166 : i1 to vector<16xi1>
          %masked_cumsum3A = tpu.scan <sum>, %add3A_165 masked %broadcast_in_dim3A_167 : vector<16xf32>, vector<16xi1> -> vector<16xf32>
          %broadcast_in_dim3A_168 = vector.broadcast %while3A_136 : i32 to vector<16xi32>
          tpu.vector_store_idx %arg22[%broadcast_in_dim3A_168], %masked_cumsum3A masked %eq3A_54 : memref<512xf32, #tpu.memory_space<vmem>>[vector<16xi32>], vector<16xf32>, vector<16xi1>
        }
        %while3A_130 = arith.constant 1 : i32
        scf.for %while3A_136 = %while3A_128 to %while3A_124 step %while3A_130  : i32 {
          %get3A_137 = arith.index_cast %while3A_136 : i32 to index
          %get3A_138 = tpu.vector_load %arg10[%get3A_137] {strides = array<i32>} : memref<528xi32, #tpu.memory_space<vmem>>, vector<16xi32>,
          %slice3A_139 = vector.extract_strided_slice %get3A_138 {offsets = [0], sizes = [1], strides = [1]} : vector<16xi32> to vector<1xi32>
          %squeeze3A_140 = vector.extract %slice3A_139[0] : i32 from vector<1xi32>
          %sub3A = arith.subi %squeeze3A_140, %squeeze3A_121 : i32
          %broadcast_in_dim3A = vector.broadcast %sub3A : i32 to vector<16xi32>
          %broadcast_in_dim3A_141 = arith.constant 0.000000e+00 : f32
          %broadcast_in_dim3A_142 = vector.broadcast %broadcast_in_dim3A_141 : f32 to vector<16xf32>
          %gather3A = tpu.vector_load_idx %arg21[%add3A_39, %broadcast_in_dim3A] : memref<64x128xf32, #tpu.memory_space<vmem>>[vector<16xi32>, vector<16xi32>], vector<16xf32>,
          %get3A_143 = arith.index_cast %while3A_136 : i32 to index
          %get3A_144 = arith.constant 0 : index
          %get3A_145 = tpu.vector_load %arg15[%get3A_143, %get3A_144] {strides = array<i32>} : memref<512x128xf32, #tpu.memory_space<vmem>>, vector<16xf32>,
          %mul3A_146 = arith.mulf %gather3A, %get3A_145 : vector<16xf32>
          %add3A_147 = arith.addf %broadcast_in_dim3A_142, %mul3A_146 : vector<16xf32>
          %gather3A_148 = tpu.vector_load_idx %arg21[%add3A_43, %broadcast_in_dim3A] : memref<64x128xf32, #tpu.memory_space<vmem>>[vector<16xi32>, vector<16xi32>], vector<16xf32>,
          %get3A_149 = arith.index_cast %while3A_136 : i32 to index
          %get3A_150 = arith.constant 16 : index
          %get3A_151 = tpu.vector_load %arg15[%get3A_149, %get3A_150] {strides = array<i32>} : memref<512x128xf32, #tpu.memory_space<vmem>>, vector<16xf32>,
          %mul3A_152 = arith.mulf %gather3A_148, %get3A_151 : vector<16xf32>
          %add3A_153 = arith.addf %add3A_147, %mul3A_152 : vector<16xf32>
          %gather3A_154 = tpu.vector_load_idx %arg21[%add3A_47, %broadcast_in_dim3A] : memref<64x128xf32, #tpu.memory_space<vmem>>[vector<16xi32>, vector<16xi32>], vector<16xf32>,
          %get3A_155 = arith.index_cast %while3A_136 : i32 to index
          %get3A_156 = arith.constant 32 : index
          %get3A_157 = tpu.vector_load %arg15[%get3A_155, %get3A_156] {strides = array<i32>} : memref<512x128xf32, #tpu.memory_space<vmem>>, vector<16xf32>,
          %mul3A_158 = arith.mulf %gather3A_154, %get3A_157 : vector<16xf32>
          %add3A_159 = arith.addf %add3A_153, %mul3A_158 : vector<16xf32>
          %gather3A_160 = tpu.vector_load_idx %arg21[%add3A_51, %broadcast_in_dim3A] : memref<64x128xf32, #tpu.memory_space<vmem>>[vector<16xi32>, vector<16xi32>], vector<16xf32>,
          %get3A_161 = arith.index_cast %while3A_136 : i32 to index
          %get3A_162 = arith.constant 48 : index
          %get3A_163 = tpu.vector_load %arg15[%get3A_161, %get3A_162] {strides = array<i32>} : memref<512x128xf32, #tpu.memory_space<vmem>>, vector<16xf32>,
          %mul3A_164 = arith.mulf %gather3A_160, %get3A_163 : vector<16xf32>
          %add3A_165 = arith.addf %add3A_159, %mul3A_164 : vector<16xf32>
          %broadcast_in_dim3A_166 = arith.constant true
          %broadcast_in_dim3A_167 = vector.broadcast %broadcast_in_dim3A_166 : i1 to vector<16xi1>
          %masked_cumsum3A = tpu.scan <sum>, %add3A_165 masked %broadcast_in_dim3A_167 : vector<16xf32>, vector<16xi1> -> vector<16xf32>
          %broadcast_in_dim3A_168 = vector.broadcast %while3A_136 : i32 to vector<16xi32>
          tpu.vector_store_idx %arg22[%broadcast_in_dim3A_168], %masked_cumsum3A masked %eq3A_54 : memref<512xf32, #tpu.memory_space<vmem>>[vector<16xi32>], vector<16xf32>, vector<16xi1>
        }
        %add3A_131 = arith.constant 6 : i32
        %add3A_132 = arith.addi %while3A_69, %add3A_131 : i32
        %lt3A = arith.cmpi slt, %add3A_132, %squeeze3A : i32
        %convert_element_type3A_133 = arith.extui %lt3A : i1 to i32
        %cond3A_134 = arith.constant 0 : i32
        %cond3A_135 = arith.cmpi ne, %convert_element_type3A_133, %cond3A_134 : i32
        scf.if %cond3A_135 {
          %get3A_136 = arith.index_cast %add3A_132 : i32 to index
          %get3A_137 = tpu.vector_load %arg13[%get3A_136] {strides = array<i32>} : memref<536xi32, #tpu.memory_space<vmem>>, vector<16xi32>,
          %slice3A_138 = vector.extract_strided_slice %get3A_137 {offsets = [0], sizes = [1], strides = [1]} : vector<16xi32> to vector<1xi32>
          %squeeze3A_139 = vector.extract %slice3A_138[0] : i32 from vector<1xi32>
          %get3A_140 = arith.index_cast %squeeze3A_139 : i32 to index
          %get3A_141 = tpu.vector_load %arg12[%get3A_140] {strides = array<i32>} : memref<528xi32, #tpu.memory_space<vmem>>, vector<16xi32>,
          %slice3A_142 = vector.extract_strided_slice %get3A_141 {offsets = [0], sizes = [1], strides = [1]} : vector<16xi32> to vector<1xi32>
          %squeeze3A_143 = vector.extract %slice3A_142[0] : i32 from vector<1xi32>
          %multiple_of3A = tpu.assume_multiple %squeeze3A_143, 128 : i32
          %dma_start3A_144 = arith.constant 0 : i32
          %dma_start3A_145 = tpu.memref_slice %arg7[%dma_start3A_144, %multiple_of3A] : memref<64x1000000xf32, #tpu.memory_space<hbm>> -> memref<64x128xf32, #tpu.memory_space<hbm>>
          %dma_start3A_146 = arith.constant 0 : i32
          %dma_start3A_147 = tpu.memref_slice %arg7[%dma_start3A_146, %multiple_of3A] : memref<64x1000000xf32, #tpu.memory_space<hbm>> -> memref<64x128xf32, #tpu.memory_space<hbm>>
          tpu.enqueue_dma source(%dma_start3A_147 : memref<64x128xf32, #tpu.memory_space<hbm>>) target(%arg21 : memref<64x128xf32, #tpu.memory_space<vmem>>) target_semaphore(%arg29 : memref<!tpu.dma_semaphore, #tpu.memory_space<semaphore_mem>>)
        } else {
        }
      } else {
      }
    }
    %while3A_63 = arith.constant 1 : i32
    scf.for %while3A_69 = %while3A_61 to %while3A_57 step %while3A_63  : i32 {
      %rem3A = arith.constant 6 : i32
      %rem3A_70 = arith.remsi %while3A_69, %rem3A : i32
      %eq3A_71 = arith.constant 0 : i32
      %eq3A_72 = arith.cmpi eq, %rem3A_70, %eq3A_71 : i32
      %convert_element_type3A_73 = arith.extui %eq3A_72 : i1 to i32
      %cond3A_74 = arith.constant 0 : i32
      %cond3A_75 = arith.cmpi ne, %convert_element_type3A_73, %cond3A_74 : i32
      scf.if %cond3A_75 {
        %dma_wait3A_101 = arith.constant 0 : i32
        %dma_wait3A_102 = arith.constant 0 : i32
        %dma_wait3A_103 = tpu.memref_slice %arg7[%dma_wait3A_101, %dma_wait3A_102] : memref<64x1000000xf32, #tpu.memory_space<hbm>> -> memref<64x128xf32, #tpu.memory_space<hbm>>
        %dma_wait3A_104 = arith.constant 0 : i32
        %dma_wait3A_105 = arith.constant 0 : i32
        %dma_wait3A_106 = tpu.memref_slice %arg7[%dma_wait3A_104, %dma_wait3A_105] : memref<64x1000000xf32, #tpu.memory_space<hbm>> -> memref<64x128xf32, #tpu.memory_space<hbm>>
        tpu.wait_dma2 semaphore(%arg24 : memref<!tpu.dma_semaphore, #tpu.memory_space<semaphore_mem>>) src(%dma_wait3A_106 : memref<64x128xf32, #tpu.memory_space<hbm>>) dst(%arg16 : memref<64x128xf32, #tpu.memory_space<vmem>>)
        %get3A_107 = arith.index_cast %while3A_69 : i32 to index
        %get3A_108 = tpu.vector_load %arg13[%get3A_107] {strides = array<i32>} : memref<536xi32, #tpu.memory_space<vmem>>, vector<16xi32>,
        %slice3A_109 = vector.extract_strided_slice %get3A_108 {offsets = [0], sizes = [1], strides = [1]} : vector<16xi32> to vector<1xi32>
        %squeeze3A_110 = vector.extract %slice3A_109[0] : i32 from vector<1xi32>
        %add3A_111 = arith.constant 1 : i32
        %add3A_112 = arith.addi %while3A_69, %add3A_111 : i32
        %get3A_113 = arith.index_cast %add3A_112 : i32 to index
        %get3A_114 = tpu.vector_load %arg13[%get3A_113] {strides = array<i32>} : memref<536xi32, #tpu.memory_space<vmem>>, vector<16xi32>,
        %slice3A_115 = vector.extract_strided_slice %get3A_114 {offsets = [0], sizes = [1], strides = [1]} : vector<16xi32> to vector<1xi32>
        %squeeze3A_116 = vector.extract %slice3A_115[0] : i32 from vector<1xi32>
        %min3A = arith.constant 512 : i32
        %min3A_117 = arith.minsi %squeeze3A_116, %min3A : i32
        %get3A_118 = arith.index_cast %squeeze3A_110 : i32 to index
        %get3A_119 = tpu.vector_load %arg12[%get3A_118] {strides = array<i32>} : memref<528xi32, #tpu.memory_space<vmem>>, vector<16xi32>,
        %slice3A_120 = vector.extract_strided_slice %get3A_119 {offsets = [0], sizes = [1], strides = [1]} : vector<16xi32> to vector<1xi32>
        %squeeze3A_121 = vector.extract %slice3A_120[0] : i32 from vector<1xi32>
        %while3A_122 = arith.constant 0 : i32
        %while3A_123 = arith.subi %min3A_117, %squeeze3A_110 : i32
        %while3A_124 = arith.addi %squeeze3A_110, %while3A_123 : i32
        %while3A_125 = arith.constant 1 : i32
        %while3A_126 = arith.divsi %while3A_123, %while3A_125 : i32
        %while3A_127 = arith.muli %while3A_126, %while3A_125 : i32
        %while3A_128 = arith.addi %squeeze3A_110, %while3A_127 : i32
        %while3A_129 = arith.constant 1 : i32
        scf.for %while3A_136 = %squeeze3A_110 to %while3A_128 step %while3A_129  : i32 {
          %get3A_137 = arith.index_cast %while3A_136 : i32 to index
          %get3A_138 = tpu.vector_load %arg10[%get3A_137] {strides = array<i32>} : memref<528xi32, #tpu.memory_space<vmem>>, vector<16xi32>,
          %slice3A_139 = vector.extract_strided_slice %get3A_138 {offsets = [0], sizes = [1], strides = [1]} : vector<16xi32> to vector<1xi32>
          %squeeze3A_140 = vector.extract %slice3A_139[0] : i32 from vector<1xi32>
          %sub3A = arith.subi %squeeze3A_140, %squeeze3A_121 : i32
          %broadcast_in_dim3A = vector.broadcast %sub3A : i32 to vector<16xi32>
          %broadcast_in_dim3A_141 = arith.constant 0.000000e+00 : f32
          %broadcast_in_dim3A_142 = vector.broadcast %broadcast_in_dim3A_141 : f32 to vector<16xf32>
          %gather3A = tpu.vector_load_idx %arg16[%add3A_39, %broadcast_in_dim3A] : memref<64x128xf32, #tpu.memory_space<vmem>>[vector<16xi32>, vector<16xi32>], vector<16xf32>,
          %get3A_143 = arith.index_cast %while3A_136 : i32 to index
          %get3A_144 = arith.constant 0 : index
          %get3A_145 = tpu.vector_load %arg15[%get3A_143, %get3A_144] {strides = array<i32>} : memref<512x128xf32, #tpu.memory_space<vmem>>, vector<16xf32>,
          %mul3A_146 = arith.mulf %gather3A, %get3A_145 : vector<16xf32>
          %add3A_147 = arith.addf %broadcast_in_dim3A_142, %mul3A_146 : vector<16xf32>
          %gather3A_148 = tpu.vector_load_idx %arg16[%add3A_43, %broadcast_in_dim3A] : memref<64x128xf32, #tpu.memory_space<vmem>>[vector<16xi32>, vector<16xi32>], vector<16xf32>,
          %get3A_149 = arith.index_cast %while3A_136 : i32 to index
          %get3A_150 = arith.constant 16 : index
          %get3A_151 = tpu.vector_load %arg15[%get3A_149, %get3A_150] {strides = array<i32>} : memref<512x128xf32, #tpu.memory_space<vmem>>, vector<16xf32>,
          %mul3A_152 = arith.mulf %gather3A_148, %get3A_151 : vector<16xf32>
          %add3A_153 = arith.addf %add3A_147, %mul3A_152 : vector<16xf32>
          %gather3A_154 = tpu.vector_load_idx %arg16[%add3A_47, %broadcast_in_dim3A] : memref<64x128xf32, #tpu.memory_space<vmem>>[vector<16xi32>, vector<16xi32>], vector<16xf32>,
          %get3A_155 = arith.index_cast %while3A_136 : i32 to index
          %get3A_156 = arith.constant 32 : index
          %get3A_157 = tpu.vector_load %arg15[%get3A_155, %get3A_156] {strides = array<i32>} : memref<512x128xf32, #tpu.memory_space<vmem>>, vector<16xf32>,
          %mul3A_158 = arith.mulf %gather3A_154, %get3A_157 : vector<16xf32>
          %add3A_159 = arith.addf %add3A_153, %mul3A_158 : vector<16xf32>
          %gather3A_160 = tpu.vector_load_idx %arg16[%add3A_51, %broadcast_in_dim3A] : memref<64x128xf32, #tpu.memory_space<vmem>>[vector<16xi32>, vector<16xi32>], vector<16xf32>,
          %get3A_161 = arith.index_cast %while3A_136 : i32 to index
          %get3A_162 = arith.constant 48 : index
          %get3A_163 = tpu.vector_load %arg15[%get3A_161, %get3A_162] {strides = array<i32>} : memref<512x128xf32, #tpu.memory_space<vmem>>, vector<16xf32>,
          %mul3A_164 = arith.mulf %gather3A_160, %get3A_163 : vector<16xf32>
          %add3A_165 = arith.addf %add3A_159, %mul3A_164 : vector<16xf32>
          %broadcast_in_dim3A_166 = arith.constant true
          %broadcast_in_dim3A_167 = vector.broadcast %broadcast_in_dim3A_166 : i1 to vector<16xi1>
          %masked_cumsum3A = tpu.scan <sum>, %add3A_165 masked %broadcast_in_dim3A_167 : vector<16xf32>, vector<16xi1> -> vector<16xf32>
          %broadcast_in_dim3A_168 = vector.broadcast %while3A_136 : i32 to vector<16xi32>
          tpu.vector_store_idx %arg22[%broadcast_in_dim3A_168], %masked_cumsum3A masked %eq3A_54 : memref<512xf32, #tpu.memory_space<vmem>>[vector<16xi32>], vector<16xf32>, vector<16xi1>
        }
        %while3A_130 = arith.constant 1 : i32
        scf.for %while3A_136 = %while3A_128 to %while3A_124 step %while3A_130  : i32 {
          %get3A_137 = arith.index_cast %while3A_136 : i32 to index
          %get3A_138 = tpu.vector_load %arg10[%get3A_137] {strides = array<i32>} : memref<528xi32, #tpu.memory_space<vmem>>, vector<16xi32>,
          %slice3A_139 = vector.extract_strided_slice %get3A_138 {offsets = [0], sizes = [1], strides = [1]} : vector<16xi32> to vector<1xi32>
          %squeeze3A_140 = vector.extract %slice3A_139[0] : i32 from vector<1xi32>
          %sub3A = arith.subi %squeeze3A_140, %squeeze3A_121 : i32
          %broadcast_in_dim3A = vector.broadcast %sub3A : i32 to vector<16xi32>
          %broadcast_in_dim3A_141 = arith.constant 0.000000e+00 : f32
          %broadcast_in_dim3A_142 = vector.broadcast %broadcast_in_dim3A_141 : f32 to vector<16xf32>
          %gather3A = tpu.vector_load_idx %arg16[%add3A_39, %broadcast_in_dim3A] : memref<64x128xf32, #tpu.memory_space<vmem>>[vector<16xi32>, vector<16xi32>], vector<16xf32>,
          %get3A_143 = arith.index_cast %while3A_136 : i32 to index
          %get3A_144 = arith.constant 0 : index
          %get3A_145 = tpu.vector_load %arg15[%get3A_143, %get3A_144] {strides = array<i32>} : memref<512x128xf32, #tpu.memory_space<vmem>>, vector<16xf32>,
          %mul3A_146 = arith.mulf %gather3A, %get3A_145 : vector<16xf32>
          %add3A_147 = arith.addf %broadcast_in_dim3A_142, %mul3A_146 : vector<16xf32>
          %gather3A_148 = tpu.vector_load_idx %arg16[%add3A_43, %broadcast_in_dim3A] : memref<64x128xf32, #tpu.memory_space<vmem>>[vector<16xi32>, vector<16xi32>], vector<16xf32>,
          %get3A_149 = arith.index_cast %while3A_136 : i32 to index
          %get3A_150 = arith.constant 16 : index
          %get3A_151 = tpu.vector_load %arg15[%get3A_149, %get3A_150] {strides = array<i32>} : memref<512x128xf32, #tpu.memory_space<vmem>>, vector<16xf32>,
          %mul3A_152 = arith.mulf %gather3A_148, %get3A_151 : vector<16xf32>
          %add3A_153 = arith.addf %add3A_147, %mul3A_152 : vector<16xf32>
          %gather3A_154 = tpu.vector_load_idx %arg16[%add3A_47, %broadcast_in_dim3A] : memref<64x128xf32, #tpu.memory_space<vmem>>[vector<16xi32>, vector<16xi32>], vector<16xf32>,
          %get3A_155 = arith.index_cast %while3A_136 : i32 to index
          %get3A_156 = arith.constant 32 : index
          %get3A_157 = tpu.vector_load %arg15[%get3A_155, %get3A_156] {strides = array<i32>} : memref<512x128xf32, #tpu.memory_space<vmem>>, vector<16xf32>,
          %mul3A_158 = arith.mulf %gather3A_154, %get3A_157 : vector<16xf32>
          %add3A_159 = arith.addf %add3A_153, %mul3A_158 : vector<16xf32>
          %gather3A_160 = tpu.vector_load_idx %arg16[%add3A_51, %broadcast_in_dim3A] : memref<64x128xf32, #tpu.memory_space<vmem>>[vector<16xi32>, vector<16xi32>], vector<16xf32>,
          %get3A_161 = arith.index_cast %while3A_136 : i32 to index
          %get3A_162 = arith.constant 48 : index
          %get3A_163 = tpu.vector_load %arg15[%get3A_161, %get3A_162] {strides = array<i32>} : memref<512x128xf32, #tpu.memory_space<vmem>>, vector<16xf32>,
          %mul3A_164 = arith.mulf %gather3A_160, %get3A_163 : vector<16xf32>
          %add3A_165 = arith.addf %add3A_159, %mul3A_164 : vector<16xf32>
          %broadcast_in_dim3A_166 = arith.constant true
          %broadcast_in_dim3A_167 = vector.broadcast %broadcast_in_dim3A_166 : i1 to vector<16xi1>
          %masked_cumsum3A = tpu.scan <sum>, %add3A_165 masked %broadcast_in_dim3A_167 : vector<16xf32>, vector<16xi1> -> vector<16xf32>
          %broadcast_in_dim3A_168 = vector.broadcast %while3A_136 : i32 to vector<16xi32>
          tpu.vector_store_idx %arg22[%broadcast_in_dim3A_168], %masked_cumsum3A masked %eq3A_54 : memref<512xf32, #tpu.memory_space<vmem>>[vector<16xi32>], vector<16xf32>, vector<16xi1>
        }
        %add3A_131 = arith.constant 6 : i32
        %add3A_132 = arith.addi %while3A_69, %add3A_131 : i32
        %lt3A = arith.cmpi slt, %add3A_132, %squeeze3A : i32
        %convert_element_type3A_133 = arith.extui %lt3A : i1 to i32
        %cond3A_134 = arith.constant 0 : i32
        %cond3A_135 = arith.cmpi ne, %convert_element_type3A_133, %cond3A_134 : i32
        scf.if %cond3A_135 {
          %get3A_136 = arith.index_cast %add3A_132 : i32 to index
          %get3A_137 = tpu.vector_load %arg13[%get3A_136] {strides = array<i32>} : memref<536xi32, #tpu.memory_space<vmem>>, vector<16xi32>,
          %slice3A_138 = vector.extract_strided_slice %get3A_137 {offsets = [0], sizes = [1], strides = [1]} : vector<16xi32> to vector<1xi32>
          %squeeze3A_139 = vector.extract %slice3A_138[0] : i32 from vector<1xi32>
          %get3A_140 = arith.index_cast %squeeze3A_139 : i32 to index
          %get3A_141 = tpu.vector_load %arg12[%get3A_140] {strides = array<i32>} : memref<528xi32, #tpu.memory_space<vmem>>, vector<16xi32>,
          %slice3A_142 = vector.extract_strided_slice %get3A_141 {offsets = [0], sizes = [1], strides = [1]} : vector<16xi32> to vector<1xi32>
          %squeeze3A_143 = vector.extract %slice3A_142[0] : i32 from vector<1xi32>
          %multiple_of3A = tpu.assume_multiple %squeeze3A_143, 128 : i32
          %dma_start3A_144 = arith.constant 0 : i32
          %dma_start3A_145 = tpu.memref_slice %arg7[%dma_start3A_144, %multiple_of3A] : memref<64x1000000xf32, #tpu.memory_space<hbm>> -> memref<64x128xf32, #tpu.memory_space<hbm>>
          %dma_start3A_146 = arith.constant 0 : i32
          %dma_start3A_147 = tpu.memref_slice %arg7[%dma_start3A_146, %multiple_of3A] : memref<64x1000000xf32, #tpu.memory_space<hbm>> -> memref<64x128xf32, #tpu.memory_space<hbm>>
          tpu.enqueue_dma source(%dma_start3A_147 : memref<64x128xf32, #tpu.memory_space<hbm>>) target(%arg16 : memref<64x128xf32, #tpu.memory_space<vmem>>) target_semaphore(%arg24 : memref<!tpu.dma_semaphore, #tpu.memory_space<semaphore_mem>>)
        } else {
        }
      } else {
      }
      %eq3A_76 = arith.constant 1 : i32
      %eq3A_77 = arith.cmpi eq, %rem3A_70, %eq3A_76 : i32
      %convert_element_type3A_78 = arith.extui %eq3A_77 : i1 to i32
      %cond3A_79 = arith.constant 0 : i32
      %cond3A_80 = arith.cmpi ne, %convert_element_type3A_78, %cond3A_79 : i32
      scf.if %cond3A_80 {
        %dma_wait3A_101 = arith.constant 0 : i32
        %dma_wait3A_102 = arith.constant 0 : i32
        %dma_wait3A_103 = tpu.memref_slice %arg7[%dma_wait3A_101, %dma_wait3A_102] : memref<64x1000000xf32, #tpu.memory_space<hbm>> -> memref<64x128xf32, #tpu.memory_space<hbm>>
        %dma_wait3A_104 = arith.constant 0 : i32
        %dma_wait3A_105 = arith.constant 0 : i32
        %dma_wait3A_106 = tpu.memref_slice %arg7[%dma_wait3A_104, %dma_wait3A_105] : memref<64x1000000xf32, #tpu.memory_space<hbm>> -> memref<64x128xf32, #tpu.memory_space<hbm>>
        tpu.wait_dma2 semaphore(%arg25 : memref<!tpu.dma_semaphore, #tpu.memory_space<semaphore_mem>>) src(%dma_wait3A_106 : memref<64x128xf32, #tpu.memory_space<hbm>>) dst(%arg17 : memref<64x128xf32, #tpu.memory_space<vmem>>)
        %get3A_107 = arith.index_cast %while3A_69 : i32 to index
        %get3A_108 = tpu.vector_load %arg13[%get3A_107] {strides = array<i32>} : memref<536xi32, #tpu.memory_space<vmem>>, vector<16xi32>,
        %slice3A_109 = vector.extract_strided_slice %get3A_108 {offsets = [0], sizes = [1], strides = [1]} : vector<16xi32> to vector<1xi32>
        %squeeze3A_110 = vector.extract %slice3A_109[0] : i32 from vector<1xi32>
        %add3A_111 = arith.constant 1 : i32
        %add3A_112 = arith.addi %while3A_69, %add3A_111 : i32
        %get3A_113 = arith.index_cast %add3A_112 : i32 to index
        %get3A_114 = tpu.vector_load %arg13[%get3A_113] {strides = array<i32>} : memref<536xi32, #tpu.memory_space<vmem>>, vector<16xi32>,
        %slice3A_115 = vector.extract_strided_slice %get3A_114 {offsets = [0], sizes = [1], strides = [1]} : vector<16xi32> to vector<1xi32>
        %squeeze3A_116 = vector.extract %slice3A_115[0] : i32 from vector<1xi32>
        %min3A = arith.constant 512 : i32
        %min3A_117 = arith.minsi %squeeze3A_116, %min3A : i32
        %get3A_118 = arith.index_cast %squeeze3A_110 : i32 to index
        %get3A_119 = tpu.vector_load %arg12[%get3A_118] {strides = array<i32>} : memref<528xi32, #tpu.memory_space<vmem>>, vector<16xi32>,
        %slice3A_120 = vector.extract_strided_slice %get3A_119 {offsets = [0], sizes = [1], strides = [1]} : vector<16xi32> to vector<1xi32>
        %squeeze3A_121 = vector.extract %slice3A_120[0] : i32 from vector<1xi32>
        %while3A_122 = arith.constant 0 : i32
        %while3A_123 = arith.subi %min3A_117, %squeeze3A_110 : i32
        %while3A_124 = arith.addi %squeeze3A_110, %while3A_123 : i32
        %while3A_125 = arith.constant 1 : i32
        %while3A_126 = arith.divsi %while3A_123, %while3A_125 : i32
        %while3A_127 = arith.muli %while3A_126, %while3A_125 : i32
        %while3A_128 = arith.addi %squeeze3A_110, %while3A_127 : i32
        %while3A_129 = arith.constant 1 : i32
        scf.for %while3A_136 = %squeeze3A_110 to %while3A_128 step %while3A_129  : i32 {
          %get3A_137 = arith.index_cast %while3A_136 : i32 to index
          %get3A_138 = tpu.vector_load %arg10[%get3A_137] {strides = array<i32>} : memref<528xi32, #tpu.memory_space<vmem>>, vector<16xi32>,
          %slice3A_139 = vector.extract_strided_slice %get3A_138 {offsets = [0], sizes = [1], strides = [1]} : vector<16xi32> to vector<1xi32>
          %squeeze3A_140 = vector.extract %slice3A_139[0] : i32 from vector<1xi32>
          %sub3A = arith.subi %squeeze3A_140, %squeeze3A_121 : i32
          %broadcast_in_dim3A = vector.broadcast %sub3A : i32 to vector<16xi32>
          %broadcast_in_dim3A_141 = arith.constant 0.000000e+00 : f32
          %broadcast_in_dim3A_142 = vector.broadcast %broadcast_in_dim3A_141 : f32 to vector<16xf32>
          %gather3A = tpu.vector_load_idx %arg17[%add3A_39, %broadcast_in_dim3A] : memref<64x128xf32, #tpu.memory_space<vmem>>[vector<16xi32>, vector<16xi32>], vector<16xf32>,
          %get3A_143 = arith.index_cast %while3A_136 : i32 to index
          %get3A_144 = arith.constant 0 : index
          %get3A_145 = tpu.vector_load %arg15[%get3A_143, %get3A_144] {strides = array<i32>} : memref<512x128xf32, #tpu.memory_space<vmem>>, vector<16xf32>,
          %mul3A_146 = arith.mulf %gather3A, %get3A_145 : vector<16xf32>
          %add3A_147 = arith.addf %broadcast_in_dim3A_142, %mul3A_146 : vector<16xf32>
          %gather3A_148 = tpu.vector_load_idx %arg17[%add3A_43, %broadcast_in_dim3A] : memref<64x128xf32, #tpu.memory_space<vmem>>[vector<16xi32>, vector<16xi32>], vector<16xf32>,
          %get3A_149 = arith.index_cast %while3A_136 : i32 to index
          %get3A_150 = arith.constant 16 : index
          %get3A_151 = tpu.vector_load %arg15[%get3A_149, %get3A_150] {strides = array<i32>} : memref<512x128xf32, #tpu.memory_space<vmem>>, vector<16xf32>,
          %mul3A_152 = arith.mulf %gather3A_148, %get3A_151 : vector<16xf32>
          %add3A_153 = arith.addf %add3A_147, %mul3A_152 : vector<16xf32>
          %gather3A_154 = tpu.vector_load_idx %arg17[%add3A_47, %broadcast_in_dim3A] : memref<64x128xf32, #tpu.memory_space<vmem>>[vector<16xi32>, vector<16xi32>], vector<16xf32>,
          %get3A_155 = arith.index_cast %while3A_136 : i32 to index
          %get3A_156 = arith.constant 32 : index
          %get3A_157 = tpu.vector_load %arg15[%get3A_155, %get3A_156] {strides = array<i32>} : memref<512x128xf32, #tpu.memory_space<vmem>>, vector<16xf32>,
          %mul3A_158 = arith.mulf %gather3A_154, %get3A_157 : vector<16xf32>
          %add3A_159 = arith.addf %add3A_153, %mul3A_158 : vector<16xf32>
          %gather3A_160 = tpu.vector_load_idx %arg17[%add3A_51, %broadcast_in_dim3A] : memref<64x128xf32, #tpu.memory_space<vmem>>[vector<16xi32>, vector<16xi32>], vector<16xf32>,
          %get3A_161 = arith.index_cast %while3A_136 : i32 to index
          %get3A_162 = arith.constant 48 : index
          %get3A_163 = tpu.vector_load %arg15[%get3A_161, %get3A_162] {strides = array<i32>} : memref<512x128xf32, #tpu.memory_space<vmem>>, vector<16xf32>,
          %mul3A_164 = arith.mulf %gather3A_160, %get3A_163 : vector<16xf32>
          %add3A_165 = arith.addf %add3A_159, %mul3A_164 : vector<16xf32>
          %broadcast_in_dim3A_166 = arith.constant true
          %broadcast_in_dim3A_167 = vector.broadcast %broadcast_in_dim3A_166 : i1 to vector<16xi1>
          %masked_cumsum3A = tpu.scan <sum>, %add3A_165 masked %broadcast_in_dim3A_167 : vector<16xf32>, vector<16xi1> -> vector<16xf32>
          %broadcast_in_dim3A_168 = vector.broadcast %while3A_136 : i32 to vector<16xi32>
          tpu.vector_store_idx %arg22[%broadcast_in_dim3A_168], %masked_cumsum3A masked %eq3A_54 : memref<512xf32, #tpu.memory_space<vmem>>[vector<16xi32>], vector<16xf32>, vector<16xi1>
        }
        %while3A_130 = arith.constant 1 : i32
        scf.for %while3A_136 = %while3A_128 to %while3A_124 step %while3A_130  : i32 {
          %get3A_137 = arith.index_cast %while3A_136 : i32 to index
          %get3A_138 = tpu.vector_load %arg10[%get3A_137] {strides = array<i32>} : memref<528xi32, #tpu.memory_space<vmem>>, vector<16xi32>,
          %slice3A_139 = vector.extract_strided_slice %get3A_138 {offsets = [0], sizes = [1], strides = [1]} : vector<16xi32> to vector<1xi32>
          %squeeze3A_140 = vector.extract %slice3A_139[0] : i32 from vector<1xi32>
          %sub3A = arith.subi %squeeze3A_140, %squeeze3A_121 : i32
          %broadcast_in_dim3A = vector.broadcast %sub3A : i32 to vector<16xi32>
          %broadcast_in_dim3A_141 = arith.constant 0.000000e+00 : f32
          %broadcast_in_dim3A_142 = vector.broadcast %broadcast_in_dim3A_141 : f32 to vector<16xf32>
          %gather3A = tpu.vector_load_idx %arg17[%add3A_39, %broadcast_in_dim3A] : memref<64x128xf32, #tpu.memory_space<vmem>>[vector<16xi32>, vector<16xi32>], vector<16xf32>,
          %get3A_143 = arith.index_cast %while3A_136 : i32 to index
          %get3A_144 = arith.constant 0 : index
          %get3A_145 = tpu.vector_load %arg15[%get3A_143, %get3A_144] {strides = array<i32>} : memref<512x128xf32, #tpu.memory_space<vmem>>, vector<16xf32>,
          %mul3A_146 = arith.mulf %gather3A, %get3A_145 : vector<16xf32>
          %add3A_147 = arith.addf %broadcast_in_dim3A_142, %mul3A_146 : vector<16xf32>
          %gather3A_148 = tpu.vector_load_idx %arg17[%add3A_43, %broadcast_in_dim3A] : memref<64x128xf32, #tpu.memory_space<vmem>>[vector<16xi32>, vector<16xi32>], vector<16xf32>,
          %get3A_149 = arith.index_cast %while3A_136 : i32 to index
          %get3A_150 = arith.constant 16 : index
          %get3A_151 = tpu.vector_load %arg15[%get3A_149, %get3A_150] {strides = array<i32>} : memref<512x128xf32, #tpu.memory_space<vmem>>, vector<16xf32>,
          %mul3A_152 = arith.mulf %gather3A_148, %get3A_151 : vector<16xf32>
          %add3A_153 = arith.addf %add3A_147, %mul3A_152 : vector<16xf32>
          %gather3A_154 = tpu.vector_load_idx %arg17[%add3A_47, %broadcast_in_dim3A] : memref<64x128xf32, #tpu.memory_space<vmem>>[vector<16xi32>, vector<16xi32>], vector<16xf32>,
          %get3A_155 = arith.index_cast %while3A_136 : i32 to index
          %get3A_156 = arith.constant 32 : index
          %get3A_157 = tpu.vector_load %arg15[%get3A_155, %get3A_156] {strides = array<i32>} : memref<512x128xf32, #tpu.memory_space<vmem>>, vector<16xf32>,
          %mul3A_158 = arith.mulf %gather3A_154, %get3A_157 : vector<16xf32>
          %add3A_159 = arith.addf %add3A_153, %mul3A_158 : vector<16xf32>
          %gather3A_160 = tpu.vector_load_idx %arg17[%add3A_51, %broadcast_in_dim3A] : memref<64x128xf32, #tpu.memory_space<vmem>>[vector<16xi32>, vector<16xi32>], vector<16xf32>,
          %get3A_161 = arith.index_cast %while3A_136 : i32 to index
          %get3A_162 = arith.constant 48 : index
          %get3A_163 = tpu.vector_load %arg15[%get3A_161, %get3A_162] {strides = array<i32>} : memref<512x128xf32, #tpu.memory_space<vmem>>, vector<16xf32>,
          %mul3A_164 = arith.mulf %gather3A_160, %get3A_163 : vector<16xf32>
          %add3A_165 = arith.addf %add3A_159, %mul3A_164 : vector<16xf32>
          %broadcast_in_dim3A_166 = arith.constant true
          %broadcast_in_dim3A_167 = vector.broadcast %broadcast_in_dim3A_166 : i1 to vector<16xi1>
          %masked_cumsum3A = tpu.scan <sum>, %add3A_165 masked %broadcast_in_dim3A_167 : vector<16xf32>, vector<16xi1> -> vector<16xf32>
          %broadcast_in_dim3A_168 = vector.broadcast %while3A_136 : i32 to vector<16xi32>
          tpu.vector_store_idx %arg22[%broadcast_in_dim3A_168], %masked_cumsum3A masked %eq3A_54 : memref<512xf32, #tpu.memory_space<vmem>>[vector<16xi32>], vector<16xf32>, vector<16xi1>
        }
        %add3A_131 = arith.constant 6 : i32
        %add3A_132 = arith.addi %while3A_69, %add3A_131 : i32
        %lt3A = arith.cmpi slt, %add3A_132, %squeeze3A : i32
        %convert_element_type3A_133 = arith.extui %lt3A : i1 to i32
        %cond3A_134 = arith.constant 0 : i32
        %cond3A_135 = arith.cmpi ne, %convert_element_type3A_133, %cond3A_134 : i32
        scf.if %cond3A_135 {
          %get3A_136 = arith.index_cast %add3A_132 : i32 to index
          %get3A_137 = tpu.vector_load %arg13[%get3A_136] {strides = array<i32>} : memref<536xi32, #tpu.memory_space<vmem>>, vector<16xi32>,
          %slice3A_138 = vector.extract_strided_slice %get3A_137 {offsets = [0], sizes = [1], strides = [1]} : vector<16xi32> to vector<1xi32>
          %squeeze3A_139 = vector.extract %slice3A_138[0] : i32 from vector<1xi32>
          %get3A_140 = arith.index_cast %squeeze3A_139 : i32 to index
          %get3A_141 = tpu.vector_load %arg12[%get3A_140] {strides = array<i32>} : memref<528xi32, #tpu.memory_space<vmem>>, vector<16xi32>,
          %slice3A_142 = vector.extract_strided_slice %get3A_141 {offsets = [0], sizes = [1], strides = [1]} : vector<16xi32> to vector<1xi32>
          %squeeze3A_143 = vector.extract %slice3A_142[0] : i32 from vector<1xi32>
          %multiple_of3A = tpu.assume_multiple %squeeze3A_143, 128 : i32
          %dma_start3A_144 = arith.constant 0 : i32
          %dma_start3A_145 = tpu.memref_slice %arg7[%dma_start3A_144, %multiple_of3A] : memref<64x1000000xf32, #tpu.memory_space<hbm>> -> memref<64x128xf32, #tpu.memory_space<hbm>>
          %dma_start3A_146 = arith.constant 0 : i32
          %dma_start3A_147 = tpu.memref_slice %arg7[%dma_start3A_146, %multiple_of3A] : memref<64x1000000xf32, #tpu.memory_space<hbm>> -> memref<64x128xf32, #tpu.memory_space<hbm>>
          tpu.enqueue_dma source(%dma_start3A_147 : memref<64x128xf32, #tpu.memory_space<hbm>>) target(%arg17 : memref<64x128xf32, #tpu.memory_space<vmem>>) target_semaphore(%arg25 : memref<!tpu.dma_semaphore, #tpu.memory_space<semaphore_mem>>)
        } else {
        }
      } else {
      }
      %eq3A_81 = arith.constant 2 : i32
      %eq3A_82 = arith.cmpi eq, %rem3A_70, %eq3A_81 : i32
      %convert_element_type3A_83 = arith.extui %eq3A_82 : i1 to i32
      %cond3A_84 = arith.constant 0 : i32
      %cond3A_85 = arith.cmpi ne, %convert_element_type3A_83, %cond3A_84 : i32
      scf.if %cond3A_85 {
        %dma_wait3A_101 = arith.constant 0 : i32
        %dma_wait3A_102 = arith.constant 0 : i32
        %dma_wait3A_103 = tpu.memref_slice %arg7[%dma_wait3A_101, %dma_wait3A_102] : memref<64x1000000xf32, #tpu.memory_space<hbm>> -> memref<64x128xf32, #tpu.memory_space<hbm>>
        %dma_wait3A_104 = arith.constant 0 : i32
        %dma_wait3A_105 = arith.constant 0 : i32
        %dma_wait3A_106 = tpu.memref_slice %arg7[%dma_wait3A_104, %dma_wait3A_105] : memref<64x1000000xf32, #tpu.memory_space<hbm>> -> memref<64x128xf32, #tpu.memory_space<hbm>>
        tpu.wait_dma2 semaphore(%arg26 : memref<!tpu.dma_semaphore, #tpu.memory_space<semaphore_mem>>) src(%dma_wait3A_106 : memref<64x128xf32, #tpu.memory_space<hbm>>) dst(%arg18 : memref<64x128xf32, #tpu.memory_space<vmem>>)
        %get3A_107 = arith.index_cast %while3A_69 : i32 to index
        %get3A_108 = tpu.vector_load %arg13[%get3A_107] {strides = array<i32>} : memref<536xi32, #tpu.memory_space<vmem>>, vector<16xi32>,
        %slice3A_109 = vector.extract_strided_slice %get3A_108 {offsets = [0], sizes = [1], strides = [1]} : vector<16xi32> to vector<1xi32>
        %squeeze3A_110 = vector.extract %slice3A_109[0] : i32 from vector<1xi32>
        %add3A_111 = arith.constant 1 : i32
        %add3A_112 = arith.addi %while3A_69, %add3A_111 : i32
        %get3A_113 = arith.index_cast %add3A_112 : i32 to index
        %get3A_114 = tpu.vector_load %arg13[%get3A_113] {strides = array<i32>} : memref<536xi32, #tpu.memory_space<vmem>>, vector<16xi32>,
        %slice3A_115 = vector.extract_strided_slice %get3A_114 {offsets = [0], sizes = [1], strides = [1]} : vector<16xi32> to vector<1xi32>
        %squeeze3A_116 = vector.extract %slice3A_115[0] : i32 from vector<1xi32>
        %min3A = arith.constant 512 : i32
        %min3A_117 = arith.minsi %squeeze3A_116, %min3A : i32
        %get3A_118 = arith.index_cast %squeeze3A_110 : i32 to index
        %get3A_119 = tpu.vector_load %arg12[%get3A_118] {strides = array<i32>} : memref<528xi32, #tpu.memory_space<vmem>>, vector<16xi32>,
        %slice3A_120 = vector.extract_strided_slice %get3A_119 {offsets = [0], sizes = [1], strides = [1]} : vector<16xi32> to vector<1xi32>
        %squeeze3A_121 = vector.extract %slice3A_120[0] : i32 from vector<1xi32>
        %while3A_122 = arith.constant 0 : i32
        %while3A_123 = arith.subi %min3A_117, %squeeze3A_110 : i32
        %while3A_124 = arith.addi %squeeze3A_110, %while3A_123 : i32
        %while3A_125 = arith.constant 1 : i32
        %while3A_126 = arith.divsi %while3A_123, %while3A_125 : i32
        %while3A_127 = arith.muli %while3A_126, %while3A_125 : i32
        %while3A_128 = arith.addi %squeeze3A_110, %while3A_127 : i32
        %while3A_129 = arith.constant 1 : i32
        scf.for %while3A_136 = %squeeze3A_110 to %while3A_128 step %while3A_129  : i32 {
          %get3A_137 = arith.index_cast %while3A_136 : i32 to index
          %get3A_138 = tpu.vector_load %arg10[%get3A_137] {strides = array<i32>} : memref<528xi32, #tpu.memory_space<vmem>>, vector<16xi32>,
          %slice3A_139 = vector.extract_strided_slice %get3A_138 {offsets = [0], sizes = [1], strides = [1]} : vector<16xi32> to vector<1xi32>
          %squeeze3A_140 = vector.extract %slice3A_139[0] : i32 from vector<1xi32>
          %sub3A = arith.subi %squeeze3A_140, %squeeze3A_121 : i32
          %broadcast_in_dim3A = vector.broadcast %sub3A : i32 to vector<16xi32>
          %broadcast_in_dim3A_141 = arith.constant 0.000000e+00 : f32
          %broadcast_in_dim3A_142 = vector.broadcast %broadcast_in_dim3A_141 : f32 to vector<16xf32>
          %gather3A = tpu.vector_load_idx %arg18[%add3A_39, %broadcast_in_dim3A] : memref<64x128xf32, #tpu.memory_space<vmem>>[vector<16xi32>, vector<16xi32>], vector<16xf32>,
          %get3A_143 = arith.index_cast %while3A_136 : i32 to index
          %get3A_144 = arith.constant 0 : index
          %get3A_145 = tpu.vector_load %arg15[%get3A_143, %get3A_144] {strides = array<i32>} : memref<512x128xf32, #tpu.memory_space<vmem>>, vector<16xf32>,
          %mul3A_146 = arith.mulf %gather3A, %get3A_145 : vector<16xf32>
          %add3A_147 = arith.addf %broadcast_in_dim3A_142, %mul3A_146 : vector<16xf32>
          %gather3A_148 = tpu.vector_load_idx %arg18[%add3A_43, %broadcast_in_dim3A] : memref<64x128xf32, #tpu.memory_space<vmem>>[vector<16xi32>, vector<16xi32>], vector<16xf32>,
          %get3A_149 = arith.index_cast %while3A_136 : i32 to index
          %get3A_150 = arith.constant 16 : index
          %get3A_151 = tpu.vector_load %arg15[%get3A_149, %get3A_150] {strides = array<i32>} : memref<512x128xf32, #tpu.memory_space<vmem>>, vector<16xf32>,
          %mul3A_152 = arith.mulf %gather3A_148, %get3A_151 : vector<16xf32>
          %add3A_153 = arith.addf %add3A_147, %mul3A_152 : vector<16xf32>
          %gather3A_154 = tpu.vector_load_idx %arg18[%add3A_47, %broadcast_in_dim3A] : memref<64x128xf32, #tpu.memory_space<vmem>>[vector<16xi32>, vector<16xi32>], vector<16xf32>,
          %get3A_155 = arith.index_cast %while3A_136 : i32 to index
          %get3A_156 = arith.constant 32 : index
          %get3A_157 = tpu.vector_load %arg15[%get3A_155, %get3A_156] {strides = array<i32>} : memref<512x128xf32, #tpu.memory_space<vmem>>, vector<16xf32>,
          %mul3A_158 = arith.mulf %gather3A_154, %get3A_157 : vector<16xf32>
          %add3A_159 = arith.addf %add3A_153, %mul3A_158 : vector<16xf32>
          %gather3A_160 = tpu.vector_load_idx %arg18[%add3A_51, %broadcast_in_dim3A] : memref<64x128xf32, #tpu.memory_space<vmem>>[vector<16xi32>, vector<16xi32>], vector<16xf32>,
          %get3A_161 = arith.index_cast %while3A_136 : i32 to index
          %get3A_162 = arith.constant 48 : index
          %get3A_163 = tpu.vector_load %arg15[%get3A_161, %get3A_162] {strides = array<i32>} : memref<512x128xf32, #tpu.memory_space<vmem>>, vector<16xf32>,
          %mul3A_164 = arith.mulf %gather3A_160, %get3A_163 : vector<16xf32>
          %add3A_165 = arith.addf %add3A_159, %mul3A_164 : vector<16xf32>
          %broadcast_in_dim3A_166 = arith.constant true
          %broadcast_in_dim3A_167 = vector.broadcast %broadcast_in_dim3A_166 : i1 to vector<16xi1>
          %masked_cumsum3A = tpu.scan <sum>, %add3A_165 masked %broadcast_in_dim3A_167 : vector<16xf32>, vector<16xi1> -> vector<16xf32>
          %broadcast_in_dim3A_168 = vector.broadcast %while3A_136 : i32 to vector<16xi32>
          tpu.vector_store_idx %arg22[%broadcast_in_dim3A_168], %masked_cumsum3A masked %eq3A_54 : memref<512xf32, #tpu.memory_space<vmem>>[vector<16xi32>], vector<16xf32>, vector<16xi1>
        }
        %while3A_130 = arith.constant 1 : i32
        scf.for %while3A_136 = %while3A_128 to %while3A_124 step %while3A_130  : i32 {
          %get3A_137 = arith.index_cast %while3A_136 : i32 to index
          %get3A_138 = tpu.vector_load %arg10[%get3A_137] {strides = array<i32>} : memref<528xi32, #tpu.memory_space<vmem>>, vector<16xi32>,
          %slice3A_139 = vector.extract_strided_slice %get3A_138 {offsets = [0], sizes = [1], strides = [1]} : vector<16xi32> to vector<1xi32>
          %squeeze3A_140 = vector.extract %slice3A_139[0] : i32 from vector<1xi32>
          %sub3A = arith.subi %squeeze3A_140, %squeeze3A_121 : i32
          %broadcast_in_dim3A = vector.broadcast %sub3A : i32 to vector<16xi32>
          %broadcast_in_dim3A_141 = arith.constant 0.000000e+00 : f32
          %broadcast_in_dim3A_142 = vector.broadcast %broadcast_in_dim3A_141 : f32 to vector<16xf32>
          %gather3A = tpu.vector_load_idx %arg18[%add3A_39, %broadcast_in_dim3A] : memref<64x128xf32, #tpu.memory_space<vmem>>[vector<16xi32>, vector<16xi32>], vector<16xf32>,
          %get3A_143 = arith.index_cast %while3A_136 : i32 to index
          %get3A_144 = arith.constant 0 : index
          %get3A_145 = tpu.vector_load %arg15[%get3A_143, %get3A_144] {strides = array<i32>} : memref<512x128xf32, #tpu.memory_space<vmem>>, vector<16xf32>,
          %mul3A_146 = arith.mulf %gather3A, %get3A_145 : vector<16xf32>
          %add3A_147 = arith.addf %broadcast_in_dim3A_142, %mul3A_146 : vector<16xf32>
          %gather3A_148 = tpu.vector_load_idx %arg18[%add3A_43, %broadcast_in_dim3A] : memref<64x128xf32, #tpu.memory_space<vmem>>[vector<16xi32>, vector<16xi32>], vector<16xf32>,
          %get3A_149 = arith.index_cast %while3A_136 : i32 to index
          %get3A_150 = arith.constant 16 : index
          %get3A_151 = tpu.vector_load %arg15[%get3A_149, %get3A_150] {strides = array<i32>} : memref<512x128xf32, #tpu.memory_space<vmem>>, vector<16xf32>,
          %mul3A_152 = arith.mulf %gather3A_148, %get3A_151 : vector<16xf32>
          %add3A_153 = arith.addf %add3A_147, %mul3A_152 : vector<16xf32>
          %gather3A_154 = tpu.vector_load_idx %arg18[%add3A_47, %broadcast_in_dim3A] : memref<64x128xf32, #tpu.memory_space<vmem>>[vector<16xi32>, vector<16xi32>], vector<16xf32>,
          %get3A_155 = arith.index_cast %while3A_136 : i32 to index
          %get3A_156 = arith.constant 32 : index
          %get3A_157 = tpu.vector_load %arg15[%get3A_155, %get3A_156] {strides = array<i32>} : memref<512x128xf32, #tpu.memory_space<vmem>>, vector<16xf32>,
          %mul3A_158 = arith.mulf %gather3A_154, %get3A_157 : vector<16xf32>
          %add3A_159 = arith.addf %add3A_153, %mul3A_158 : vector<16xf32>
          %gather3A_160 = tpu.vector_load_idx %arg18[%add3A_51, %broadcast_in_dim3A] : memref<64x128xf32, #tpu.memory_space<vmem>>[vector<16xi32>, vector<16xi32>], vector<16xf32>,
          %get3A_161 = arith.index_cast %while3A_136 : i32 to index
          %get3A_162 = arith.constant 48 : index
          %get3A_163 = tpu.vector_load %arg15[%get3A_161, %get3A_162] {strides = array<i32>} : memref<512x128xf32, #tpu.memory_space<vmem>>, vector<16xf32>,
          %mul3A_164 = arith.mulf %gather3A_160, %get3A_163 : vector<16xf32>
          %add3A_165 = arith.addf %add3A_159, %mul3A_164 : vector<16xf32>
          %broadcast_in_dim3A_166 = arith.constant true
          %broadcast_in_dim3A_167 = vector.broadcast %broadcast_in_dim3A_166 : i1 to vector<16xi1>
          %masked_cumsum3A = tpu.scan <sum>, %add3A_165 masked %broadcast_in_dim3A_167 : vector<16xf32>, vector<16xi1> -> vector<16xf32>
          %broadcast_in_dim3A_168 = vector.broadcast %while3A_136 : i32 to vector<16xi32>
          tpu.vector_store_idx %arg22[%broadcast_in_dim3A_168], %masked_cumsum3A masked %eq3A_54 : memref<512xf32, #tpu.memory_space<vmem>>[vector<16xi32>], vector<16xf32>, vector<16xi1>
        }
        %add3A_131 = arith.constant 6 : i32
        %add3A_132 = arith.addi %while3A_69, %add3A_131 : i32
        %lt3A = arith.cmpi slt, %add3A_132, %squeeze3A : i32
        %convert_element_type3A_133 = arith.extui %lt3A : i1 to i32
        %cond3A_134 = arith.constant 0 : i32
        %cond3A_135 = arith.cmpi ne, %convert_element_type3A_133, %cond3A_134 : i32
        scf.if %cond3A_135 {
          %get3A_136 = arith.index_cast %add3A_132 : i32 to index
          %get3A_137 = tpu.vector_load %arg13[%get3A_136] {strides = array<i32>} : memref<536xi32, #tpu.memory_space<vmem>>, vector<16xi32>,
          %slice3A_138 = vector.extract_strided_slice %get3A_137 {offsets = [0], sizes = [1], strides = [1]} : vector<16xi32> to vector<1xi32>
          %squeeze3A_139 = vector.extract %slice3A_138[0] : i32 from vector<1xi32>
          %get3A_140 = arith.index_cast %squeeze3A_139 : i32 to index
          %get3A_141 = tpu.vector_load %arg12[%get3A_140] {strides = array<i32>} : memref<528xi32, #tpu.memory_space<vmem>>, vector<16xi32>,
          %slice3A_142 = vector.extract_strided_slice %get3A_141 {offsets = [0], sizes = [1], strides = [1]} : vector<16xi32> to vector<1xi32>
          %squeeze3A_143 = vector.extract %slice3A_142[0] : i32 from vector<1xi32>
          %multiple_of3A = tpu.assume_multiple %squeeze3A_143, 128 : i32
          %dma_start3A_144 = arith.constant 0 : i32
          %dma_start3A_145 = tpu.memref_slice %arg7[%dma_start3A_144, %multiple_of3A] : memref<64x1000000xf32, #tpu.memory_space<hbm>> -> memref<64x128xf32, #tpu.memory_space<hbm>>
          %dma_start3A_146 = arith.constant 0 : i32
          %dma_start3A_147 = tpu.memref_slice %arg7[%dma_start3A_146, %multiple_of3A] : memref<64x1000000xf32, #tpu.memory_space<hbm>> -> memref<64x128xf32, #tpu.memory_space<hbm>>
          tpu.enqueue_dma source(%dma_start3A_147 : memref<64x128xf32, #tpu.memory_space<hbm>>) target(%arg18 : memref<64x128xf32, #tpu.memory_space<vmem>>) target_semaphore(%arg26 : memref<!tpu.dma_semaphore, #tpu.memory_space<semaphore_mem>>)
        } else {
        }
      } else {
      }
      %eq3A_86 = arith.constant 3 : i32
      %eq3A_87 = arith.cmpi eq, %rem3A_70, %eq3A_86 : i32
      %convert_element_type3A_88 = arith.extui %eq3A_87 : i1 to i32
      %cond3A_89 = arith.constant 0 : i32
      %cond3A_90 = arith.cmpi ne, %convert_element_type3A_88, %cond3A_89 : i32
      scf.if %cond3A_90 {
        %dma_wait3A_101 = arith.constant 0 : i32
        %dma_wait3A_102 = arith.constant 0 : i32
        %dma_wait3A_103 = tpu.memref_slice %arg7[%dma_wait3A_101, %dma_wait3A_102] : memref<64x1000000xf32, #tpu.memory_space<hbm>> -> memref<64x128xf32, #tpu.memory_space<hbm>>
        %dma_wait3A_104 = arith.constant 0 : i32
        %dma_wait3A_105 = arith.constant 0 : i32
        %dma_wait3A_106 = tpu.memref_slice %arg7[%dma_wait3A_104, %dma_wait3A_105] : memref<64x1000000xf32, #tpu.memory_space<hbm>> -> memref<64x128xf32, #tpu.memory_space<hbm>>
        tpu.wait_dma2 semaphore(%arg27 : memref<!tpu.dma_semaphore, #tpu.memory_space<semaphore_mem>>) src(%dma_wait3A_106 : memref<64x128xf32, #tpu.memory_space<hbm>>) dst(%arg19 : memref<64x128xf32, #tpu.memory_space<vmem>>)
        %get3A_107 = arith.index_cast %while3A_69 : i32 to index
        %get3A_108 = tpu.vector_load %arg13[%get3A_107] {strides = array<i32>} : memref<536xi32, #tpu.memory_space<vmem>>, vector<16xi32>,
        %slice3A_109 = vector.extract_strided_slice %get3A_108 {offsets = [0], sizes = [1], strides = [1]} : vector<16xi32> to vector<1xi32>
        %squeeze3A_110 = vector.extract %slice3A_109[0] : i32 from vector<1xi32>
        %add3A_111 = arith.constant 1 : i32
        %add3A_112 = arith.addi %while3A_69, %add3A_111 : i32
        %get3A_113 = arith.index_cast %add3A_112 : i32 to index
        %get3A_114 = tpu.vector_load %arg13[%get3A_113] {strides = array<i32>} : memref<536xi32, #tpu.memory_space<vmem>>, vector<16xi32>,
        %slice3A_115 = vector.extract_strided_slice %get3A_114 {offsets = [0], sizes = [1], strides = [1]} : vector<16xi32> to vector<1xi32>
        %squeeze3A_116 = vector.extract %slice3A_115[0] : i32 from vector<1xi32>
        %min3A = arith.constant 512 : i32
        %min3A_117 = arith.minsi %squeeze3A_116, %min3A : i32
        %get3A_118 = arith.index_cast %squeeze3A_110 : i32 to index
        %get3A_119 = tpu.vector_load %arg12[%get3A_118] {strides = array<i32>} : memref<528xi32, #tpu.memory_space<vmem>>, vector<16xi32>,
        %slice3A_120 = vector.extract_strided_slice %get3A_119 {offsets = [0], sizes = [1], strides = [1]} : vector<16xi32> to vector<1xi32>
        %squeeze3A_121 = vector.extract %slice3A_120[0] : i32 from vector<1xi32>
        %while3A_122 = arith.constant 0 : i32
        %while3A_123 = arith.subi %min3A_117, %squeeze3A_110 : i32
        %while3A_124 = arith.addi %squeeze3A_110, %while3A_123 : i32
        %while3A_125 = arith.constant 1 : i32
        %while3A_126 = arith.divsi %while3A_123, %while3A_125 : i32
        %while3A_127 = arith.muli %while3A_126, %while3A_125 : i32
        %while3A_128 = arith.addi %squeeze3A_110, %while3A_127 : i32
        %while3A_129 = arith.constant 1 : i32
        scf.for %while3A_136 = %squeeze3A_110 to %while3A_128 step %while3A_129  : i32 {
          %get3A_137 = arith.index_cast %while3A_136 : i32 to index
          %get3A_138 = tpu.vector_load %arg10[%get3A_137] {strides = array<i32>} : memref<528xi32, #tpu.memory_space<vmem>>, vector<16xi32>,
          %slice3A_139 = vector.extract_strided_slice %get3A_138 {offsets = [0], sizes = [1], strides = [1]} : vector<16xi32> to vector<1xi32>
          %squeeze3A_140 = vector.extract %slice3A_139[0] : i32 from vector<1xi32>
          %sub3A = arith.subi %squeeze3A_140, %squeeze3A_121 : i32
          %broadcast_in_dim3A = vector.broadcast %sub3A : i32 to vector<16xi32>
          %broadcast_in_dim3A_141 = arith.constant 0.000000e+00 : f32
          %broadcast_in_dim3A_142 = vector.broadcast %broadcast_in_dim3A_141 : f32 to vector<16xf32>
          %gather3A = tpu.vector_load_idx %arg19[%add3A_39, %broadcast_in_dim3A] : memref<64x128xf32, #tpu.memory_space<vmem>>[vector<16xi32>, vector<16xi32>], vector<16xf32>,
          %get3A_143 = arith.index_cast %while3A_136 : i32 to index
          %get3A_144 = arith.constant 0 : index
          %get3A_145 = tpu.vector_load %arg15[%get3A_143, %get3A_144] {strides = array<i32>} : memref<512x128xf32, #tpu.memory_space<vmem>>, vector<16xf32>,
          %mul3A_146 = arith.mulf %gather3A, %get3A_145 : vector<16xf32>
          %add3A_147 = arith.addf %broadcast_in_dim3A_142, %mul3A_146 : vector<16xf32>
          %gather3A_148 = tpu.vector_load_idx %arg19[%add3A_43, %broadcast_in_dim3A] : memref<64x128xf32, #tpu.memory_space<vmem>>[vector<16xi32>, vector<16xi32>], vector<16xf32>,
          %get3A_149 = arith.index_cast %while3A_136 : i32 to index
          %get3A_150 = arith.constant 16 : index
          %get3A_151 = tpu.vector_load %arg15[%get3A_149, %get3A_150] {strides = array<i32>} : memref<512x128xf32, #tpu.memory_space<vmem>>, vector<16xf32>,
          %mul3A_152 = arith.mulf %gather3A_148, %get3A_151 : vector<16xf32>
          %add3A_153 = arith.addf %add3A_147, %mul3A_152 : vector<16xf32>
          %gather3A_154 = tpu.vector_load_idx %arg19[%add3A_47, %broadcast_in_dim3A] : memref<64x128xf32, #tpu.memory_space<vmem>>[vector<16xi32>, vector<16xi32>], vector<16xf32>,
          %get3A_155 = arith.index_cast %while3A_136 : i32 to index
          %get3A_156 = arith.constant 32 : index
          %get3A_157 = tpu.vector_load %arg15[%get3A_155, %get3A_156] {strides = array<i32>} : memref<512x128xf32, #tpu.memory_space<vmem>>, vector<16xf32>,
          %mul3A_158 = arith.mulf %gather3A_154, %get3A_157 : vector<16xf32>
          %add3A_159 = arith.addf %add3A_153, %mul3A_158 : vector<16xf32>
          %gather3A_160 = tpu.vector_load_idx %arg19[%add3A_51, %broadcast_in_dim3A] : memref<64x128xf32, #tpu.memory_space<vmem>>[vector<16xi32>, vector<16xi32>], vector<16xf32>,
          %get3A_161 = arith.index_cast %while3A_136 : i32 to index
          %get3A_162 = arith.constant 48 : index
          %get3A_163 = tpu.vector_load %arg15[%get3A_161, %get3A_162] {strides = array<i32>} : memref<512x128xf32, #tpu.memory_space<vmem>>, vector<16xf32>,
          %mul3A_164 = arith.mulf %gather3A_160, %get3A_163 : vector<16xf32>
          %add3A_165 = arith.addf %add3A_159, %mul3A_164 : vector<16xf32>
          %broadcast_in_dim3A_166 = arith.constant true
          %broadcast_in_dim3A_167 = vector.broadcast %broadcast_in_dim3A_166 : i1 to vector<16xi1>
          %masked_cumsum3A = tpu.scan <sum>, %add3A_165 masked %broadcast_in_dim3A_167 : vector<16xf32>, vector<16xi1> -> vector<16xf32>
          %broadcast_in_dim3A_168 = vector.broadcast %while3A_136 : i32 to vector<16xi32>
          tpu.vector_store_idx %arg22[%broadcast_in_dim3A_168], %masked_cumsum3A masked %eq3A_54 : memref<512xf32, #tpu.memory_space<vmem>>[vector<16xi32>], vector<16xf32>, vector<16xi1>
        }
        %while3A_130 = arith.constant 1 : i32
        scf.for %while3A_136 = %while3A_128 to %while3A_124 step %while3A_130  : i32 {
          %get3A_137 = arith.index_cast %while3A_136 : i32 to index
          %get3A_138 = tpu.vector_load %arg10[%get3A_137] {strides = array<i32>} : memref<528xi32, #tpu.memory_space<vmem>>, vector<16xi32>,
          %slice3A_139 = vector.extract_strided_slice %get3A_138 {offsets = [0], sizes = [1], strides = [1]} : vector<16xi32> to vector<1xi32>
          %squeeze3A_140 = vector.extract %slice3A_139[0] : i32 from vector<1xi32>
          %sub3A = arith.subi %squeeze3A_140, %squeeze3A_121 : i32
          %broadcast_in_dim3A = vector.broadcast %sub3A : i32 to vector<16xi32>
          %broadcast_in_dim3A_141 = arith.constant 0.000000e+00 : f32
          %broadcast_in_dim3A_142 = vector.broadcast %broadcast_in_dim3A_141 : f32 to vector<16xf32>
          %gather3A = tpu.vector_load_idx %arg19[%add3A_39, %broadcast_in_dim3A] : memref<64x128xf32, #tpu.memory_space<vmem>>[vector<16xi32>, vector<16xi32>], vector<16xf32>,
          %get3A_143 = arith.index_cast %while3A_136 : i32 to index
          %get3A_144 = arith.constant 0 : index
          %get3A_145 = tpu.vector_load %arg15[%get3A_143, %get3A_144] {strides = array<i32>} : memref<512x128xf32, #tpu.memory_space<vmem>>, vector<16xf32>,
          %mul3A_146 = arith.mulf %gather3A, %get3A_145 : vector<16xf32>
          %add3A_147 = arith.addf %broadcast_in_dim3A_142, %mul3A_146 : vector<16xf32>
          %gather3A_148 = tpu.vector_load_idx %arg19[%add3A_43, %broadcast_in_dim3A] : memref<64x128xf32, #tpu.memory_space<vmem>>[vector<16xi32>, vector<16xi32>], vector<16xf32>,
          %get3A_149 = arith.index_cast %while3A_136 : i32 to index
          %get3A_150 = arith.constant 16 : index
          %get3A_151 = tpu.vector_load %arg15[%get3A_149, %get3A_150] {strides = array<i32>} : memref<512x128xf32, #tpu.memory_space<vmem>>, vector<16xf32>,
          %mul3A_152 = arith.mulf %gather3A_148, %get3A_151 : vector<16xf32>
          %add3A_153 = arith.addf %add3A_147, %mul3A_152 : vector<16xf32>
          %gather3A_154 = tpu.vector_load_idx %arg19[%add3A_47, %broadcast_in_dim3A] : memref<64x128xf32, #tpu.memory_space<vmem>>[vector<16xi32>, vector<16xi32>], vector<16xf32>,
          %get3A_155 = arith.index_cast %while3A_136 : i32 to index
          %get3A_156 = arith.constant 32 : index
          %get3A_157 = tpu.vector_load %arg15[%get3A_155, %get3A_156] {strides = array<i32>} : memref<512x128xf32, #tpu.memory_space<vmem>>, vector<16xf32>,
          %mul3A_158 = arith.mulf %gather3A_154, %get3A_157 : vector<16xf32>
          %add3A_159 = arith.addf %add3A_153, %mul3A_158 : vector<16xf32>
          %gather3A_160 = tpu.vector_load_idx %arg19[%add3A_51, %broadcast_in_dim3A] : memref<64x128xf32, #tpu.memory_space<vmem>>[vector<16xi32>, vector<16xi32>], vector<16xf32>,
          %get3A_161 = arith.index_cast %while3A_136 : i32 to index
          %get3A_162 = arith.constant 48 : index
          %get3A_163 = tpu.vector_load %arg15[%get3A_161, %get3A_162] {strides = array<i32>} : memref<512x128xf32, #tpu.memory_space<vmem>>, vector<16xf32>,
          %mul3A_164 = arith.mulf %gather3A_160, %get3A_163 : vector<16xf32>
          %add3A_165 = arith.addf %add3A_159, %mul3A_164 : vector<16xf32>
          %broadcast_in_dim3A_166 = arith.constant true
          %broadcast_in_dim3A_167 = vector.broadcast %broadcast_in_dim3A_166 : i1 to vector<16xi1>
          %masked_cumsum3A = tpu.scan <sum>, %add3A_165 masked %broadcast_in_dim3A_167 : vector<16xf32>, vector<16xi1> -> vector<16xf32>
          %broadcast_in_dim3A_168 = vector.broadcast %while3A_136 : i32 to vector<16xi32>
          tpu.vector_store_idx %arg22[%broadcast_in_dim3A_168], %masked_cumsum3A masked %eq3A_54 : memref<512xf32, #tpu.memory_space<vmem>>[vector<16xi32>], vector<16xf32>, vector<16xi1>
        }
        %add3A_131 = arith.constant 6 : i32
        %add3A_132 = arith.addi %while3A_69, %add3A_131 : i32
        %lt3A = arith.cmpi slt, %add3A_132, %squeeze3A : i32
        %convert_element_type3A_133 = arith.extui %lt3A : i1 to i32
        %cond3A_134 = arith.constant 0 : i32
        %cond3A_135 = arith.cmpi ne, %convert_element_type3A_133, %cond3A_134 : i32
        scf.if %cond3A_135 {
          %get3A_136 = arith.index_cast %add3A_132 : i32 to index
          %get3A_137 = tpu.vector_load %arg13[%get3A_136] {strides = array<i32>} : memref<536xi32, #tpu.memory_space<vmem>>, vector<16xi32>,
          %slice3A_138 = vector.extract_strided_slice %get3A_137 {offsets = [0], sizes = [1], strides = [1]} : vector<16xi32> to vector<1xi32>
          %squeeze3A_139 = vector.extract %slice3A_138[0] : i32 from vector<1xi32>
          %get3A_140 = arith.index_cast %squeeze3A_139 : i32 to index
          %get3A_141 = tpu.vector_load %arg12[%get3A_140] {strides = array<i32>} : memref<528xi32, #tpu.memory_space<vmem>>, vector<16xi32>,
          %slice3A_142 = vector.extract_strided_slice %get3A_141 {offsets = [0], sizes = [1], strides = [1]} : vector<16xi32> to vector<1xi32>
          %squeeze3A_143 = vector.extract %slice3A_142[0] : i32 from vector<1xi32>
          %multiple_of3A = tpu.assume_multiple %squeeze3A_143, 128 : i32
          %dma_start3A_144 = arith.constant 0 : i32
          %dma_start3A_145 = tpu.memref_slice %arg7[%dma_start3A_144, %multiple_of3A] : memref<64x1000000xf32, #tpu.memory_space<hbm>> -> memref<64x128xf32, #tpu.memory_space<hbm>>
          %dma_start3A_146 = arith.constant 0 : i32
          %dma_start3A_147 = tpu.memref_slice %arg7[%dma_start3A_146, %multiple_of3A] : memref<64x1000000xf32, #tpu.memory_space<hbm>> -> memref<64x128xf32, #tpu.memory_space<hbm>>
          tpu.enqueue_dma source(%dma_start3A_147 : memref<64x128xf32, #tpu.memory_space<hbm>>) target(%arg19 : memref<64x128xf32, #tpu.memory_space<vmem>>) target_semaphore(%arg27 : memref<!tpu.dma_semaphore, #tpu.memory_space<semaphore_mem>>)
        } else {
        }
      } else {
      }
      %eq3A_91 = arith.constant 4 : i32
      %eq3A_92 = arith.cmpi eq, %rem3A_70, %eq3A_91 : i32
      %convert_element_type3A_93 = arith.extui %eq3A_92 : i1 to i32
      %cond3A_94 = arith.constant 0 : i32
      %cond3A_95 = arith.cmpi ne, %convert_element_type3A_93, %cond3A_94 : i32
      scf.if %cond3A_95 {
        %dma_wait3A_101 = arith.constant 0 : i32
        %dma_wait3A_102 = arith.constant 0 : i32
        %dma_wait3A_103 = tpu.memref_slice %arg7[%dma_wait3A_101, %dma_wait3A_102] : memref<64x1000000xf32, #tpu.memory_space<hbm>> -> memref<64x128xf32, #tpu.memory_space<hbm>>
        %dma_wait3A_104 = arith.constant 0 : i32
        %dma_wait3A_105 = arith.constant 0 : i32
        %dma_wait3A_106 = tpu.memref_slice %arg7[%dma_wait3A_104, %dma_wait3A_105] : memref<64x1000000xf32, #tpu.memory_space<hbm>> -> memref<64x128xf32, #tpu.memory_space<hbm>>
        tpu.wait_dma2 semaphore(%arg28 : memref<!tpu.dma_semaphore, #tpu.memory_space<semaphore_mem>>) src(%dma_wait3A_106 : memref<64x128xf32, #tpu.memory_space<hbm>>) dst(%arg20 : memref<64x128xf32, #tpu.memory_space<vmem>>)
        %get3A_107 = arith.index_cast %while3A_69 : i32 to index
        %get3A_108 = tpu.vector_load %arg13[%get3A_107] {strides = array<i32>} : memref<536xi32, #tpu.memory_space<vmem>>, vector<16xi32>,
        %slice3A_109 = vector.extract_strided_slice %get3A_108 {offsets = [0], sizes = [1], strides = [1]} : vector<16xi32> to vector<1xi32>
        %squeeze3A_110 = vector.extract %slice3A_109[0] : i32 from vector<1xi32>
        %add3A_111 = arith.constant 1 : i32
        %add3A_112 = arith.addi %while3A_69, %add3A_111 : i32
        %get3A_113 = arith.index_cast %add3A_112 : i32 to index
        %get3A_114 = tpu.vector_load %arg13[%get3A_113] {strides = array<i32>} : memref<536xi32, #tpu.memory_space<vmem>>, vector<16xi32>,
        %slice3A_115 = vector.extract_strided_slice %get3A_114 {offsets = [0], sizes = [1], strides = [1]} : vector<16xi32> to vector<1xi32>
        %squeeze3A_116 = vector.extract %slice3A_115[0] : i32 from vector<1xi32>
        %min3A = arith.constant 512 : i32
        %min3A_117 = arith.minsi %squeeze3A_116, %min3A : i32
        %get3A_118 = arith.index_cast %squeeze3A_110 : i32 to index
        %get3A_119 = tpu.vector_load %arg12[%get3A_118] {strides = array<i32>} : memref<528xi32, #tpu.memory_space<vmem>>, vector<16xi32>,
        %slice3A_120 = vector.extract_strided_slice %get3A_119 {offsets = [0], sizes = [1], strides = [1]} : vector<16xi32> to vector<1xi32>
        %squeeze3A_121 = vector.extract %slice3A_120[0] : i32 from vector<1xi32>
        %while3A_122 = arith.constant 0 : i32
        %while3A_123 = arith.subi %min3A_117, %squeeze3A_110 : i32
        %while3A_124 = arith.addi %squeeze3A_110, %while3A_123 : i32
        %while3A_125 = arith.constant 1 : i32
        %while3A_126 = arith.divsi %while3A_123, %while3A_125 : i32
        %while3A_127 = arith.muli %while3A_126, %while3A_125 : i32
        %while3A_128 = arith.addi %squeeze3A_110, %while3A_127 : i32
        %while3A_129 = arith.constant 1 : i32
        scf.for %while3A_136 = %squeeze3A_110 to %while3A_128 step %while3A_129  : i32 {
          %get3A_137 = arith.index_cast %while3A_136 : i32 to index
          %get3A_138 = tpu.vector_load %arg10[%get3A_137] {strides = array<i32>} : memref<528xi32, #tpu.memory_space<vmem>>, vector<16xi32>,
          %slice3A_139 = vector.extract_strided_slice %get3A_138 {offsets = [0], sizes = [1], strides = [1]} : vector<16xi32> to vector<1xi32>
          %squeeze3A_140 = vector.extract %slice3A_139[0] : i32 from vector<1xi32>
          %sub3A = arith.subi %squeeze3A_140, %squeeze3A_121 : i32
          %broadcast_in_dim3A = vector.broadcast %sub3A : i32 to vector<16xi32>
          %broadcast_in_dim3A_141 = arith.constant 0.000000e+00 : f32
          %broadcast_in_dim3A_142 = vector.broadcast %broadcast_in_dim3A_141 : f32 to vector<16xf32>
          %gather3A = tpu.vector_load_idx %arg20[%add3A_39, %broadcast_in_dim3A] : memref<64x128xf32, #tpu.memory_space<vmem>>[vector<16xi32>, vector<16xi32>], vector<16xf32>,
          %get3A_143 = arith.index_cast %while3A_136 : i32 to index
          %get3A_144 = arith.constant 0 : index
          %get3A_145 = tpu.vector_load %arg15[%get3A_143, %get3A_144] {strides = array<i32>} : memref<512x128xf32, #tpu.memory_space<vmem>>, vector<16xf32>,
          %mul3A_146 = arith.mulf %gather3A, %get3A_145 : vector<16xf32>
          %add3A_147 = arith.addf %broadcast_in_dim3A_142, %mul3A_146 : vector<16xf32>
          %gather3A_148 = tpu.vector_load_idx %arg20[%add3A_43, %broadcast_in_dim3A] : memref<64x128xf32, #tpu.memory_space<vmem>>[vector<16xi32>, vector<16xi32>], vector<16xf32>,
          %get3A_149 = arith.index_cast %while3A_136 : i32 to index
          %get3A_150 = arith.constant 16 : index
          %get3A_151 = tpu.vector_load %arg15[%get3A_149, %get3A_150] {strides = array<i32>} : memref<512x128xf32, #tpu.memory_space<vmem>>, vector<16xf32>,
          %mul3A_152 = arith.mulf %gather3A_148, %get3A_151 : vector<16xf32>
          %add3A_153 = arith.addf %add3A_147, %mul3A_152 : vector<16xf32>
          %gather3A_154 = tpu.vector_load_idx %arg20[%add3A_47, %broadcast_in_dim3A] : memref<64x128xf32, #tpu.memory_space<vmem>>[vector<16xi32>, vector<16xi32>], vector<16xf32>,
          %get3A_155 = arith.index_cast %while3A_136 : i32 to index
          %get3A_156 = arith.constant 32 : index
          %get3A_157 = tpu.vector_load %arg15[%get3A_155, %get3A_156] {strides = array<i32>} : memref<512x128xf32, #tpu.memory_space<vmem>>, vector<16xf32>,
          %mul3A_158 = arith.mulf %gather3A_154, %get3A_157 : vector<16xf32>
          %add3A_159 = arith.addf %add3A_153, %mul3A_158 : vector<16xf32>
          %gather3A_160 = tpu.vector_load_idx %arg20[%add3A_51, %broadcast_in_dim3A] : memref<64x128xf32, #tpu.memory_space<vmem>>[vector<16xi32>, vector<16xi32>], vector<16xf32>,
          %get3A_161 = arith.index_cast %while3A_136 : i32 to index
          %get3A_162 = arith.constant 48 : index
          %get3A_163 = tpu.vector_load %arg15[%get3A_161, %get3A_162] {strides = array<i32>} : memref<512x128xf32, #tpu.memory_space<vmem>>, vector<16xf32>,
          %mul3A_164 = arith.mulf %gather3A_160, %get3A_163 : vector<16xf32>
          %add3A_165 = arith.addf %add3A_159, %mul3A_164 : vector<16xf32>
          %broadcast_in_dim3A_166 = arith.constant true
          %broadcast_in_dim3A_167 = vector.broadcast %broadcast_in_dim3A_166 : i1 to vector<16xi1>
          %masked_cumsum3A = tpu.scan <sum>, %add3A_165 masked %broadcast_in_dim3A_167 : vector<16xf32>, vector<16xi1> -> vector<16xf32>
          %broadcast_in_dim3A_168 = vector.broadcast %while3A_136 : i32 to vector<16xi32>
          tpu.vector_store_idx %arg22[%broadcast_in_dim3A_168], %masked_cumsum3A masked %eq3A_54 : memref<512xf32, #tpu.memory_space<vmem>>[vector<16xi32>], vector<16xf32>, vector<16xi1>
        }
        %while3A_130 = arith.constant 1 : i32
        scf.for %while3A_136 = %while3A_128 to %while3A_124 step %while3A_130  : i32 {
          %get3A_137 = arith.index_cast %while3A_136 : i32 to index
          %get3A_138 = tpu.vector_load %arg10[%get3A_137] {strides = array<i32>} : memref<528xi32, #tpu.memory_space<vmem>>, vector<16xi32>,
          %slice3A_139 = vector.extract_strided_slice %get3A_138 {offsets = [0], sizes = [1], strides = [1]} : vector<16xi32> to vector<1xi32>
          %squeeze3A_140 = vector.extract %slice3A_139[0] : i32 from vector<1xi32>
          %sub3A = arith.subi %squeeze3A_140, %squeeze3A_121 : i32
          %broadcast_in_dim3A = vector.broadcast %sub3A : i32 to vector<16xi32>
          %broadcast_in_dim3A_141 = arith.constant 0.000000e+00 : f32
          %broadcast_in_dim3A_142 = vector.broadcast %broadcast_in_dim3A_141 : f32 to vector<16xf32>
          %gather3A = tpu.vector_load_idx %arg20[%add3A_39, %broadcast_in_dim3A] : memref<64x128xf32, #tpu.memory_space<vmem>>[vector<16xi32>, vector<16xi32>], vector<16xf32>,
          %get3A_143 = arith.index_cast %while3A_136 : i32 to index
          %get3A_144 = arith.constant 0 : index
          %get3A_145 = tpu.vector_load %arg15[%get3A_143, %get3A_144] {strides = array<i32>} : memref<512x128xf32, #tpu.memory_space<vmem>>, vector<16xf32>,
          %mul3A_146 = arith.mulf %gather3A, %get3A_145 : vector<16xf32>
          %add3A_147 = arith.addf %broadcast_in_dim3A_142, %mul3A_146 : vector<16xf32>
          %gather3A_148 = tpu.vector_load_idx %arg20[%add3A_43, %broadcast_in_dim3A] : memref<64x128xf32, #tpu.memory_space<vmem>>[vector<16xi32>, vector<16xi32>], vector<16xf32>,
          %get3A_149 = arith.index_cast %while3A_136 : i32 to index
          %get3A_150 = arith.constant 16 : index
          %get3A_151 = tpu.vector_load %arg15[%get3A_149, %get3A_150] {strides = array<i32>} : memref<512x128xf32, #tpu.memory_space<vmem>>, vector<16xf32>,
          %mul3A_152 = arith.mulf %gather3A_148, %get3A_151 : vector<16xf32>
          %add3A_153 = arith.addf %add3A_147, %mul3A_152 : vector<16xf32>
          %gather3A_154 = tpu.vector_load_idx %arg20[%add3A_47, %broadcast_in_dim3A] : memref<64x128xf32, #tpu.memory_space<vmem>>[vector<16xi32>, vector<16xi32>], vector<16xf32>,
          %get3A_155 = arith.index_cast %while3A_136 : i32 to index
          %get3A_156 = arith.constant 32 : index
          %get3A_157 = tpu.vector_load %arg15[%get3A_155, %get3A_156] {strides = array<i32>} : memref<512x128xf32, #tpu.memory_space<vmem>>, vector<16xf32>,
          %mul3A_158 = arith.mulf %gather3A_154, %get3A_157 : vector<16xf32>
          %add3A_159 = arith.addf %add3A_153, %mul3A_158 : vector<16xf32>
          %gather3A_160 = tpu.vector_load_idx %arg20[%add3A_51, %broadcast_in_dim3A] : memref<64x128xf32, #tpu.memory_space<vmem>>[vector<16xi32>, vector<16xi32>], vector<16xf32>,
          %get3A_161 = arith.index_cast %while3A_136 : i32 to index
          %get3A_162 = arith.constant 48 : index
          %get3A_163 = tpu.vector_load %arg15[%get3A_161, %get3A_162] {strides = array<i32>} : memref<512x128xf32, #tpu.memory_space<vmem>>, vector<16xf32>,
          %mul3A_164 = arith.mulf %gather3A_160, %get3A_163 : vector<16xf32>
          %add3A_165 = arith.addf %add3A_159, %mul3A_164 : vector<16xf32>
          %broadcast_in_dim3A_166 = arith.constant true
          %broadcast_in_dim3A_167 = vector.broadcast %broadcast_in_dim3A_166 : i1 to vector<16xi1>
          %masked_cumsum3A = tpu.scan <sum>, %add3A_165 masked %broadcast_in_dim3A_167 : vector<16xf32>, vector<16xi1> -> vector<16xf32>
          %broadcast_in_dim3A_168 = vector.broadcast %while3A_136 : i32 to vector<16xi32>
          tpu.vector_store_idx %arg22[%broadcast_in_dim3A_168], %masked_cumsum3A masked %eq3A_54 : memref<512xf32, #tpu.memory_space<vmem>>[vector<16xi32>], vector<16xf32>, vector<16xi1>
        }
        %add3A_131 = arith.constant 6 : i32
        %add3A_132 = arith.addi %while3A_69, %add3A_131 : i32
        %lt3A = arith.cmpi slt, %add3A_132, %squeeze3A : i32
        %convert_element_type3A_133 = arith.extui %lt3A : i1 to i32
        %cond3A_134 = arith.constant 0 : i32
        %cond3A_135 = arith.cmpi ne, %convert_element_type3A_133, %cond3A_134 : i32
        scf.if %cond3A_135 {
          %get3A_136 = arith.index_cast %add3A_132 : i32 to index
          %get3A_137 = tpu.vector_load %arg13[%get3A_136] {strides = array<i32>} : memref<536xi32, #tpu.memory_space<vmem>>, vector<16xi32>,
          %slice3A_138 = vector.extract_strided_slice %get3A_137 {offsets = [0], sizes = [1], strides = [1]} : vector<16xi32> to vector<1xi32>
          %squeeze3A_139 = vector.extract %slice3A_138[0] : i32 from vector<1xi32>
          %get3A_140 = arith.index_cast %squeeze3A_139 : i32 to index
          %get3A_141 = tpu.vector_load %arg12[%get3A_140] {strides = array<i32>} : memref<528xi32, #tpu.memory_space<vmem>>, vector<16xi32>,
          %slice3A_142 = vector.extract_strided_slice %get3A_141 {offsets = [0], sizes = [1], strides = [1]} : vector<16xi32> to vector<1xi32>
          %squeeze3A_143 = vector.extract %slice3A_142[0] : i32 from vector<1xi32>
          %multiple_of3A = tpu.assume_multiple %squeeze3A_143, 128 : i32
          %dma_start3A_144 = arith.constant 0 : i32
          %dma_start3A_145 = tpu.memref_slice %arg7[%dma_start3A_144, %multiple_of3A] : memref<64x1000000xf32, #tpu.memory_space<hbm>> -> memref<64x128xf32, #tpu.memory_space<hbm>>
          %dma_start3A_146 = arith.constant 0 : i32
          %dma_start3A_147 = tpu.memref_slice %arg7[%dma_start3A_146, %multiple_of3A] : memref<64x1000000xf32, #tpu.memory_space<hbm>> -> memref<64x128xf32, #tpu.memory_space<hbm>>
          tpu.enqueue_dma source(%dma_start3A_147 : memref<64x128xf32, #tpu.memory_space<hbm>>) target(%arg20 : memref<64x128xf32, #tpu.memory_space<vmem>>) target_semaphore(%arg28 : memref<!tpu.dma_semaphore, #tpu.memory_space<semaphore_mem>>)
        } else {
        }
      } else {
      }
      %eq3A_96 = arith.constant 5 : i32
      %eq3A_97 = arith.cmpi eq, %rem3A_70, %eq3A_96 : i32
      %convert_element_type3A_98 = arith.extui %eq3A_97 : i1 to i32
      %cond3A_99 = arith.constant 0 : i32
      %cond3A_100 = arith.cmpi ne, %convert_element_type3A_98, %cond3A_99 : i32
      scf.if %cond3A_100 {
        %dma_wait3A_101 = arith.constant 0 : i32
        %dma_wait3A_102 = arith.constant 0 : i32
        %dma_wait3A_103 = tpu.memref_slice %arg7[%dma_wait3A_101, %dma_wait3A_102] : memref<64x1000000xf32, #tpu.memory_space<hbm>> -> memref<64x128xf32, #tpu.memory_space<hbm>>
        %dma_wait3A_104 = arith.constant 0 : i32
        %dma_wait3A_105 = arith.constant 0 : i32
        %dma_wait3A_106 = tpu.memref_slice %arg7[%dma_wait3A_104, %dma_wait3A_105] : memref<64x1000000xf32, #tpu.memory_space<hbm>> -> memref<64x128xf32, #tpu.memory_space<hbm>>
        tpu.wait_dma2 semaphore(%arg29 : memref<!tpu.dma_semaphore, #tpu.memory_space<semaphore_mem>>) src(%dma_wait3A_106 : memref<64x128xf32, #tpu.memory_space<hbm>>) dst(%arg21 : memref<64x128xf32, #tpu.memory_space<vmem>>)
        %get3A_107 = arith.index_cast %while3A_69 : i32 to index
        %get3A_108 = tpu.vector_load %arg13[%get3A_107] {strides = array<i32>} : memref<536xi32, #tpu.memory_space<vmem>>, vector<16xi32>,
        %slice3A_109 = vector.extract_strided_slice %get3A_108 {offsets = [0], sizes = [1], strides = [1]} : vector<16xi32> to vector<1xi32>
        %squeeze3A_110 = vector.extract %slice3A_109[0] : i32 from vector<1xi32>
        %add3A_111 = arith.constant 1 : i32
        %add3A_112 = arith.addi %while3A_69, %add3A_111 : i32
        %get3A_113 = arith.index_cast %add3A_112 : i32 to index
        %get3A_114 = tpu.vector_load %arg13[%get3A_113] {strides = array<i32>} : memref<536xi32, #tpu.memory_space<vmem>>, vector<16xi32>,
        %slice3A_115 = vector.extract_strided_slice %get3A_114 {offsets = [0], sizes = [1], strides = [1]} : vector<16xi32> to vector<1xi32>
        %squeeze3A_116 = vector.extract %slice3A_115[0] : i32 from vector<1xi32>
        %min3A = arith.constant 512 : i32
        %min3A_117 = arith.minsi %squeeze3A_116, %min3A : i32
        %get3A_118 = arith.index_cast %squeeze3A_110 : i32 to index
        %get3A_119 = tpu.vector_load %arg12[%get3A_118] {strides = array<i32>} : memref<528xi32, #tpu.memory_space<vmem>>, vector<16xi32>,
        %slice3A_120 = vector.extract_strided_slice %get3A_119 {offsets = [0], sizes = [1], strides = [1]} : vector<16xi32> to vector<1xi32>
        %squeeze3A_121 = vector.extract %slice3A_120[0] : i32 from vector<1xi32>
        %while3A_122 = arith.constant 0 : i32
        %while3A_123 = arith.subi %min3A_117, %squeeze3A_110 : i32
        %while3A_124 = arith.addi %squeeze3A_110, %while3A_123 : i32
        %while3A_125 = arith.constant 1 : i32
        %while3A_126 = arith.divsi %while3A_123, %while3A_125 : i32
        %while3A_127 = arith.muli %while3A_126, %while3A_125 : i32
        %while3A_128 = arith.addi %squeeze3A_110, %while3A_127 : i32
        %while3A_129 = arith.constant 1 : i32
        scf.for %while3A_136 = %squeeze3A_110 to %while3A_128 step %while3A_129  : i32 {
          %get3A_137 = arith.index_cast %while3A_136 : i32 to index
          %get3A_138 = tpu.vector_load %arg10[%get3A_137] {strides = array<i32>} : memref<528xi32, #tpu.memory_space<vmem>>, vector<16xi32>,
          %slice3A_139 = vector.extract_strided_slice %get3A_138 {offsets = [0], sizes = [1], strides = [1]} : vector<16xi32> to vector<1xi32>
          %squeeze3A_140 = vector.extract %slice3A_139[0] : i32 from vector<1xi32>
          %sub3A = arith.subi %squeeze3A_140, %squeeze3A_121 : i32
          %broadcast_in_dim3A = vector.broadcast %sub3A : i32 to vector<16xi32>
          %broadcast_in_dim3A_141 = arith.constant 0.000000e+00 : f32
          %broadcast_in_dim3A_142 = vector.broadcast %broadcast_in_dim3A_141 : f32 to vector<16xf32>
          %gather3A = tpu.vector_load_idx %arg21[%add3A_39, %broadcast_in_dim3A] : memref<64x128xf32, #tpu.memory_space<vmem>>[vector<16xi32>, vector<16xi32>], vector<16xf32>,
          %get3A_143 = arith.index_cast %while3A_136 : i32 to index
          %get3A_144 = arith.constant 0 : index
          %get3A_145 = tpu.vector_load %arg15[%get3A_143, %get3A_144] {strides = array<i32>} : memref<512x128xf32, #tpu.memory_space<vmem>>, vector<16xf32>,
          %mul3A_146 = arith.mulf %gather3A, %get3A_145 : vector<16xf32>
          %add3A_147 = arith.addf %broadcast_in_dim3A_142, %mul3A_146 : vector<16xf32>
          %gather3A_148 = tpu.vector_load_idx %arg21[%add3A_43, %broadcast_in_dim3A] : memref<64x128xf32, #tpu.memory_space<vmem>>[vector<16xi32>, vector<16xi32>], vector<16xf32>,
          %get3A_149 = arith.index_cast %while3A_136 : i32 to index
          %get3A_150 = arith.constant 16 : index
          %get3A_151 = tpu.vector_load %arg15[%get3A_149, %get3A_150] {strides = array<i32>} : memref<512x128xf32, #tpu.memory_space<vmem>>, vector<16xf32>,
          %mul3A_152 = arith.mulf %gather3A_148, %get3A_151 : vector<16xf32>
          %add3A_153 = arith.addf %add3A_147, %mul3A_152 : vector<16xf32>
          %gather3A_154 = tpu.vector_load_idx %arg21[%add3A_47, %broadcast_in_dim3A] : memref<64x128xf32, #tpu.memory_space<vmem>>[vector<16xi32>, vector<16xi32>], vector<16xf32>,
          %get3A_155 = arith.index_cast %while3A_136 : i32 to index
          %get3A_156 = arith.constant 32 : index
          %get3A_157 = tpu.vector_load %arg15[%get3A_155, %get3A_156] {strides = array<i32>} : memref<512x128xf32, #tpu.memory_space<vmem>>, vector<16xf32>,
          %mul3A_158 = arith.mulf %gather3A_154, %get3A_157 : vector<16xf32>
          %add3A_159 = arith.addf %add3A_153, %mul3A_158 : vector<16xf32>
          %gather3A_160 = tpu.vector_load_idx %arg21[%add3A_51, %broadcast_in_dim3A] : memref<64x128xf32, #tpu.memory_space<vmem>>[vector<16xi32>, vector<16xi32>], vector<16xf32>,
          %get3A_161 = arith.index_cast %while3A_136 : i32 to index
          %get3A_162 = arith.constant 48 : index
          %get3A_163 = tpu.vector_load %arg15[%get3A_161, %get3A_162] {strides = array<i32>} : memref<512x128xf32, #tpu.memory_space<vmem>>, vector<16xf32>,
          %mul3A_164 = arith.mulf %gather3A_160, %get3A_163 : vector<16xf32>
          %add3A_165 = arith.addf %add3A_159, %mul3A_164 : vector<16xf32>
          %broadcast_in_dim3A_166 = arith.constant true
          %broadcast_in_dim3A_167 = vector.broadcast %broadcast_in_dim3A_166 : i1 to vector<16xi1>
          %masked_cumsum3A = tpu.scan <sum>, %add3A_165 masked %broadcast_in_dim3A_167 : vector<16xf32>, vector<16xi1> -> vector<16xf32>
          %broadcast_in_dim3A_168 = vector.broadcast %while3A_136 : i32 to vector<16xi32>
          tpu.vector_store_idx %arg22[%broadcast_in_dim3A_168], %masked_cumsum3A masked %eq3A_54 : memref<512xf32, #tpu.memory_space<vmem>>[vector<16xi32>], vector<16xf32>, vector<16xi1>
        }
        %while3A_130 = arith.constant 1 : i32
        scf.for %while3A_136 = %while3A_128 to %while3A_124 step %while3A_130  : i32 {
          %get3A_137 = arith.index_cast %while3A_136 : i32 to index
          %get3A_138 = tpu.vector_load %arg10[%get3A_137] {strides = array<i32>} : memref<528xi32, #tpu.memory_space<vmem>>, vector<16xi32>,
          %slice3A_139 = vector.extract_strided_slice %get3A_138 {offsets = [0], sizes = [1], strides = [1]} : vector<16xi32> to vector<1xi32>
          %squeeze3A_140 = vector.extract %slice3A_139[0] : i32 from vector<1xi32>
          %sub3A = arith.subi %squeeze3A_140, %squeeze3A_121 : i32
          %broadcast_in_dim3A = vector.broadcast %sub3A : i32 to vector<16xi32>
          %broadcast_in_dim3A_141 = arith.constant 0.000000e+00 : f32
          %broadcast_in_dim3A_142 = vector.broadcast %broadcast_in_dim3A_141 : f32 to vector<16xf32>
          %gather3A = tpu.vector_load_idx %arg21[%add3A_39, %broadcast_in_dim3A] : memref<64x128xf32, #tpu.memory_space<vmem>>[vector<16xi32>, vector<16xi32>], vector<16xf32>,
          %get3A_143 = arith.index_cast %while3A_136 : i32 to index
          %get3A_144 = arith.constant 0 : index
          %get3A_145 = tpu.vector_load %arg15[%get3A_143, %get3A_144] {strides = array<i32>} : memref<512x128xf32, #tpu.memory_space<vmem>>, vector<16xf32>,
          %mul3A_146 = arith.mulf %gather3A, %get3A_145 : vector<16xf32>
          %add3A_147 = arith.addf %broadcast_in_dim3A_142, %mul3A_146 : vector<16xf32>
          %gather3A_148 = tpu.vector_load_idx %arg21[%add3A_43, %broadcast_in_dim3A] : memref<64x128xf32, #tpu.memory_space<vmem>>[vector<16xi32>, vector<16xi32>], vector<16xf32>,
          %get3A_149 = arith.index_cast %while3A_136 : i32 to index
          %get3A_150 = arith.constant 16 : index
          %get3A_151 = tpu.vector_load %arg15[%get3A_149, %get3A_150] {strides = array<i32>} : memref<512x128xf32, #tpu.memory_space<vmem>>, vector<16xf32>,
          %mul3A_152 = arith.mulf %gather3A_148, %get3A_151 : vector<16xf32>
          %add3A_153 = arith.addf %add3A_147, %mul3A_152 : vector<16xf32>
          %gather3A_154 = tpu.vector_load_idx %arg21[%add3A_47, %broadcast_in_dim3A] : memref<64x128xf32, #tpu.memory_space<vmem>>[vector<16xi32>, vector<16xi32>], vector<16xf32>,
          %get3A_155 = arith.index_cast %while3A_136 : i32 to index
          %get3A_156 = arith.constant 32 : index
          %get3A_157 = tpu.vector_load %arg15[%get3A_155, %get3A_156] {strides = array<i32>} : memref<512x128xf32, #tpu.memory_space<vmem>>, vector<16xf32>,
          %mul3A_158 = arith.mulf %gather3A_154, %get3A_157 : vector<16xf32>
          %add3A_159 = arith.addf %add3A_153, %mul3A_158 : vector<16xf32>
          %gather3A_160 = tpu.vector_load_idx %arg21[%add3A_51, %broadcast_in_dim3A] : memref<64x128xf32, #tpu.memory_space<vmem>>[vector<16xi32>, vector<16xi32>], vector<16xf32>,
          %get3A_161 = arith.index_cast %while3A_136 : i32 to index
          %get3A_162 = arith.constant 48 : index
          %get3A_163 = tpu.vector_load %arg15[%get3A_161, %get3A_162] {strides = array<i32>} : memref<512x128xf32, #tpu.memory_space<vmem>>, vector<16xf32>,
          %mul3A_164 = arith.mulf %gather3A_160, %get3A_163 : vector<16xf32>
          %add3A_165 = arith.addf %add3A_159, %mul3A_164 : vector<16xf32>
          %broadcast_in_dim3A_166 = arith.constant true
          %broadcast_in_dim3A_167 = vector.broadcast %broadcast_in_dim3A_166 : i1 to vector<16xi1>
          %masked_cumsum3A = tpu.scan <sum>, %add3A_165 masked %broadcast_in_dim3A_167 : vector<16xf32>, vector<16xi1> -> vector<16xf32>
          %broadcast_in_dim3A_168 = vector.broadcast %while3A_136 : i32 to vector<16xi32>
          tpu.vector_store_idx %arg22[%broadcast_in_dim3A_168], %masked_cumsum3A masked %eq3A_54 : memref<512xf32, #tpu.memory_space<vmem>>[vector<16xi32>], vector<16xf32>, vector<16xi1>
        }
        %add3A_131 = arith.constant 6 : i32
        %add3A_132 = arith.addi %while3A_69, %add3A_131 : i32
        %lt3A = arith.cmpi slt, %add3A_132, %squeeze3A : i32
        %convert_element_type3A_133 = arith.extui %lt3A : i1 to i32
        %cond3A_134 = arith.constant 0 : i32
        %cond3A_135 = arith.cmpi ne, %convert_element_type3A_133, %cond3A_134 : i32
        scf.if %cond3A_135 {
          %get3A_136 = arith.index_cast %add3A_132 : i32 to index
          %get3A_137 = tpu.vector_load %arg13[%get3A_136] {strides = array<i32>} : memref<536xi32, #tpu.memory_space<vmem>>, vector<16xi32>,
          %slice3A_138 = vector.extract_strided_slice %get3A_137 {offsets = [0], sizes = [1], strides = [1]} : vector<16xi32> to vector<1xi32>
          %squeeze3A_139 = vector.extract %slice3A_138[0] : i32 from vector<1xi32>
          %get3A_140 = arith.index_cast %squeeze3A_139 : i32 to index
          %get3A_141 = tpu.vector_load %arg12[%get3A_140] {strides = array<i32>} : memref<528xi32, #tpu.memory_space<vmem>>, vector<16xi32>,
          %slice3A_142 = vector.extract_strided_slice %get3A_141 {offsets = [0], sizes = [1], strides = [1]} : vector<16xi32> to vector<1xi32>
          %squeeze3A_143 = vector.extract %slice3A_142[0] : i32 from vector<1xi32>
          %multiple_of3A = tpu.assume_multiple %squeeze3A_143, 128 : i32
          %dma_start3A_144 = arith.constant 0 : i32
          %dma_start3A_145 = tpu.memref_slice %arg7[%dma_start3A_144, %multiple_of3A] : memref<64x1000000xf32, #tpu.memory_space<hbm>> -> memref<64x128xf32, #tpu.memory_space<hbm>>
          %dma_start3A_146 = arith.constant 0 : i32
          %dma_start3A_147 = tpu.memref_slice %arg7[%dma_start3A_146, %multiple_of3A] : memref<64x1000000xf32, #tpu.memory_space<hbm>> -> memref<64x128xf32, #tpu.memory_space<hbm>>
          tpu.enqueue_dma source(%dma_start3A_147 : memref<64x128xf32, #tpu.memory_space<hbm>>) target(%arg21 : memref<64x128xf32, #tpu.memory_space<vmem>>) target_semaphore(%arg29 : memref<!tpu.dma_semaphore, #tpu.memory_space<semaphore_mem>>)
        } else {
        }
      } else {
      }
    }
    %scan3A = arith.constant 0 : i32
    %scan3A_64 = arith.constant 0 : i32
    %scan3A_65 = arith.constant 32 : i32
    %scan3A_66 = arith.addi %scan3A_64, %scan3A_65 : i32
    %scan3A_67 = arith.constant 1 : i32
    scf.for %scan3A_69 = %scan3A_64 to %scan3A_66 step %scan3A_67  : i32 {
      %mul3A_70 = arith.constant 16 : i32
      %mul3A_71 = arith.muli %scan3A_69, %mul3A_70 : i32
      %get3A_72 = arith.index_cast %mul3A_71 : i32 to index
      %get3A_73 = tpu.vector_load %arg22[%get3A_72] {strides = array<i32>} : memref<512xf32, #tpu.memory_space<vmem>>, vector<16xf32>,
      %add3A_74 = arith.constant 0.000000e+00 : f32
      %add3A_75 = vector.broadcast %add3A_74 : f32 to vector<16xf32>
      %add3A_76 = arith.addf %get3A_73, %add3A_75 : vector<16xf32>
      %swap3A = arith.index_cast %mul3A_71 : i32 to index
      %swap3A_77 = tpu.vector_load %arg22[%swap3A] {strides = array<i32>} : memref<512xf32, #tpu.memory_space<vmem>>, vector<16xf32>,
      tpu.vector_store %arg22[%swap3A], %add3A_76 {strides = array<i32>} : memref<512xf32, #tpu.memory_space<vmem>>, vector<16xf32>,
    }
    %scan3A_68 = arith.constant 32 : i32
    %barrier3A = arith.constant 0 : index
    tpu.barrier barrier_id(%barrier3A)
    "tpu.region"() ({
      %run_scoped3A = tpu.sem_alloc : memref<!tpu.dma_semaphore, #tpu.memory_space<semaphore_mem>>
      %dma_start3A_69 = tpu.memref_slice %arg9[%mul3A_2] : memref<16384xf32, #tpu.memory_space<hbm>> -> memref<512xf32, #tpu.memory_space<hbm>>
      %dma_start3A_70 = tpu.memref_slice %arg9[%mul3A_2] : memref<16384xf32, #tpu.memory_space<hbm>> -> memref<512xf32, #tpu.memory_space<hbm>>
      tpu.enqueue_dma source(%arg22 : memref<512xf32, #tpu.memory_space<vmem>>) target(%dma_start3A_70 : memref<512xf32, #tpu.memory_space<hbm>>) target_semaphore(%run_scoped3A : memref<!tpu.dma_semaphore, #tpu.memory_space<semaphore_mem>>)
      %dma_wait3A_71 = tpu.memref_slice %arg9[%mul3A_2] : memref<16384xf32, #tpu.memory_space<hbm>> -> memref<512xf32, #tpu.memory_space<hbm>>
      %dma_wait3A_72 = tpu.memref_slice %arg9[%mul3A_2] : memref<16384xf32, #tpu.memory_space<hbm>> -> memref<512xf32, #tpu.memory_space<hbm>>
      tpu.wait_dma2 semaphore(%run_scoped3A : memref<!tpu.dma_semaphore, #tpu.memory_space<semaphore_mem>>) src(%arg22 : memref<512xf32, #tpu.memory_space<vmem>>) dst(%dma_wait3A_72 : memref<512xf32, #tpu.memory_space<hbm>>)
      tpu.yield
    }) : () -> ()
    return
  }
}

</mosaic_0001>

<sc_bundles>
// kernel: _mf.11.cloned.1.call-start
scs
__scs_entry_jumppad:
0x0: {  	(pc) =	sbr.rel $0x88, $3  }
0x1: {  	(tag) =	ssettag $0x0;
	lr =	simm.s32 $0x1  }
0x2: {  	[smem:$0x3F9B] =	sst lr;
	_ =	strace $0xD0000000  }
0x3: {  	_ = 	snop  }
0x4: {  	_ = 	snop  }
0x5: {  	_ = 	snop  }
0x6: {  	_ = 	snop  }
0x7: {  	_ = 	snop  }
__scs_overlays_trampoline_lowered:
0x8: {  	[smem:$0x3FAA] =	sst s0  }
0x9: {  	[smem:$0x3FAB] =	sst s1  }
0xa: {  	[smem:$0x3FAC] =	sst s2  }
0xb: {  	[smem:$0x3FAD] =	sst s3  }
0xc: {  	[smem:$0x3FAE] =	sst s4  }
0xd: {  	[smem:$0x3FAF] =	sst s5  }
0xe: {  	[smem:$0x3FB0] =	sst s6  }
0xf: {  	[smem:$0x3FB1] =	sst s7  }
0x10: {  	[smem:$0x3FB2] =	sst s8  }
0x11: {  	[smem:$0x3FB3] =	sst s9;
	s0 =	simm.s32 @!p0 $0x0  }
0x12: {  	s1 =	sld [smem:$0x3F99];
	s0 =	simm.s32 @p0 $0x1  }
0x13: {  	[smem:$0x3FB4] =	sst s0;
	s0 =	simm.s32 @!p1 $0x0  }
0x14: {  	s2 =	sld [smem:$0x3F98];
	s0 =	simm.s32 @p1 $0x1  }
0x15: {  	[smem:$0x3FB5] =	sst s0;
	s0 =	simm.s32 @!p2 $0x0  }
0x16: {  	s3 =	sld [smem:$0x3FDB];
	s0 =	simm.s32 @p2 $0x1  }
0x17: {  	s4 =	simm.s32 $0x1BF5;
	[smem:$0x3FB7] =	sst s0  }
0x18: {  	s0 =	sld [smem:$0x3F9A];
	_ =	swait.ge [sflag:s4], $0x0  }
0x19: {  	s7 =	sld [smem:$0x3F9B]  }
0x1a: {  	s8 =	sadd.s32 $0xFFFFE003, lr  }
0x1b: {  	s9 =	sadd.s32 $0xFFFFFEF7, lr;
	s5 =	simm.s32 $0xFFFFFFFF;
	p2 =	slt.u32 s8, $0xFFFFF086  }
0x1c: {  	p1 =	slt.u32 s9, $0xF7A;
	s5 =	simm.s32 @!p2 $0x0  }
0x1d: {  	s5 =	simm.s32 @p1 $0x1;
	p0 =	seq.s32 s7, s2  }
0x1e: {  	s7 =	smul.u32 @!p0 $0xF7A, s2;
	p2 =	seq.s32 @!p0 s5, $0x0  }
0x1f: {  	s9 =	smul.u32 $0xF7A, s1;
	s8 =	simm.s32 @!p0 $0x1BF5;
	p2 =	por !p2, p0  }
0x20: {  	[sflag:s8] =	ssyncset.s32 @!p0 $0xFFFFF086;
	s6 =	sadd.s32 @!p0 s3, s7;
	s7 =	simm.s32 @!p0 $0x108  }
0x21: {  	s3 =	sadd.s32 s3, s9;
	s6 =	sadd.s32 @!p0 $0x88, s6;
	s7 =	simm.s32 @p2 $0x1082  }
0x22: {  	[simem:s7], [sflag:s8] =	dma.local @!p0 [hbm:s6], $0xF7A  }
0x23: {  	s9 =	sor.u32 $0xD0000000, s2;
	s6 =	simm.s32 $0x108;
	_ =	swait.ge @!p0 [sflag:s8], $0x0  }
0x24: {  	s3 =	sadd.s32 $0x88, s3;
	s6 =	simm.s32 @!p1 $0x1082;
	[sflag:s4] =	ssyncset.s32 $0xFFFFF086  }
0x25: {  	[simem:s6], [sflag:s4] =	dma.local [hbm:s3], $0xF7A  }
0x26: {  	[smem:$0x3F9B] =	sst s1;
	(tag) =	ssettag s2;
	_ =	strace s9  }
0x27: {  	s1 =	sld [smem:$0x3FAB]  }
0x28: {  	s2 =	sld [smem:$0x3FAC]  }
0x29: {  	s4 =	sld [smem:$0x3FAE]  }
0x2a: {  	p0 =	seq.s32 s5, $0x0;
	s5 =	sld [smem:$0x3FAF]  }
0x2b: {  	s6 =	sld [smem:$0x3FB0]  }
0x2c: {  	s7 =	sld [smem:$0x3FB1]  }
0x2d: {  	s3 =	simm.s32 $0x108;
	s8 =	sld [smem:$0x3FB2]  }
0x2e: {  	s3 =	simm.s32 @!p0 $0x1082;
	s9 =	sld [smem:$0x3FB3]  }
0x2f: {  	lr =	sadd.s32 s0, s3;
	s0 =	sld [smem:$0x3FAA]  }
0x30: {  	s3 =	sld [smem:$0x3FAD]  }
0x31: {  	[smem:$0x3FB6] =	sst s10  }
0x32: {  	s10 =	sld [smem:$0x3FB4];
	_ =	sdelay $0x3  }
0x33: {  	p0 =	seq.s32 s10, $0x1;
	s10 =	sld [smem:$0x3FB6];
	_ =	sdelay $0x3  }
0x34: {  	[smem:$0x3FB6] =	sst s10  }
0x35: {  	s10 =	sld [smem:$0x3FB5];
	_ =	sdelay $0x3  }
0x36: {  	p1 =	seq.s32 s10, $0x1;
	s10 =	sld [smem:$0x3FB6];
	_ =	sdelay $0x3  }
0x37: {  	[smem:$0x3FB6] =	sst s10  }
0x38: {  	s10 =	sld [smem:$0x3FB7]  }
0x39: {  	_ = 	snop;
	(pc) =	sbr.ind lr, $3  }
0x3a: {  	_ = 	snop  }
0x3b: {  	_ = 	snop  }
0x3c: {  	p2 =	seq.s32 s10, $0x1;
	s10 =	sld [smem:$0x3FB6]  }
0x3d: {  	_ =	shalt  }
0x3e: {  	_ =	shalt  }
0x3f: {  	_ =	shalt  }
0x40: {  	_ =	shalt  }
0x41: {  	_ =	shalt  }
0x42: {  	_ =	shalt  }
0x43: {  	_ =	shalt  }
0x44: {  	_ =	shalt  }
0x45: {  	_ =	shalt  }
0x46: {  	_ =	shalt  }
0x47: {  	_ =	shalt  }
0x48: {  	_ =	shalt  }
0x49: {  	_ =	shalt  }
0x4a: {  	_ =	shalt  }
0x4b: {  	_ =	shalt  }
0x4c: {  	_ =	shalt  }
0x4d: {  	_ =	shalt  }
0x4e: {  	_ =	shalt  }
0x4f: {  	_ =	shalt  }
0x50: {  	_ =	shalt  }
0x51: {  	_ =	shalt  }
0x52: {  	_ =	shalt  }
0x53: {  	_ =	shalt  }
0x54: {  	_ =	shalt  }
0x55: {  	_ =	shalt  }
0x56: {  	_ =	shalt  }
0x57: {  	_ =	shalt  }
0x58: {  	_ =	shalt  }
0x59: {  	_ =	shalt  }
0x5a: {  	_ =	shalt  }
0x5b: {  	_ =	shalt  }
0x5c: {  	_ =	shalt  }
0x5d: {  	_ =	shalt  }
0x5e: {  	_ =	shalt  }
0x5f: {  	_ =	shalt  }
0x60: {  	_ =	shalt  }
0x61: {  	_ =	shalt  }
0x62: {  	_ =	shalt  }
0x63: {  	_ =	shalt  }
0x64: {  	_ =	shalt  }
0x65: {  	_ =	shalt  }
0x66: {  	_ =	shalt  }
0x67: {  	_ =	shalt  }
0x68: {  	_ =	shalt  }
0x69: {  	_ =	shalt  }
0x6a: {  	_ =	shalt  }
0x6b: {  	_ =	shalt  }
0x6c: {  	_ =	shalt  }
0x6d: {  	_ =	shalt  }
0x6e: {  	_ =	shalt  }
0x6f: {  	_ =	shalt  }
0x70: {  	_ =	shalt  }
0x71: {  	_ =	shalt  }
0x72: {  	_ =	shalt  }
0x73: {  	_ =	shalt  }
0x74: {  	_ =	shalt  }
0x75: {  	_ =	shalt  }
0x76: {  	_ =	shalt  }
0x77: {  	_ =	shalt  }
0x78: {  	_ =	shalt  }
0x79: {  	_ =	shalt  }
0x7a: {  	_ =	shalt  }
0x7b: {  	_ =	shalt  }
0x7c: {  	_ =	shalt  }
0x7d: {  	_ =	shalt  }
0x7e: {  	_ =	shalt  }
0x7f: {  	_ =	shalt  }
0x80: {  	_ =	shalt  }
0x81: {  	_ =	shalt  }
0x82: {  	_ =	shalt  }
0x83: {  	_ =	shalt  }
0x84: {  	_ =	shalt  }
0x85: {  	_ =	shalt  }
0x86: {  	_ =	shalt  }
0x87: {  	_ =	shalt  }
.Lfunc_end0:
.L_simem_size_0:
called_computation.2_lowered:
.L_overlay_start_0:
0x88: {  	s2 =	sld [smem:$0x3FD9]  }
0x89: {  	s3 =	sld [smem:$0x3FFE];
	_ =	sdelay $0x1  }
0x8a: {  	s1 =	srdreg.scid  }
0x8b: {  	s0 =	sand.u32 $0x1, s1  }
0x8c: {  	s17 =	sshll.u32 s0, $0xA;
	s2 =	sadd.s32 s3, s2  }
0x8d: {  	s2 =	sadd.s32 s2, s17  }
0x8e: {  	[smem:$0x3FC2] =	sst s2  }
0x8f: {  	_ = 	snop  }
0x90: {  	s2 =	sld [smem:$0x3FD0];
	(tm) =	ssettm $0x1  }
0x91: {  	s18 =	sld [smem:$0x3FFB];
	_ =	sdelay $0x3  }
0x92: {  	_ =	strace s18  }
0x93: {  	s3 =	sld [smem:$0x3FFC];
	_ =	sdelay $0x3  }
0x94: {  	_ =	strace s3  }
0x95: {  	s3 =	sld [smem:$0x3FFD];
	_ =	sdelay $0x3  }
0x96: {  	_ =	strace s3  }
0x97: {  	_ =	strace $0x8FFFFFFF  }
0x98: {  	s19 =	sld [smem:$0x3FDB];
	_ =	sdelay $0x1  }
0x99: {  	s4 =	simm.s32 $_scs_section_size  }
0x9a: {  	s5 =	simm.s32 $_size__tile_overlayer_lowered;
	s6 =	simm.s32 $_tile_overlayer_lowered  }
0x9b: {  	s22 =	simm.s32 $0x1BFF;
	s21 =	sshll.u32 s6, $0x1;
	s3 =	sadd.s32 s4, s19  }
0x9c: {  	s7 =	simm.s32 $0x0;
	s20 =	sshll.u32 s5, $0x1;
	s5 =	sadd.s32 s21, s3  }
0x9d: {  	[timem:s7], [sflag:s22] =	dma.local [hbm:s5], s20  }
0x9e: {  	_ =	swait.ge [sflag:s22], s20  }
0x9f: {  	s4 =	ssub.s32 $0x0, s20;
	[sflag:s22] =	ssyncset.done $0x0  }
0xa0: {  	[sflag:s22] =	ssyncadd.s32 s4;
	_ =	sdelay $0x1  }
0xa1: {  	s23 =	simm.s32 $0x1B8B  }
0xa2: {  	_ =	swait.ge [sflag:s23], $0x1  }
0xa3: {  	[sflag:s23] =	ssyncset.done $0x0  }
0xa4: {  	s25 =	simm.s32 $0x1B8E;
	s24 =	sld [smem:$0x3FFE];
	[sflag:s23] =	ssyncadd.s32 $0xFFFFFFFF  }
0xa5: {  	s26 =	simm.s32 $execute0_lowered;
	[smem:$0x3FD2] =	sst s25  }
0xa6: {  	s5 =	sshll.u32 s26, $0x1;
	_ =	strace $0x8000004C;
	[dreg:$0x1] =	wrdreg $0xFFFFFFFF  }
0xa7: {  	s28 =	simm.s32 $_size_execute0_lowered;
	s3 =	sadd.s32 s3, s5;
	[dreg:$0x0] =	wrdreg $0x0  }
0xa8: {  	s5 =	sshll.u32 s28, $0x1;
	[dreg:$0x2] =	wrdreg s3  }
0xa9: {  	[dreg:$0x3] =	wrdreg s5  }
0xaa: {  	[dreg:$0x4] =	wrdreg $0xC0  }
0xab: {  	_ =	task [dreg:s7], $0x5FFFF  }
0xac: {  	[dreg:$0x1] =	wrdreg $0xFFFFFFFF  }
0xad: {  	[dreg:$0x0] =	wrdreg $0x60  }
0xae: {  	[dreg:$0x2] =	wrdreg s24  }
0xaf: {  	[dreg:$0x3] =	wrdreg s2  }
0xb0: {  	[dreg:$0x4] =	wrdreg $0x9  }
0xb1: {  	_ =	task.clear_ibuf [dreg:s7], $0x5FFFF;
	_ =	strace $0x9000004C  }
0xb2: {  	s29 =	simm.s32 $0x9;
	_ =	strace $0x8000004E  }
0xb3: {  	_ =	swait.ge [sflag:s29], $0x1  }
0xb4: {  	[sflag:s29] =	ssyncadd.s32 $0xFFFFFFFF  }
0xb5: {  	_ =	strace $0x9000004E  }
0xb6: {  	_ =	sfence  }
0xb7: {  	s30 =	sld [smem:$0x0];
	_ =	sdelay $0x2  }
0xb8: {  	s31 =	sshll.u32 s1, $0xD;
	s1 =	sshrl.u32 s1, $0x2  }
0xb9: {  	s3 =	sand.u32 $0x4000, s31;
	s1 =	sadd.s32 s1, s30  }
0xba: {  	s0 =	sor.u32 s3, s0;
	s1 =	sshll.u32 s1, $0x11  }
0xbb: {  	s0 =	sor.u32 s1, s0  }
0xbc: {  	s0 =	sadd.s32 $0x8F2B, s0  }
0xbd: {  	[sflag:s0] =	ssyncadd.remote.s32 $0x1  }
0xbe: {  	_ =	sfence.sel $0xFFFF  }
0xbf: {  	[dreg:$0x0] =	wrdreg $0xFFFFFFFF;
	(pc) =	sbr.abs _section_cstart, $3  }
0xc0: {  	[dreg:$0x1] =	wrdreg $0xFFFFFFFF  }
0xc1: {  	_ =	task.clear_ibuf [dreg:s7], $0x2FFFF;
	_ =	strace $0x9FFFFFFF  }
0xc2: {  	(tm) =	ssettm $0x7FFFFFFF  }
0xc3: {  	_ =	shalt  }
tec
execute0_lowered:
.L_overlay_start_1:
0x0: {  	(tag) =	ssettag $0x1  }
0x1: {  	s2 =	rddreg [dreg:$0x0];
	s0 =	srdreg.scid  }
0x2: {  	s6 =	rddreg [dreg:$0x1];
	s1 =	stileid.u32;
	s3 =	simm.s32 $0x0  }
0x3: {  	s9 =	simm.s32 $0x400;
	s10 =	simm.s32 $0x200;
	s11 =	simm.s32 $0x1  }
0x4: {  	s12 =	simm.s32 $0x600;
	s13 =	simm.s32 $0x0;
	s4 =	sand.u32 $0x1, s0  }
0x5: {  	s0 =	rddreg [dreg:$0x2];
	s5 =	sshll.u32 s1, $0x7;
	s7 =	sshll.u32 s4, $0x6  }
0x6: {  	[smem:$0x7FF] =	sst s3;
	s4 =	ssub.s32 $0x2, s4;
	s7 =	sor.u32 s7, s5  }
0x7: {  	_ =	strace $0x8000004D;
	s8 =	sshrl.u32 s4, $0x1;
	s5 =	sadd.s32 s7, s2  }
0x8: {  	s8 =	ssub.s32 s4, s8;
	s6 =	sadd.s32 s6, s7;
	s4 =	sadd.s32 $0x800, s5  }
0x9: {  	s5 =	sadd.s32 $0x61C00, s5;
	s7 =	smax.u32 s8, $0x1;
	s8 =	simm.s32 $0x2  }
.LBB2_1:
0xa: {  	[tilespmem:s3], [sflag:$0x2] =	stream.linear.gather [hbm4b:s4+s3], $0x200, $0x38;
	[tilespmem:$0x800] =	vst v63  }
0xb: {  	_ =	swait.ge [sflag:s8], $0x200  }
0xc: {  	[sflag:s8] =	ssyncset.done $0x0  }
0xd: {  	[sflag:s8] =	ssyncadd.s32 $0xFFFFFE00  }
0xe: {  	[tilespmem:s9], [sflag:$0x2] =	stream.linear.gather [hbm4b:s5+s3], $0x200, $0x38;
	[tilespmem:$0x800] =	vst v63  }
0xf: {  	_ =	swait.ge [sflag:s8], $0x200  }
0x10: {  	[sflag:s8] =	ssyncset.done $0x0  }
0x11: {  	[sflag:s8] =	ssyncadd.s32 $0xFFFFFE00  }
0x12: {  	[tilespmem:s10], [sflag:$0x1] =	stream.indirect.gather [hbm4b:s2+s10], $0x1, s3, s10, $0xb8;
	[tilespmem:$0x800] =	vst v63  }
0x13: {  	_ =	swait.ge [sflag:s11], $0x200  }
0x14: {  	[sflag:s11] =	ssyncset.done $0x0  }
0x15: {  	s14 =	simm.s32 $0x0;
	[sflag:s11] =	ssyncadd.s32 $0xFFFFFE00  }
0x16: {  	v0 =	vld [tilespmem:s14+$0x200]  }
0x17: {  	s15 =	simm.s32 $0x40;
	v1 =	vld [tilespmem:s14+$0x400]  }
.LBB2_2:
0x18: {  	_ = 	snop  }
0x19: {  	p0 =	sne.s32 s15, $0x7C0  }
.Ltmp0:
0x1a: {  	_ = 	snop;
	(pc) =	sbr.rel @p0 .LBB2_2-.Ltmp0, $4  }
0x1b: {  	_ = 	snop  }
0x1c: {  	s16 =	sshra.s32 s15, $0x2;
	v2 =	vadd.f32 v1, v0  }
0x1d: {  	v0 =	vld [tilespmem:s16+$0x200]  }
0x1e: {  	s15 =	sadd.s32 $0x40, s15;
	v1 =	vld [tilespmem:s16+$0x400];
	[tilespmem:s14+$0x600] =	vst v2;
	s14 =	smov.u32 s16  }
0x1f: {  	_ =	sdelay $0x3  }
0x20: {  	s13 =	sadd.s32 $0x1, s13;
	v0 =	vadd.f32 v1, v0  }
0x21: {  	p0 =	sne.s32 s13, s7  }
.Ltmp1:
0x22: {  	[tilespmem:s14+$0x600] =	vst v0;
	(pc) =	sbr.rel @p0 .LBB2_1-.Ltmp1, $4  }
0x23: {  	[hbm4b:s6+s3] =	stream.linear.scatter [tilespmem:s12], [sflag:$0x2], $0x200, $0x38;
	[tilespmem:$0x800] =	vst v63  }
0x24: {  	_ =	swait.ge [sflag:s8], $0x200  }
0x25: {  	[sflag:s8] =	ssyncset.done $0x0  }
0x26: {  	[sflag:s8] =	ssyncadd.s32 $0xFFFFFE00  }
0x27: {  	_ =	sfence.sel $0x180000  }
0x28: {  	[bflag:$0x0] =	sbarrier.arrive $0xFFFF  }
0x29: {  	p0 =	sne.s32 s1, $0x0;
	_ =	strace $0x9000004D  }
0x2a: {  	s0 =	sadd.s32 @!p0 $0x100000, s0;
	[bflag:$0x2] =	sbarrier.arrive $0xFFFF  }
0x2b: {  	[sflag:s0] =	ssyncadd.tile.s32 @!p0 $0x1;
	_ =	shalt  }
.Lfunc_end2:
_tile_overlayer_lowered:
.L_overlay_start_2:
0x2c: {  	(tag) =	ssettag $0x2  }
0x2d: {  	s0 =	rddreg [dreg:$0x0];
	s2 =	stileid.u32  }
0x2e: {  	s1 =	rddreg [dreg:$0x1];
	p0 =	sne.s32 s2, $0x0  }
0x2f: {  	s3 =	rddreg [dreg:$0x2];
	[bflag:$0x3] =	sbarrier.arrive $0xFFFF;
	s2 =	simm.s32 @!p0 $0x1C02  }
0x30: {  	[timem:s3], [sflag:s2] =	dma.local @!p0 [hbm:s0], s1  }
0x31: {  	s0 =	simm.s32 @!p0 $0x2  }
0x32: {  	_ =	swait.ge @!p0 [sflag:s0], s1  }
0x33: {  	s1 =	ssub.s32 @!p0 $0x0, s1;
	[sflag:s0] =	ssyncset.done @!p0 $0x0  }
0x34: {  	[sflag:s0] =	ssyncadd.s32 @!p0 s1  }
0x35: {  	[bflag:$0x3] =	sbarrier.arrive $0xFFFF  }
0x36: {  	_ =	shalt  }

// kernel: _mf.5.cloned.1.call-start
scs
__scs_entry_jumppad:
0x0: {  	(pc) =	sbr.rel $0x88, $3  }
0x1: {  	(tag) =	ssettag $0x0;
	lr =	simm.s32 $0x1  }
0x2: {  	[smem:$0x3F9B] =	sst lr;
	_ =	strace $0xD0000000  }
0x3: {  	_ = 	snop  }
0x4: {  	_ = 	snop  }
0x5: {  	_ = 	snop  }
0x6: {  	_ = 	snop  }
0x7: {  	_ = 	snop  }
__scs_overlays_trampoline_lowered:
0x8: {  	[smem:$0x3FAA] =	sst s0  }
0x9: {  	[smem:$0x3FAB] =	sst s1  }
0xa: {  	[smem:$0x3FAC] =	sst s2  }
0xb: {  	[smem:$0x3FAD] =	sst s3  }
0xc: {  	[smem:$0x3FAE] =	sst s4  }
0xd: {  	[smem:$0x3FAF] =	sst s5  }
0xe: {  	[smem:$0x3FB0] =	sst s6  }
0xf: {  	[smem:$0x3FB1] =	sst s7  }
0x10: {  	[smem:$0x3FB2] =	sst s8  }
0x11: {  	[smem:$0x3FB3] =	sst s9;
	s0 =	simm.s32 @!p0 $0x0  }
0x12: {  	s1 =	sld [smem:$0x3F99];
	s0 =	simm.s32 @p0 $0x1  }
0x13: {  	[smem:$0x3FB4] =	sst s0;
	s0 =	simm.s32 @!p1 $0x0  }
0x14: {  	s2 =	sld [smem:$0x3F98];
	s0 =	simm.s32 @p1 $0x1  }
0x15: {  	[smem:$0x3FB5] =	sst s0;
	s0 =	simm.s32 @!p2 $0x0  }
0x16: {  	s3 =	sld [smem:$0x3FDB];
	s0 =	simm.s32 @p2 $0x1  }
0x17: {  	s4 =	simm.s32 $0x1BF5;
	[smem:$0x3FB7] =	sst s0  }
0x18: {  	s0 =	sld [smem:$0x3F9A];
	_ =	swait.ge [sflag:s4], $0x0  }
0x19: {  	s7 =	sld [smem:$0x3F9B]  }
0x1a: {  	s8 =	sadd.s32 $0xFFFFE003, lr  }
0x1b: {  	s9 =	sadd.s32 $0xFFFFFEF7, lr;
	s5 =	simm.s32 $0xFFFFFFFF;
	p2 =	slt.u32 s8, $0xFFFFF086  }
0x1c: {  	p1 =	slt.u32 s9, $0xF7A;
	s5 =	simm.s32 @!p2 $0x0  }
0x1d: {  	s5 =	simm.s32 @p1 $0x1;
	p0 =	seq.s32 s7, s2  }
0x1e: {  	s7 =	smul.u32 @!p0 $0xF7A, s2;
	p2 =	seq.s32 @!p0 s5, $0x0  }
0x1f: {  	s9 =	smul.u32 $0xF7A, s1;
	s8 =	simm.s32 @!p0 $0x1BF5;
	p2 =	por !p2, p0  }
0x20: {  	[sflag:s8] =	ssyncset.s32 @!p0 $0xFFFFF086;
	s6 =	sadd.s32 @!p0 s3, s7;
	s7 =	simm.s32 @!p0 $0x108  }
0x21: {  	s3 =	sadd.s32 s3, s9;
	s6 =	sadd.s32 @!p0 $0x88, s6;
	s7 =	simm.s32 @p2 $0x1082  }
0x22: {  	[simem:s7], [sflag:s8] =	dma.local @!p0 [hbm:s6], $0xF7A  }
0x23: {  	s9 =	sor.u32 $0xD0000000, s2;
	s6 =	simm.s32 $0x108;
	_ =	swait.ge @!p0 [sflag:s8], $0x0  }
0x24: {  	s3 =	sadd.s32 $0x88, s3;
	s6 =	simm.s32 @!p1 $0x1082;
	[sflag:s4] =	ssyncset.s32 $0xFFFFF086  }
0x25: {  	[simem:s6], [sflag:s4] =	dma.local [hbm:s3], $0xF7A  }
0x26: {  	[smem:$0x3F9B] =	sst s1;
	(tag) =	ssettag s2;
	_ =	strace s9  }
0x27: {  	s1 =	sld [smem:$0x3FAB]  }
0x28: {  	s2 =	sld [smem:$0x3FAC]  }
0x29: {  	s4 =	sld [smem:$0x3FAE]  }
0x2a: {  	p0 =	seq.s32 s5, $0x0;
	s5 =	sld [smem:$0x3FAF]  }
0x2b: {  	s6 =	sld [smem:$0x3FB0]  }
0x2c: {  	s7 =	sld [smem:$0x3FB1]  }
0x2d: {  	s3 =	simm.s32 $0x108;
	s8 =	sld [smem:$0x3FB2]  }
0x2e: {  	s3 =	simm.s32 @!p0 $0x1082;
	s9 =	sld [smem:$0x3FB3]  }
0x2f: {  	lr =	sadd.s32 s0, s3;
	s0 =	sld [smem:$0x3FAA]  }
0x30: {  	s3 =	sld [smem:$0x3FAD]  }
0x31: {  	[smem:$0x3FB6] =	sst s10  }
0x32: {  	s10 =	sld [smem:$0x3FB4];
	_ =	sdelay $0x3  }
0x33: {  	p0 =	seq.s32 s10, $0x1;
	s10 =	sld [smem:$0x3FB6];
	_ =	sdelay $0x3  }
0x34: {  	[smem:$0x3FB6] =	sst s10  }
0x35: {  	s10 =	sld [smem:$0x3FB5];
	_ =	sdelay $0x3  }
0x36: {  	p1 =	seq.s32 s10, $0x1;
	s10 =	sld [smem:$0x3FB6];
	_ =	sdelay $0x3  }
0x37: {  	[smem:$0x3FB6] =	sst s10  }
0x38: {  	s10 =	sld [smem:$0x3FB7]  }
0x39: {  	_ = 	snop;
	(pc) =	sbr.ind lr, $3  }
0x3a: {  	_ = 	snop  }
0x3b: {  	_ = 	snop  }
0x3c: {  	p2 =	seq.s32 s10, $0x1;
	s10 =	sld [smem:$0x3FB6]  }
0x3d: {  	_ =	shalt  }
0x3e: {  	_ =	shalt  }
0x3f: {  	_ =	shalt  }
0x40: {  	_ =	shalt  }
0x41: {  	_ =	shalt  }
0x42: {  	_ =	shalt  }
0x43: {  	_ =	shalt  }
0x44: {  	_ =	shalt  }
0x45: {  	_ =	shalt  }
0x46: {  	_ =	shalt  }
0x47: {  	_ =	shalt  }
0x48: {  	_ =	shalt  }
0x49: {  	_ =	shalt  }
0x4a: {  	_ =	shalt  }
0x4b: {  	_ =	shalt  }
0x4c: {  	_ =	shalt  }
0x4d: {  	_ =	shalt  }
0x4e: {  	_ =	shalt  }
0x4f: {  	_ =	shalt  }
0x50: {  	_ =	shalt  }
0x51: {  	_ =	shalt  }
0x52: {  	_ =	shalt  }
0x53: {  	_ =	shalt  }
0x54: {  	_ =	shalt  }
0x55: {  	_ =	shalt  }
0x56: {  	_ =	shalt  }
0x57: {  	_ =	shalt  }
0x58: {  	_ =	shalt  }
0x59: {  	_ =	shalt  }
0x5a: {  	_ =	shalt  }
0x5b: {  	_ =	shalt  }
0x5c: {  	_ =	shalt  }
0x5d: {  	_ =	shalt  }
0x5e: {  	_ =	shalt  }
0x5f: {  	_ =	shalt  }
0x60: {  	_ =	shalt  }
0x61: {  	_ =	shalt  }
0x62: {  	_ =	shalt  }
0x63: {  	_ =	shalt  }
0x64: {  	_ =	shalt  }
0x65: {  	_ =	shalt  }
0x66: {  	_ =	shalt  }
0x67: {  	_ =	shalt  }
0x68: {  	_ =	shalt  }
0x69: {  	_ =	shalt  }
0x6a: {  	_ =	shalt  }
0x6b: {  	_ =	shalt  }
0x6c: {  	_ =	shalt  }
0x6d: {  	_ =	shalt  }
0x6e: {  	_ =	shalt  }
0x6f: {  	_ =	shalt  }
0x70: {  	_ =	shalt  }
0x71: {  	_ =	shalt  }
0x72: {  	_ =	shalt  }
0x73: {  	_ =	shalt  }
0x74: {  	_ =	shalt  }
0x75: {  	_ =	shalt  }
0x76: {  	_ =	shalt  }
0x77: {  	_ =	shalt  }
0x78: {  	_ =	shalt  }
0x79: {  	_ =	shalt  }
0x7a: {  	_ =	shalt  }
0x7b: {  	_ =	shalt  }
0x7c: {  	_ =	shalt  }
0x7d: {  	_ =	shalt  }
0x7e: {  	_ =	shalt  }
0x7f: {  	_ =	shalt  }
0x80: {  	_ =	shalt  }
0x81: {  	_ =	shalt  }
0x82: {  	_ =	shalt  }
0x83: {  	_ =	shalt  }
0x84: {  	_ =	shalt  }
0x85: {  	_ =	shalt  }
0x86: {  	_ =	shalt  }
0x87: {  	_ =	shalt  }
.Lfunc_end0:
.L_simem_size_0:
called_computation_lowered:
.L_overlay_start_0:
0x88: {  	s2 =	sld [smem:$0x3FD9]  }
0x89: {  	s3 =	sld [smem:$0x3FFE];
	_ =	sdelay $0x1  }
0x8a: {  	s1 =	srdreg.scid  }
0x8b: {  	s0 =	sand.u32 $0x1, s1  }
0x8c: {  	s17 =	sshll.u32 s0, $0xA;
	s2 =	sadd.s32 s3, s2  }
0x8d: {  	s2 =	sadd.s32 s2, s17  }
0x8e: {  	[smem:$0x3FC2] =	sst s2  }
0x8f: {  	_ = 	snop  }
0x90: {  	s2 =	sld [smem:$0x3FC9]  }
0x91: {  	s18 =	sld [smem:$0x3FC8];
	(tm) =	ssettm $0x1  }
0x92: {  	s4 =	sld [smem:$0x3FFB];
	_ =	sdelay $0x3  }
0x93: {  	_ =	strace s4  }
0x94: {  	s4 =	sld [smem:$0x3FFC];
	_ =	sdelay $0x3  }
0x95: {  	_ =	strace s4  }
0x96: {  	s4 =	sld [smem:$0x3FFD];
	_ =	sdelay $0x3  }
0x97: {  	_ =	strace s4  }
0x98: {  	_ =	strace $0x8FFFFFFF  }
0x99: {  	s19 =	sld [smem:$0x3FDB];
	_ =	sdelay $0x1  }
0x9a: {  	s5 =	simm.s32 $_scs_section_size  }
0x9b: {  	s6 =	simm.s32 $_size__tile_overlayer_lowered;
	s7 =	simm.s32 $_tile_overlayer_lowered  }
0x9c: {  	s22 =	simm.s32 $0x1BFF;
	s21 =	sshll.u32 s7, $0x1;
	s4 =	sadd.s32 s5, s19  }
0x9d: {  	s8 =	simm.s32 $0x0;
	s20 =	sshll.u32 s6, $0x1;
	s6 =	sadd.s32 s21, s4  }
0x9e: {  	[timem:s8], [sflag:s22] =	dma.local [hbm:s6], s20  }
0x9f: {  	_ =	swait.ge [sflag:s22], s20  }
0xa0: {  	s5 =	ssub.s32 $0x0, s20;
	[sflag:s22] =	ssyncset.done $0x0  }
0xa1: {  	[sflag:s22] =	ssyncadd.s32 s5;
	_ =	sdelay $0x1  }
0xa2: {  	s23 =	simm.s32 $0x1B8B  }
0xa3: {  	_ =	swait.ge [sflag:s23], $0x1  }
0xa4: {  	[sflag:s23] =	ssyncset.done $0x0  }
0xa5: {  	s25 =	simm.s32 $0x1B8E;
	s24 =	sld [smem:$0x3FFE];
	[sflag:s23] =	ssyncadd.s32 $0xFFFFFFFF  }
0xa6: {  	s26 =	simm.s32 $execute0_lowered;
	[smem:$0x3FD2] =	sst s25  }
0xa7: {  	s6 =	sshll.u32 s26, $0x1;
	_ =	strace $0x80000046;
	[dreg:$0x1] =	wrdreg $0xFFFFFFFF  }
0xa8: {  	s28 =	simm.s32 $_size_execute0_lowered;
	s4 =	sadd.s32 s4, s6;
	[dreg:$0x0] =	wrdreg $0x0  }
0xa9: {  	s6 =	sshll.u32 s28, $0x1;
	[dreg:$0x2] =	wrdreg s4  }
0xaa: {  	[dreg:$0x3] =	wrdreg s6  }
0xab: {  	[dreg:$0x4] =	wrdreg $0xC0  }
0xac: {  	_ =	task [dreg:s8], $0x5FFFF  }
0xad: {  	[dreg:$0x1] =	wrdreg $0xFFFFFFFF  }
0xae: {  	[dreg:$0x0] =	wrdreg $0x60  }
0xaf: {  	[dreg:$0x2] =	wrdreg s18  }
0xb0: {  	[dreg:$0x3] =	wrdreg s2  }
0xb1: {  	[dreg:$0x4] =	wrdreg s24  }
0xb2: {  	[dreg:$0x5] =	wrdreg $0x9  }
0xb3: {  	_ =	task.clear_ibuf [dreg:s8], $0x6FFFF;
	_ =	strace $0x90000046  }
0xb4: {  	s29 =	simm.s32 $0x9;
	_ =	strace $0x80000048  }
0xb5: {  	_ =	swait.ge [sflag:s29], $0x1  }
0xb6: {  	[sflag:s29] =	ssyncadd.s32 $0xFFFFFFFF  }
0xb7: {  	_ =	strace $0x90000048  }
0xb8: {  	_ =	sfence  }
0xb9: {  	s30 =	sld [smem:$0x0];
	_ =	sdelay $0x2  }
0xba: {  	s31 =	sshll.u32 s1, $0xD;
	s1 =	sshrl.u32 s1, $0x2  }
0xbb: {  	s3 =	sand.u32 $0x4000, s31;
	s1 =	sadd.s32 s1, s30  }
0xbc: {  	s0 =	sor.u32 s3, s0;
	s1 =	sshll.u32 s1, $0x11  }
0xbd: {  	s0 =	sor.u32 s1, s0  }
0xbe: {  	s0 =	sadd.s32 $0x8F2B, s0  }
0xbf: {  	[sflag:s0] =	ssyncadd.remote.s32 $0x1  }
0xc0: {  	_ =	sfence.sel $0xFFFF  }
0xc1: {  	[dreg:$0x0] =	wrdreg $0xFFFFFFFF;
	(pc) =	sbr.abs _section_cstart, $3  }
0xc2: {  	[dreg:$0x1] =	wrdreg $0xFFFFFFFF  }
0xc3: {  	_ =	task.clear_ibuf [dreg:s8], $0x2FFFF;
	_ =	strace $0x9FFFFFFF  }
0xc4: {  	(tm) =	ssettm $0x7FFFFFFF  }
0xc5: {  	_ =	shalt  }
tec
execute0_lowered:
.L_overlay_start_1:
0x0: {  	(tag) =	ssettag $0x1  }
0x1: {  	s6 =	rddreg [dreg:$0x0]  }
0x2: {  	s7 =	rddreg [dreg:$0x1]  }
0x3: {  	s1 =	rddreg [dreg:$0x2]  }
0x4: {  	s0 =	rddreg [dreg:$0x3]  }
0x5: {  	s3 =	simm.s32 $0x0;
	s4 =	srdreg.scid;
	s2 =	stileid.u32  }
0x6: {  	s13 =	simm.s32 $0x400;
	s14 =	simm.s32 $0x8400;
	s15 =	simm.s32 $0x8600  }
0x7: {  	s16 =	simm.s32 $0x1;
	s17 =	simm.s32 $0x40;
	s18 =	simm.s32 $0x80  }
0x8: {  	s19 =	simm.s32 $0x8800;
	s20 =	simm.s32 $0x0;
	[smem:$0x7FF] =	sst s3  }
0x9: {  	s8 =	sand.u32 $0x1, s4;
	s4 =	sadd.s32 $0x186A00, s1;
	s9 =	sshll.u32 s2, $0xA  }
0xa: {  	s5 =	sadd.s32 $0x1EA00, s1;
	s10 =	sshll.u32 s8, $0x9;
	s8 =	ssub.s32 $0x2, s8  }
0xb: {  	_ =	strace $0x80000047;
	s9 =	sor.u32 s10, s9;
	s11 =	sshrl.u32 s8, $0x1  }
0xc: {  	s10 =	sshll.u32 s9, $0x4;
	s9 =	sshrl.u32 s9, $0x3;
	s11 =	ssub.s32 s8, s11  }
0xd: {  	s10 =	sadd.s32 s10, s1;
	s12 =	sadd.s32 s9, s1;
	s6 =	sadd.s32 s6, s9  }
0xe: {  	s7 =	sadd.s32 s7, s9;
	s8 =	sadd.s32 $0x21C00, s10;
	s9 =	sadd.s32 $0x61C00, s12  }
0xf: {  	s10 =	smax.u32 s11, $0x1;
	s11 =	simm.s32 $0x2;
	s12 =	simm.s32 $0x200  }
.LBB2_1:
0x10: {  	[tilespmem:s3], [sflag:$0x2] =	stream.linear.gather [hbm4b:s6+s3], $0x200, $0x38;
	[tilespmem:$0x8A00] =	vst v63  }
0x11: {  	_ =	swait.ge [sflag:s11], $0x200  }
0x12: {  	[sflag:s11] =	ssyncset.done $0x0  }
0x13: {  	[sflag:s11] =	ssyncadd.s32 $0xFFFFFE00  }
0x14: {  	[tilespmem:s12], [sflag:$0x2] =	stream.linear.gather [hbm4b:s7+s3], $0x200, $0x38;
	[tilespmem:$0x8A00] =	vst v63  }
0x15: {  	_ =	swait.ge [sflag:s11], $0x200  }
0x16: {  	[sflag:s11] =	ssyncset.done $0x0  }
0x17: {  	[sflag:s11] =	ssyncadd.s32 $0xFFFFFE00  }
0x18: {  	[tilespmem:s13], [sflag:$0x1] =	stream.indirect.gather [hbm4b:s4+s12], $0x40, s3, s12, $0xb8;
	[tilespmem:$0x8A00] =	vst v63  }
0x19: {  	_ = 	snop  }
0x1a: {  	[tilespmem:s14], [sflag:$0x1] =	stream.indirect.gather [hbm4b:s1+s12], $0x1, s12, s12, $0xb8;
	[tilespmem:$0x8A00] =	vst v63  }
0x1b: {  	_ = 	snop  }
0x1c: {  	[tilespmem:s15], [sflag:$0x1] =	stream.indirect.gather [hbm4b:s5+s12], $0x1, s3, s12, $0xb8;
	[tilespmem:$0x8A00] =	vst v63  }
0x1d: {  	_ =	swait.ge [sflag:s16], $0x8000  }
0x1e: {  	[sflag:s16] =	ssyncset.done $0x0  }
0x1f: {  	[sflag:s16] =	ssyncadd.s32 $0xFFFF8000  }
0x20: {  	_ =	swait.ge [sflag:s16], $0x200  }
0x21: {  	[sflag:s16] =	ssyncset.done $0x0  }
0x22: {  	[sflag:s16] =	ssyncadd.s32 $0xFFFFFE00  }
0x23: {  	_ =	swait.ge [sflag:s16], $0x200  }
0x24: {  	[sflag:s16] =	ssyncset.done $0x0  }
0x25: {  	s21 =	simm.s32 $0x0;
	[sflag:s16] =	ssyncadd.s32 $0xFFFFFE00  }
0x26: {  	v0 =	vld [tilespmem:s21+$0x8400]  }
0x27: {  	v1 =	vld [tilespmem:s21+$0x8600];
	_ =	sdelay $0x2  }
0x28: {  	s22 =	simm.s32 $0x40  }
.LBB2_2:
0x29: {  	s23 =	sshra.s32 s22, $0x2;
	p0 =	sne.s32 s22, $0x7C0  }
.Ltmp0:
0x2a: {  	s22 =	sadd.s32 $0x40, s22;
	v2 =	vadd.f32 v1, v0;
	v0 =	vld [tilespmem:s23+$0x8400];
	(pc) =	sbr.rel @p0 .LBB2_2-.Ltmp0, $3  }
0x2b: {  	v1 =	vld [tilespmem:s23+$0x8600]  }
0x2c: {  	v2 =	vadd.f32 $7.000000000e+00, v2;
	_ =	sdelay $0x1  }
0x2d: {  	[tilespmem:s21+$0x8800] =	vst v2;
	s21 =	smov.u32 s23  }
0x2e: {  	_ = 	snop  }
0x2f: {  	v0 =	vadd.f32 v1, v0;
	_ =	sdelay $0x1  }
0x30: {  	v0 =	vadd.f32 $7.000000000e+00, v0;
	_ =	sdelay $0x1  }
0x31: {  	[tilespmem:s21+$0x8800] =	vst v0  }
0x32: {  	[hbm4b:s8+s17] =	stream.strided.scatter [tilespmem:s13], [sflag:$0x2], $0x8000, s18, s17, $0x38;
	[tilespmem:$0x8A00] =	vst v63  }
0x33: {  	s20 =	sadd.s32 $0x1, s20;
	_ =	swait.ge [sflag:s11], $0x8000  }
0x34: {  	p0 =	sne.s32 s20, s10;
	[sflag:s11] =	ssyncset.done $0x0  }
.Ltmp1:
0x35: {  	[sflag:s11] =	ssyncadd.s32 $0xFFFF8000;
	(pc) =	sbr.rel @p0 .LBB2_1-.Ltmp1, $4  }
0x36: {  	[hbm4b:s9+s3] =	stream.linear.scatter [tilespmem:s19], [sflag:$0x2], $0x200, $0x38;
	[tilespmem:$0x8A00] =	vst v63  }
0x37: {  	_ =	swait.ge [sflag:s11], $0x200  }
0x38: {  	[sflag:s11] =	ssyncset.done $0x0  }
0x39: {  	[sflag:s11] =	ssyncadd.s32 $0xFFFFFE00  }
0x3a: {  	_ =	sfence.sel $0x180000  }
0x3b: {  	[bflag:$0x0] =	sbarrier.arrive $0xFFFF  }
0x3c: {  	p0 =	sne.s32 s2, $0x0;
	_ =	strace $0x90000047  }
0x3d: {  	s0 =	sadd.s32 @!p0 $0x100000, s0;
	[bflag:$0x2] =	sbarrier.arrive $0xFFFF  }
0x3e: {  	[sflag:s0] =	ssyncadd.tile.s32 @!p0 $0x1;
	_ =	shalt  }
.Lfunc_end2:
_tile_overlayer_lowered:
.L_overlay_start_2:
0x3f: {  	(tag) =	ssettag $0x2  }
0x40: {  	s0 =	rddreg [dreg:$0x0];
	s2 =	stileid.u32  }
0x41: {  	s1 =	rddreg [dreg:$0x1];
	p0 =	sne.s32 s2, $0x0  }
0x42: {  	s3 =	rddreg [dreg:$0x2];
	[bflag:$0x3] =	sbarrier.arrive $0xFFFF;
	s2 =	simm.s32 @!p0 $0x1C02  }
0x43: {  	[timem:s3], [sflag:s2] =	dma.local @!p0 [hbm:s0], s1  }
0x44: {  	s0 =	simm.s32 @!p0 $0x2  }
0x45: {  	_ =	swait.ge @!p0 [sflag:s0], s1  }
0x46: {  	s1 =	ssub.s32 @!p0 $0x0, s1;
	[sflag:s0] =	ssyncset.done @!p0 $0x0  }
0x47: {  	[sflag:s0] =	ssyncadd.s32 @!p0 s1  }
0x48: {  	[bflag:$0x3] =	sbarrier.arrive $0xFFFF  }
0x49: {  	_ =	shalt  }

// kernel: _mf.8.cloned.1.call-start
scs
__scs_entry_jumppad:
0x0: {  	(pc) =	sbr.rel $0x88, $3  }
0x1: {  	(tag) =	ssettag $0x0;
	lr =	simm.s32 $0x1  }
0x2: {  	[smem:$0x3F9B] =	sst lr;
	_ =	strace $0xD0000000  }
0x3: {  	_ = 	snop  }
0x4: {  	_ = 	snop  }
0x5: {  	_ = 	snop  }
0x6: {  	_ = 	snop  }
0x7: {  	_ = 	snop  }
__scs_overlays_trampoline_lowered:
0x8: {  	[smem:$0x3FAA] =	sst s0  }
0x9: {  	[smem:$0x3FAB] =	sst s1  }
0xa: {  	[smem:$0x3FAC] =	sst s2  }
0xb: {  	[smem:$0x3FAD] =	sst s3  }
0xc: {  	[smem:$0x3FAE] =	sst s4  }
0xd: {  	[smem:$0x3FAF] =	sst s5  }
0xe: {  	[smem:$0x3FB0] =	sst s6  }
0xf: {  	[smem:$0x3FB1] =	sst s7  }
0x10: {  	[smem:$0x3FB2] =	sst s8  }
0x11: {  	[smem:$0x3FB3] =	sst s9;
	s0 =	simm.s32 @!p0 $0x0  }
0x12: {  	s1 =	sld [smem:$0x3F99];
	s0 =	simm.s32 @p0 $0x1  }
0x13: {  	[smem:$0x3FB4] =	sst s0;
	s0 =	simm.s32 @!p1 $0x0  }
0x14: {  	s2 =	sld [smem:$0x3F98];
	s0 =	simm.s32 @p1 $0x1  }
0x15: {  	[smem:$0x3FB5] =	sst s0;
	s0 =	simm.s32 @!p2 $0x0  }
0x16: {  	s3 =	sld [smem:$0x3FDB];
	s0 =	simm.s32 @p2 $0x1  }
0x17: {  	s4 =	simm.s32 $0x1BF5;
	[smem:$0x3FB7] =	sst s0  }
0x18: {  	s0 =	sld [smem:$0x3F9A];
	_ =	swait.ge [sflag:s4], $0x0  }
0x19: {  	s7 =	sld [smem:$0x3F9B]  }
0x1a: {  	s8 =	sadd.s32 $0xFFFFE003, lr  }
0x1b: {  	s9 =	sadd.s32 $0xFFFFFEF7, lr;
	s5 =	simm.s32 $0xFFFFFFFF;
	p2 =	slt.u32 s8, $0xFFFFF086  }
0x1c: {  	p1 =	slt.u32 s9, $0xF7A;
	s5 =	simm.s32 @!p2 $0x0  }
0x1d: {  	s5 =	simm.s32 @p1 $0x1;
	p0 =	seq.s32 s7, s2  }
0x1e: {  	s7 =	smul.u32 @!p0 $0xF7A, s2;
	p2 =	seq.s32 @!p0 s5, $0x0  }
0x1f: {  	s9 =	smul.u32 $0xF7A, s1;
	s8 =	simm.s32 @!p0 $0x1BF5;
	p2 =	por !p2, p0  }
0x20: {  	[sflag:s8] =	ssyncset.s32 @!p0 $0xFFFFF086;
	s6 =	sadd.s32 @!p0 s3, s7;
	s7 =	simm.s32 @!p0 $0x108  }
0x21: {  	s3 =	sadd.s32 s3, s9;
	s6 =	sadd.s32 @!p0 $0x88, s6;
	s7 =	simm.s32 @p2 $0x1082  }
0x22: {  	[simem:s7], [sflag:s8] =	dma.local @!p0 [hbm:s6], $0xF7A  }
0x23: {  	s9 =	sor.u32 $0xD0000000, s2;
	s6 =	simm.s32 $0x108;
	_ =	swait.ge @!p0 [sflag:s8], $0x0  }
0x24: {  	s3 =	sadd.s32 $0x88, s3;
	s6 =	simm.s32 @!p1 $0x1082;
	[sflag:s4] =	ssyncset.s32 $0xFFFFF086  }
0x25: {  	[simem:s6], [sflag:s4] =	dma.local [hbm:s3], $0xF7A  }
0x26: {  	[smem:$0x3F9B] =	sst s1;
	(tag) =	ssettag s2;
	_ =	strace s9  }
0x27: {  	s1 =	sld [smem:$0x3FAB]  }
0x28: {  	s2 =	sld [smem:$0x3FAC]  }
0x29: {  	s4 =	sld [smem:$0x3FAE]  }
0x2a: {  	p0 =	seq.s32 s5, $0x0;
	s5 =	sld [smem:$0x3FAF]  }
0x2b: {  	s6 =	sld [smem:$0x3FB0]  }
0x2c: {  	s7 =	sld [smem:$0x3FB1]  }
0x2d: {  	s3 =	simm.s32 $0x108;
	s8 =	sld [smem:$0x3FB2]  }
0x2e: {  	s3 =	simm.s32 @!p0 $0x1082;
	s9 =	sld [smem:$0x3FB3]  }
0x2f: {  	lr =	sadd.s32 s0, s3;
	s0 =	sld [smem:$0x3FAA]  }
0x30: {  	s3 =	sld [smem:$0x3FAD]  }
0x31: {  	[smem:$0x3FB6] =	sst s10  }
0x32: {  	s10 =	sld [smem:$0x3FB4];
	_ =	sdelay $0x3  }
0x33: {  	p0 =	seq.s32 s10, $0x1;
	s10 =	sld [smem:$0x3FB6];
	_ =	sdelay $0x3  }
0x34: {  	[smem:$0x3FB6] =	sst s10  }
0x35: {  	s10 =	sld [smem:$0x3FB5];
	_ =	sdelay $0x3  }
0x36: {  	p1 =	seq.s32 s10, $0x1;
	s10 =	sld [smem:$0x3FB6];
	_ =	sdelay $0x3  }
0x37: {  	[smem:$0x3FB6] =	sst s10  }
0x38: {  	s10 =	sld [smem:$0x3FB7]  }
0x39: {  	_ = 	snop;
	(pc) =	sbr.ind lr, $3  }
0x3a: {  	_ = 	snop  }
0x3b: {  	_ = 	snop  }
0x3c: {  	p2 =	seq.s32 s10, $0x1;
	s10 =	sld [smem:$0x3FB6]  }
0x3d: {  	_ =	shalt  }
0x3e: {  	_ =	shalt  }
0x3f: {  	_ =	shalt  }
0x40: {  	_ =	shalt  }
0x41: {  	_ =	shalt  }
0x42: {  	_ =	shalt  }
0x43: {  	_ =	shalt  }
0x44: {  	_ =	shalt  }
0x45: {  	_ =	shalt  }
0x46: {  	_ =	shalt  }
0x47: {  	_ =	shalt  }
0x48: {  	_ =	shalt  }
0x49: {  	_ =	shalt  }
0x4a: {  	_ =	shalt  }
0x4b: {  	_ =	shalt  }
0x4c: {  	_ =	shalt  }
0x4d: {  	_ =	shalt  }
0x4e: {  	_ =	shalt  }
0x4f: {  	_ =	shalt  }
0x50: {  	_ =	shalt  }
0x51: {  	_ =	shalt  }
0x52: {  	_ =	shalt  }
0x53: {  	_ =	shalt  }
0x54: {  	_ =	shalt  }
0x55: {  	_ =	shalt  }
0x56: {  	_ =	shalt  }
0x57: {  	_ =	shalt  }
0x58: {  	_ =	shalt  }
0x59: {  	_ =	shalt  }
0x5a: {  	_ =	shalt  }
0x5b: {  	_ =	shalt  }
0x5c: {  	_ =	shalt  }
0x5d: {  	_ =	shalt  }
0x5e: {  	_ =	shalt  }
0x5f: {  	_ =	shalt  }
0x60: {  	_ =	shalt  }
0x61: {  	_ =	shalt  }
0x62: {  	_ =	shalt  }
0x63: {  	_ =	shalt  }
0x64: {  	_ =	shalt  }
0x65: {  	_ =	shalt  }
0x66: {  	_ =	shalt  }
0x67: {  	_ =	shalt  }
0x68: {  	_ =	shalt  }
0x69: {  	_ =	shalt  }
0x6a: {  	_ =	shalt  }
0x6b: {  	_ =	shalt  }
0x6c: {  	_ =	shalt  }
0x6d: {  	_ =	shalt  }
0x6e: {  	_ =	shalt  }
0x6f: {  	_ =	shalt  }
0x70: {  	_ =	shalt  }
0x71: {  	_ =	shalt  }
0x72: {  	_ =	shalt  }
0x73: {  	_ =	shalt  }
0x74: {  	_ =	shalt  }
0x75: {  	_ =	shalt  }
0x76: {  	_ =	shalt  }
0x77: {  	_ =	shalt  }
0x78: {  	_ =	shalt  }
0x79: {  	_ =	shalt  }
0x7a: {  	_ =	shalt  }
0x7b: {  	_ =	shalt  }
0x7c: {  	_ =	shalt  }
0x7d: {  	_ =	shalt  }
0x7e: {  	_ =	shalt  }
0x7f: {  	_ =	shalt  }
0x80: {  	_ =	shalt  }
0x81: {  	_ =	shalt  }
0x82: {  	_ =	shalt  }
0x83: {  	_ =	shalt  }
0x84: {  	_ =	shalt  }
0x85: {  	_ =	shalt  }
0x86: {  	_ =	shalt  }
0x87: {  	_ =	shalt  }
.Lfunc_end0:
.L_simem_size_0:
called_computation.1_lowered:
.L_overlay_start_0:
0x88: {  	s2 =	sld [smem:$0x3FD9]  }
0x89: {  	s3 =	sld [smem:$0x3FFE];
	_ =	sdelay $0x1  }
0x8a: {  	s1 =	srdreg.scid  }
0x8b: {  	s0 =	sand.u32 $0x1, s1  }
0x8c: {  	s17 =	sshll.u32 s0, $0xA;
	s2 =	sadd.s32 s3, s2  }
0x8d: {  	s2 =	sadd.s32 s2, s17  }
0x8e: {  	[smem:$0x3FC2] =	sst s2  }
0x8f: {  	_ = 	snop  }
0x90: {  	s2 =	sld [smem:$0x3FC7]  }
0x91: {  	s18 =	sld [smem:$0x3FD0];
	(tm) =	ssettm $0x1  }
0x92: {  	s4 =	sld [smem:$0x3FFB];
	_ =	sdelay $0x3  }
0x93: {  	_ =	strace s4  }
0x94: {  	s4 =	sld [smem:$0x3FFC];
	_ =	sdelay $0x3  }
0x95: {  	_ =	strace s4  }
0x96: {  	s4 =	sld [smem:$0x3FFD];
	_ =	sdelay $0x3  }
0x97: {  	_ =	strace s4  }
0x98: {  	_ =	strace $0x8FFFFFFF  }
0x99: {  	s19 =	sld [smem:$0x3FDB];
	_ =	sdelay $0x1  }
0x9a: {  	s5 =	simm.s32 $_scs_section_size  }
0x9b: {  	s6 =	simm.s32 $_size__tile_overlayer_lowered;
	s7 =	simm.s32 $_tile_overlayer_lowered  }
0x9c: {  	s22 =	simm.s32 $0x1BFF;
	s21 =	sshll.u32 s7, $0x1;
	s4 =	sadd.s32 s5, s19  }
0x9d: {  	s8 =	simm.s32 $0x0;
	s20 =	sshll.u32 s6, $0x1;
	s6 =	sadd.s32 s21, s4  }
0x9e: {  	[timem:s8], [sflag:s22] =	dma.local [hbm:s6], s20  }
0x9f: {  	_ =	swait.ge [sflag:s22], s20  }
0xa0: {  	s5 =	ssub.s32 $0x0, s20;
	[sflag:s22] =	ssyncset.done $0x0  }
0xa1: {  	[sflag:s22] =	ssyncadd.s32 s5;
	_ =	sdelay $0x1  }
0xa2: {  	s23 =	simm.s32 $0x1B8B  }
0xa3: {  	_ =	swait.ge [sflag:s23], $0x1  }
0xa4: {  	[sflag:s23] =	ssyncset.done $0x0  }
0xa5: {  	s25 =	simm.s32 $0x1B8E;
	s24 =	sld [smem:$0x3FFE];
	[sflag:s23] =	ssyncadd.s32 $0xFFFFFFFF  }
0xa6: {  	s26 =	simm.s32 $execute0_lowered;
	[smem:$0x3FD2] =	sst s25  }
0xa7: {  	s6 =	sshll.u32 s26, $0x1;
	_ =	strace $0x80000049;
	[dreg:$0x1] =	wrdreg $0xFFFFFFFF  }
0xa8: {  	s28 =	simm.s32 $_size_execute0_lowered;
	s4 =	sadd.s32 s4, s6;
	[dreg:$0x0] =	wrdreg $0x0  }
0xa9: {  	s6 =	sshll.u32 s28, $0x1;
	[dreg:$0x2] =	wrdreg s4  }
0xaa: {  	[dreg:$0x3] =	wrdreg s6  }
0xab: {  	[dreg:$0x4] =	wrdreg $0xC0  }
0xac: {  	_ =	task [dreg:s8], $0x5FFFF  }
0xad: {  	[dreg:$0x1] =	wrdreg $0xFFFFFFFF  }
0xae: {  	[dreg:$0x0] =	wrdreg $0x60  }
0xaf: {  	[dreg:$0x2] =	wrdreg s18  }
0xb0: {  	[dreg:$0x3] =	wrdreg s24  }
0xb1: {  	[dreg:$0x4] =	wrdreg s2  }
0xb2: {  	[dreg:$0x5] =	wrdreg $0x9  }
0xb3: {  	_ =	task.clear_ibuf [dreg:s8], $0x6FFFF;
	_ =	strace $0x90000049  }
0xb4: {  	s29 =	simm.s32 $0x9;
	_ =	strace $0x8000004B  }
0xb5: {  	_ =	swait.ge [sflag:s29], $0x1  }
0xb6: {  	[sflag:s29] =	ssyncadd.s32 $0xFFFFFFFF  }
0xb7: {  	_ =	strace $0x9000004B  }
0xb8: {  	_ =	sfence  }
0xb9: {  	s30 =	sld [smem:$0x0];
	_ =	sdelay $0x2  }
0xba: {  	s31 =	sshll.u32 s1, $0xD;
	s1 =	sshrl.u32 s1, $0x2  }
0xbb: {  	s3 =	sand.u32 $0x4000, s31;
	s1 =	sadd.s32 s1, s30  }
0xbc: {  	s0 =	sor.u32 s3, s0;
	s1 =	sshll.u32 s1, $0x11  }
0xbd: {  	s0 =	sor.u32 s1, s0  }
0xbe: {  	s0 =	sadd.s32 $0x8F2B, s0  }
0xbf: {  	[sflag:s0] =	ssyncadd.remote.s32 $0x1  }
0xc0: {  	_ =	sfence.sel $0xFFFF  }
0xc1: {  	[dreg:$0x0] =	wrdreg $0xFFFFFFFF;
	(pc) =	sbr.abs _section_cstart, $3  }
0xc2: {  	[dreg:$0x1] =	wrdreg $0xFFFFFFFF  }
0xc3: {  	_ =	task.clear_ibuf [dreg:s8], $0x2FFFF;
	_ =	strace $0x9FFFFFFF  }
0xc4: {  	(tm) =	ssettm $0x7FFFFFFF  }
0xc5: {  	_ =	shalt  }
tec
execute0_lowered:
.L_overlay_start_1:
0x0: {  	(tag) =	ssettag $0x1  }
0x1: {  	s0 =	rddreg [dreg:$0x0];
	s1 =	srdreg.scid  }
0x2: {  	s2 =	stileid.u32;
	s5 =	rddreg [dreg:$0x1]  }
0x3: {  	s4 =	simm.s32 $0x0;
	s13 =	simm.s32 $0x8;
	s22 =	simm.s32 $0x10A00  }
0x4: {  	s23 =	simm.s32 $0x14A00;
	s28 =	simm.s32 $0x3;
	s29 =	simm.s32 $0x12A00  }
0x5: {  	s30 =	simm.s32 $0x4;
	s31 =	simm.s32 $0x5;
	s20 =	simm.s32 $0x18A00  }
0x6: {  	s21 =	simm.s32 $0x7;
	s15 =	simm.s32 $0x1AA00;
	s16 =	simm.s32 $0x0  }
0x7: {  	s1 =	sand.u32 $0x1, s1;
	s3 =	sshll.u32 s2, $0x1;
	s2 =	rddreg [dreg:$0x2]  }
0x8: {  	[smem:$0x7FF] =	sst s4;
	s7 =	sadd.s32 $0x64400, s5;
	s24 =	sadd.s32 $0x21C00, s5  }
0x9: {  	s3 =	sor.u32 s1, s3;
	_ =	strace $0x8000004A;
	[dreg:$0x4] =	wrdreg s7  }
0xa: {  	s1 =	ssub.s32 $0x2, s1;
	[dreg:$0x5] =	wrdreg s24;
	s24 =	simm.s32 $0x1  }
0xb: {  	s6 =	smul.u32 $0x41, s3;
	s8 =	sshll.u32 s3, $0x6;
	s9 =	sshrl.u32 s1, $0x1  }
0xc: {  	s7 =	sadd.s32 s5, s8;
	s1 =	ssub.s32 s1, s9;
	s0 =	sadd.s32 s0, s8  }
0xd: {  	v0 =	vlaneseq.u32;
	s6 =	sadd.s32 s6, s5;
	[dreg:$0x6] =	wrdreg s0;
	s25 =	sadd.s32 $0x62C00, s7  }
0xe: {  	v0 =	vmul.u32 $0x80, v0;
	s26 =	sadd.s32 $0x63C00, s7;
	s12 =	smax.u32 s1, $0x1;
	[dreg:$0x7] =	wrdreg s25  }
0xf: {  	vm0 =	vcmask $0x3F3C;
	s1 =	simm.s32 $0x16A00;
	s0 =	simm.s32 $0x6;
	[dreg:$0x8] =	wrdreg s26  }
0x10: {  	v1 =	vor.u32 $0x800, v0;
	v2 =	vor.u32 $0x1000, v0;
	v3 =	vor.u32 $0x1800, v0;
	s11 =	sadd.s32 $0x64600, s6;
	s25 =	simm.s32 $0x2;
	s26 =	simm.s32 $0x1CA00  }
.LBB2_1:
0x11: {  	s5 =	rddreg [dreg:$0x6]  }
0x12: {  	[tilespmem:s4], [sflag:$0x8] =	stream.linear.gather [hbm4b:s5+s4], $0x200, $0x38;
	[tilespmem:$0x1CC00] =	vst v63  }
0x13: {  	_ =	swait.ge [sflag:s13], $0x200  }
0x14: {  	[sflag:s13] =	ssyncset.done $0x0  }
0x15: {  	s6 =	simm.s32 $0x280;
	s8 =	rddreg [dreg:$0x7];
	[sflag:s13] =	ssyncadd.s32 $0xFFFFFE00  }
0x16: {  	[tilespmem:s6], [sflag:$0x8] =	stream.linear.gather [hbm4b:s8+s4], $0x200, $0x38;
	[tilespmem:$0x1CC00] =	vst v63  }
0x17: {  	_ =	swait.ge [sflag:s13], $0x200  }
0x18: {  	[sflag:s13] =	ssyncset.done $0x0  }
0x19: {  	s8 =	simm.s32 $0x480;
	s9 =	rddreg [dreg:$0x8];
	[sflag:s13] =	ssyncadd.s32 $0xFFFFFE00  }
0x1a: {  	[tilespmem:s8], [sflag:$0x8] =	stream.linear.gather [hbm4b:s9+s4], $0x200, $0x38;
	[tilespmem:$0x1CC00] =	vst v63  }
0x1b: {  	_ =	swait.ge [sflag:s13], $0x200  }
0x1c: {  	[sflag:s13] =	ssyncset.done $0x0  }
0x1d: {  	s10 =	simm.s32 $0x700;
	[sflag:s13] =	ssyncadd.s32 $0xFFFFFE00  }
0x1e: {  	[tilespmem:s10], [sflag:$0x8] =	stream.linear.gather [hbm4b:s11+s4], $0x208, $0x38;
	[tilespmem:$0x1CC00] =	vst v63  }
0x1f: {  	_ =	swait.ge [sflag:s13], $0x208  }
0x20: {  	[sflag:s13] =	ssyncset.done $0x0  }
0x21: {  	s17 =	simm.s32 $0x980;
	s14 =	rddreg [dreg:$0x4];
	[sflag:s13] =	ssyncadd.s32 $0xFFFFFDF8  }
0x22: {  	[tilespmem:s17], [sflag:$0x8] =	stream.linear.gather [hbm4b:s14+s4], $0x20, $0x38;
	[tilespmem:$0x1CC00] =	vst v63  }
0x23: {  	_ =	swait.ge [sflag:s13], $0x20  }
0x24: {  	s19 =	simm.s32 $0x200;
	[sflag:s13] =	ssyncset.done $0x0  }
0x25: {  	s9 =	simm.s32 $0xA00;
	s18 =	rddreg [dreg:$0x5];
	[sflag:s13] =	ssyncadd.s32 $0xFFFFFFE0  }
0x26: {  	[tilespmem:s9], [sflag:$0x1] =	stream.indirect.gather [hbm4b:s18+s19], $0x80, s6, s19, $0xb8;
	[tilespmem:$0x1CC00] =	vst v63  }
0x27: {  	v4 =	vld [tilespmem:s3+$0x980];
	_ =	sdelay $0x4  }
0x28: {  	(v2sf) =	vpush v4, $0x0;
	_ =	sdelay $0xe  }
0x29: {  	s17 =	spop (v2sf)  }
0x2a: {  	p0 =	slt.s32 s17, $0x1  }
.Ltmp0:
0x2b: {  	_ = 	snop;
	(pc) =	sbr.rel @p0 .LBB2_39-.Ltmp0, $1  }
0x2c: {  	_ =	sdelay $0x3  }
0x2d: {  	v4 =	vld [tilespmem:$0x700];
	_ =	sdelay $0x4  }
0x2e: {  	(v2sf) =	vpush v4, $0x0;
	_ =	sdelay $0xe  }
0x2f: {  	s5 =	spop (v2sf)  }
0x30: {  	v4 =	vld [tilespmem:s5+$0x480];
	_ =	sdelay $0x4  }
0x31: {  	(v2sf) =	vpush v4, $0x0;
	_ =	sdelay $0xe  }
0x32: {  	s19 =	spop (v2sf)  }
0x33: {  	s6 =	simm.s32 $0x400;
	s5 =	sand.u32 $0xFFFFF80, s19  }
0x34: {  	s8 =	simm.s32 $0x7A1400;
	p0 =	seq.s32 s17, $0x1;
	s5 =	sadd.s32 s2, s5  }
0x35: {  	[tilespmem:s22], [sflag:$0x2] =	stream.strided.gather [hbm4b:s5+s6], $0x2000, s8, s6, $0x38;
	[tilespmem:$0x1CC00] =	vst v63  }
0x36: {  	v4 =	vld @!p0 [tilespmem:$0x701];
	_ =	sdelay $0x4  }
0x37: {  	(v2sf) =	vpush @!p0 v4, $0x0;
	_ =	sdelay $0xe  }
0x38: {  	s5 =	spop @!p0 (v2sf)  }
0x39: {  	v4 =	vld @!p0 [tilespmem:s5+$0x480];
	_ =	sdelay $0x4  }
0x3a: {  	(v2sf) =	vpush @!p0 v4, $0x0;
	_ =	sdelay $0xe  }
0x3b: {  	s5 =	spop @!p0 (v2sf)  }
0x3c: {  	s9 =	simm.s32 @!p0 $0x12A00;
	p1 =	slt.u32 @!p0 s17, $0x3;
	s5 =	sand.u32 @!p0 $0xFFFFF80, s5  }
0x3d: {  	s6 =	simm.s32 @!p0 $0x400;
	s8 =	simm.s32 @!p0 $0x7A1400;
	s5 =	sadd.s32 @!p0 s2, s5  }
0x3e: {  	[tilespmem:s9], [sflag:$0x3] =	stream.strided.gather @!p0 [hbm4b:s5+s6], $0x2000, s8, s6, $0x38;
	[tilespmem:$0x1CC00] =	vst v63  }
0x3f: {  	p0 =	por p0, p1  }
.Ltmp1:
0x40: {  	_ = 	snop;
	(pc) =	sbr.rel @p0 .LBB2_4-.Ltmp1, $1  }
0x41: {  	_ =	sdelay $0x3  }
0x42: {  	v4 =	vld [tilespmem:$0x702];
	_ =	sdelay $0x4  }
0x43: {  	(v2sf) =	vpush v4, $0x0;
	_ =	sdelay $0xe  }
0x44: {  	s5 =	spop (v2sf)  }
0x45: {  	v4 =	vld [tilespmem:s5+$0x480];
	_ =	sdelay $0x4  }
0x46: {  	(v2sf) =	vpush v4, $0x0;
	_ =	sdelay $0xe  }
0x47: {  	s19 =	spop (v2sf)  }
0x48: {  	s6 =	simm.s32 $0x400;
	s5 =	sand.u32 $0xFFFFF80, s19  }
0x49: {  	s8 =	simm.s32 $0x7A1400;
	p0 =	seq.s32 s17, $0x3;
	s5 =	sadd.s32 s2, s5  }
0x4a: {  	[tilespmem:s23], [sflag:$0x4] =	stream.strided.gather [hbm4b:s5+s6], $0x2000, s8, s6, $0x38;
	[tilespmem:$0x1CC00] =	vst v63  }
0x4b: {  	v4 =	vld @!p0 [tilespmem:$0x703];
	_ =	sdelay $0x4  }
0x4c: {  	(v2sf) =	vpush @!p0 v4, $0x0;
	_ =	sdelay $0xe  }
0x4d: {  	s5 =	spop @!p0 (v2sf)  }
0x4e: {  	v4 =	vld @!p0 [tilespmem:s5+$0x480];
	_ =	sdelay $0x4  }
0x4f: {  	(v2sf) =	vpush @!p0 v4, $0x0;
	_ =	sdelay $0xe  }
0x50: {  	p1 =	slt.u32 @!p0 s17, $0x5;
	s5 =	spop @!p0 (v2sf)  }
0x51: {  	s9 =	simm.s32 @!p0 $0x16A00;
	p2 =	por p1, p0;
	s5 =	sand.u32 @!p0 $0xFFFFF80, s5  }
0x52: {  	s6 =	simm.s32 @!p0 $0x400;
	s8 =	simm.s32 @!p0 $0x7A1400;
	s5 =	sadd.s32 @!p0 s2, s5  }
0x53: {  	[tilespmem:s9], [sflag:$0x5] =	stream.strided.gather @!p0 [hbm4b:s5+s6], $0x2000, s8, s6, $0x38;
	[tilespmem:$0x1CC00] =	vst v63  }
0x54: {  	v4 =	vld @!p2 [tilespmem:$0x704];
	_ =	sdelay $0x4  }
0x55: {  	(v2sf) =	vpush @!p2 v4, $0x0;
	_ =	sdelay $0xe  }
0x56: {  	s5 =	spop @!p2 (v2sf)  }
0x57: {  	v4 =	vld @!p2 [tilespmem:s5+$0x480];
	_ =	sdelay $0x4  }
0x58: {  	(v2sf) =	vpush @!p2 v4, $0x0;
	_ =	sdelay $0xe  }
0x59: {  	s5 =	spop @!p2 (v2sf)  }
0x5a: {  	s6 =	simm.s32 @!p2 $0x400;
	s5 =	sand.u32 @!p2 $0xFFFFF80, s5  }
0x5b: {  	s8 =	simm.s32 @!p2 $0x7A1400;
	s9 =	simm.s32 @!p2 $0x18A00;
	s5 =	sadd.s32 @!p2 s2, s5  }
0x5c: {  	[tilespmem:s9], [sflag:$0x6] =	stream.strided.gather @!p2 [hbm4b:s5+s6], $0x2000, s8, s6, $0x38;
	[tilespmem:$0x1CC00] =	vst v63  }
0x5d: {  	p2 =	seq.s32 @!p2 s17, $0x5  }
0x5e: {  	p1 =	por @!p0 p2, p1  }
0x5f: {  	p0 =	por p1, p0  }
0x60: {  	v4 =	vld @!p0 [tilespmem:$0x705];
	_ =	sdelay $0x4  }
0x61: {  	(v2sf) =	vpush @!p0 v4, $0x0;
	_ =	sdelay $0xe  }
0x62: {  	s5 =	spop @!p0 (v2sf)  }
0x63: {  	v4 =	vld @!p0 [tilespmem:s5+$0x480];
	_ =	sdelay $0x4  }
0x64: {  	(v2sf) =	vpush @!p0 v4, $0x0;
	_ =	sdelay $0xe  }
0x65: {  	s5 =	spop @!p0 (v2sf)  }
0x66: {  	s6 =	simm.s32 @!p0 $0x400;
	s5 =	sand.u32 @!p0 $0xFFFFF80, s5  }
0x67: {  	s8 =	simm.s32 @!p0 $0x7A1400;
	s9 =	simm.s32 @!p0 $0x1AA00;
	s5 =	sadd.s32 @!p0 s2, s5  }
0x68: {  	[tilespmem:s9], [sflag:$0x7] =	stream.strided.gather @!p0 [hbm4b:s5+s6], $0x2000, s8, s6, $0x38;
	[tilespmem:$0x1CC00] =	vst v63  }
.LBB2_4:
.Ltmp2:
0x69: {  	(pc) =	sbr.rel .LBB2_5-.Ltmp2, $4  }
0x6a: {  	_ = 	snop  }
0x6b: {  	_ =	swait.ge [sflag:s24], $0x10000  }
0x6c: {  	[sflag:s24] =	ssyncset.done $0x0  }
0x6d: {  	s18 =	simm.s32 $0x0;
	[sflag:s24] =	ssyncadd.s32 $0xFFFF0000  }
.LBB2_21:
0x6e: {  	s5 =	sadd.s32 $0x6, s18  }
0x6f: {  	p0 =	sge.s32 s5, s17  }
0x70: {  	v4 =	vld @!p0 [tilespmem:s5+$0x700];
	_ =	sdelay $0x4  }
0x71: {  	(v2sf) =	vpush @!p0 v4, $0x0;
	_ =	sdelay $0xe  }
0x72: {  	s5 =	spop @!p0 (v2sf)  }
0x73: {  	v4 =	vld @!p0 [tilespmem:s5+$0x480];
	_ =	sdelay $0x4  }
0x74: {  	(v2sf) =	vpush @!p0 v4, $0x0;
	_ =	sdelay $0xe  }
0x75: {  	s5 =	spop @!p0 (v2sf)  }
0x76: {  	s6 =	simm.s32 @!p0 $0x400;
	s5 =	sand.u32 @!p0 $0xFFFFF80, s5  }
0x77: {  	s8 =	simm.s32 @!p0 $0x7A1400;
	s9 =	simm.s32 @!p0 $0x10A00;
	s5 =	sadd.s32 @!p0 s2, s5  }
0x78: {  	[tilespmem:s9], [sflag:$0x2] =	stream.strided.gather @!p0 [hbm4b:s5+s6], $0x2000, s8, s6, $0x38;
	[tilespmem:$0x1CC00] =	vst v63  }
.LBB2_34:
0x79: {  	s18 =	sadd.s32 $0x1, s18  }
0x7a: {  	p0 =	sne.s32 s18, s17  }
.Ltmp3:
0x7b: {  	_ = 	snop;
	(pc) =	sbr.rel @!p0 .LBB2_35-.Ltmp3, $1  }
0x7c: {  	_ =	sdelay $0x3  }
.LBB2_5:
0x7d: {  	s5 =	smulhi.u32 $0xAAAAAAAB, s18;
	_ =	sdelay $0x1  }
0x7e: {  	s5 =	sshrl.u32 s5, $0x2  }
0x7f: {  	s5 =	smul.u32 $0x6, s5;
	_ =	sdelay $0x1  }
0x80: {  	s5 =	ssub.s32 s18, s5  }
0x81: {  	p0 =	sgt.s32 s5, $0x2  }
.Ltmp4:
0x82: {  	_ = 	snop;
	(pc) =	sbr.rel @p0 .LBB2_12-.Ltmp4, $1  }
0x83: {  	_ =	sdelay $0x3  }
0x84: {  	p0 =	seq.s32 s5, $0x0  }
.Ltmp5:
0x85: {  	_ = 	snop;
	(pc) =	sbr.rel @p0 .LBB2_18-.Ltmp5, $1  }
0x86: {  	_ =	sdelay $0x3  }
0x87: {  	p0 =	seq.s32 s5, $0x1  }
.Ltmp6:
0x88: {  	_ = 	snop;
	(pc) =	sbr.rel @!p0 .LBB2_22-.Ltmp6, $1  }
0x89: {  	_ =	sdelay $0x3  }
0x8a: {  	_ =	swait.ge [sflag:s28], $0x2000  }
0x8b: {  	[sflag:s28] =	ssyncset.done $0x0  }
0x8c: {  	[sflag:s28] =	ssyncadd.s32 $0xFFFFE000  }
0x8d: {  	v4 =	vld [tilespmem:s18+$0x700];
	_ =	sdelay $0x4  }
0x8e: {  	(v2sf) =	vpush v4, $0x0;
	_ =	sdelay $0x9  }
0x8f: {  	v4 =	vld [tilespmem:s18+$0x701];
	_ =	sdelay $0x4  }
0x90: {  	s6 =	spop (v2sf);
	(v2sf) =	vpush v4, $0x0;
	_ =	sdelay $0x2  }
0x91: {  	v5 =	vld [tilespmem:s6+$0x480];
	_ =	sdelay $0x4  }
0x92: {  	(v2sf) =	vpush v5, $0x0;
	_ =	sdelay $0x6  }
0x93: {  	s19 =	spop (v2sf)  }
0x94: {  	p0 =	slt.s32 s19, $0x200  }
0x95: {  	s19 =	simm.s32 @!p0 $0x200  }
0x96: {  	p0 =	sge.s32 s6, s19  }
.Ltmp7:
0x97: {  	_ = 	snop;
	(pc) =	sbr.rel @p0 .LBB2_11-.Ltmp7, $2  }
0x98: {  	_ =	sdelay $0x2  }
0x99: {  	s14 =	spop (v2sf)  }
0x9a: {  	s5 =	sshll.u32 s6, $0x2  }
0x9b: {  	s8 =	sshra.s32 s5, $0x2  }
0x9c: {  	v4 =	vld [tilespmem:s8+$0x0];
	_ =	sdelay $0x4  }
0x9d: {  	(v2sf) =	vpush v4, $0x0;
	_ =	sdelay $0xe  }
0x9e: {  	s9 =	spop (v2sf)  }
0x9f: {  	s9 =	ssub.s32 s9, s14  }
0xa0: {  	v4 =	vadd.s32 s9, v0  }
0xa1: {  	s10 =	sshll.u32 s6, $0x9  }
0xa2: {  	s5 =	sshra.s32 s10, $0x2;
	v5 =	vadd.s32 s9, v1  }
0xa3: {  	s5 =	sadd.s32 $0xA20, s5  }
0xa4: {  	v7 =	vld [tilespmem:s5+$0xFFFFFFE0];
	v6 =	vadd.s32 s9, v2  }
0xa5: {  	v4 =	vld.idx.msk [tilespmem:v4+s29+$0x0], $0xffff  }
0xa6: {  	v9 =	vld [tilespmem:s5+$0xFFFFFFF0];
	v8 =	vadd.s32 s9, v3  }
0xa7: {  	v5 =	vld.idx.msk [tilespmem:v5+s29+$0x0], $0xffff  }
0xa8: {  	v10 =	vld [tilespmem:s5+$0x0]  }
0xa9: {  	v6 =	vld.idx.msk [tilespmem:v6+s29+$0x0], $0xffff  }
0xaa: {  	v63 =	vld [tilespmem:s5+$0x10];
	v4 =	vmul.f32 v7, v4  }
0xab: {  	v62 =	vld.idx.msk [tilespmem:v8+s29+$0x0], $0xffff  }
0xac: {  	v5 =	vmul.f32 v9, v5;
	v4 =	vadd.f32 $0.0e+00, v4;
	_ =	sdelay $0x1  }
0xad: {  	v4 =	vadd.f32 v5, v4;
	v5 =	vmul.f32 v10, v6;
	_ =	sdelay $0x1  }
0xae: {  	v4 =	vadd.f32 v5, v4;
	v5 =	vmul.f32 v63, v62;
	_ =	sdelay $0x1  }
0xaf: {  	v4 =	vadd.f32 v5, v4;
	_ =	sdelay $0x1  }
0xb0: {  	(xrf2) =	vadd.scan.msk.f32 $0xffff, v4;
	_ =	sdelay $0x4  }
0xb1: {  	v4 =	vmov s6;
	s6 =	sadd.s32 $0x1, s6  }
0xb2: {  	p0 =	sne.s32 s19, s6  }
.Ltmp8:
0xb3: {  	_ = 	snop;
	(pc) =	sbr.rel @!p0 .LBB2_11-.Ltmp8, $3  }
0xb4: {  	_ =	sdelay $0x1  }
0xb5: {  	v5, _, _ =	vpop (xrf2)  }
0xb6: {  	s8 =	sadd.s32 $0x1, s8;
	[tilespmem:v4+s26+$0x0] =	vst.idx.msk vm0, v5  }
.LBB2_10:
0xb7: {  	v4 =	vld [tilespmem:s8+$0x0];
	s9 =	smov.u32 s6;
	s6 =	sadd.s32 $0x1, s6  }
0xb8: {  	p0 =	sne.s32 s19, s6;
	_ =	sdelay $0x3  }
0xb9: {  	(v2sf) =	vpush v4, $0x0;
	_ =	sdelay $0xe  }
0xba: {  	s10 =	spop (v2sf)  }
0xbb: {  	s10 =	ssub.s32 s10, s14  }
0xbc: {  	v4 =	vadd.s32 s10, v0;
	_ =	sdelay $0x1  }
0xbd: {  	v5 =	vadd.s32 s10, v1;
	_ =	sdelay $0x1  }
0xbe: {  	v6 =	vadd.s32 s10, v2  }
0xbf: {  	s5 =	sadd.s32 $0x80, s5;
	v4 =	vld.idx.msk [tilespmem:v4+s29+$0x0], $0xffff  }
0xc0: {  	v8 =	vadd.s32 s10, v3;
	v7 =	vld [tilespmem:s5+$0xFFFFFFE0]  }
0xc1: {  	v5 =	vld.idx.msk [tilespmem:v5+s29+$0x0], $0xffff  }
0xc2: {  	v9 =	vld [tilespmem:s5+$0xFFFFFFF0]  }
0xc3: {  	v6 =	vld.idx.msk [tilespmem:v6+s29+$0x0], $0xffff  }
0xc4: {  	v10 =	vld [tilespmem:s5+$0x0]  }
0xc5: {  	v4 =	vmul.f32 v7, v4;
	v7 =	vld.idx.msk [tilespmem:v8+s29+$0x0], $0xffff  }
0xc6: {  	v8 =	vld [tilespmem:s5+$0x10]  }
0xc7: {  	v4 =	vadd.f32 $0.0e+00, v4;
	v5 =	vmul.f32 v9, v5;
	_ =	sdelay $0x1  }
0xc8: {  	v4 =	vadd.f32 v5, v4;
	v5 =	vmul.f32 v10, v6;
	_ =	sdelay $0x1  }
0xc9: {  	v4 =	vadd.f32 v5, v4;
	v5 =	vmul.f32 v8, v7;
	_ =	sdelay $0x1  }
0xca: {  	v4 =	vadd.f32 v5, v4;
	_ =	sdelay $0x1  }
0xcb: {  	(xrf2) =	vadd.scan.msk.f32 $0xffff, v4;
	_ =	sdelay $0x5  }
0xcc: {  	v4 =	vmov s9  }
.Ltmp9:
0xcd: {  	(pc) =	sbr.rel @p0 .LBB2_10-.Ltmp9, $3  }
0xce: {  	_ =	sdelay $0x1  }
0xcf: {  	v5, _, _ =	vpop (xrf2)  }
0xd0: {  	s8 =	sadd.s32 $0x1, s8;
	[tilespmem:v4+s26+$0x0] =	vst.idx.msk vm0, v5  }
.LBB2_11:
0xd1: {  	s5 =	sadd.s32 $0x6, s18  }
0xd2: {  	p0 =	sge.s32 s5, s17  }
0xd3: {  	v4 =	vld @!p0 [tilespmem:s5+$0x700];
	_ =	sdelay $0x4  }
0xd4: {  	(v2sf) =	vpush @!p0 v4, $0x0;
	_ =	sdelay $0xe  }
0xd5: {  	s5 =	spop @!p0 (v2sf)  }
0xd6: {  	v4 =	vld @!p0 [tilespmem:s5+$0x480];
	_ =	sdelay $0x4  }
0xd7: {  	(v2sf) =	vpush @!p0 v4, $0x0;
	_ =	sdelay $0xd  }
.Ltmp10:
0xd8: {  	_ = 	snop;
	(pc) =	sbr.rel .LBB2_34-.Ltmp10, $4  }
0xd9: {  	s5 =	spop @!p0 (v2sf)  }
0xda: {  	s6 =	simm.s32 @!p0 $0x400;
	s5 =	sand.u32 @!p0 $0xFFFFF80, s5  }
0xdb: {  	s8 =	simm.s32 @!p0 $0x7A1400;
	s9 =	simm.s32 @!p0 $0x12A00;
	s5 =	sadd.s32 @!p0 s2, s5  }
0xdc: {  	[tilespmem:s9], [sflag:$0x3] =	stream.strided.gather @!p0 [hbm4b:s5+s6], $0x2000, s8, s6, $0x38;
	[tilespmem:$0x1CC00] =	vst v63  }
.LBB2_12:
0xdd: {  	p0 =	seq.s32 s5, $0x3  }
.Ltmp11:
0xde: {  	_ = 	snop;
	(pc) =	sbr.rel @p0 .LBB2_26-.Ltmp11, $1  }
0xdf: {  	_ =	sdelay $0x3  }
0xe0: {  	p0 =	seq.s32 s5, $0x4  }
.Ltmp12:
0xe1: {  	_ = 	snop;
	(pc) =	sbr.rel @!p0 .LBB2_30-.Ltmp12, $1  }
0xe2: {  	_ =	sdelay $0x3  }
0xe3: {  	_ =	swait.ge [sflag:s0], $0x2000  }
0xe4: {  	[sflag:s0] =	ssyncset.done $0x0  }
0xe5: {  	[sflag:s0] =	ssyncadd.s32 $0xFFFFE000  }
0xe6: {  	v4 =	vld [tilespmem:s18+$0x700];
	_ =	sdelay $0x4  }
0xe7: {  	(v2sf) =	vpush v4, $0x0;
	_ =	sdelay $0x9  }
0xe8: {  	v4 =	vld [tilespmem:s18+$0x701];
	_ =	sdelay $0x4  }
0xe9: {  	s6 =	spop (v2sf);
	(v2sf) =	vpush v4, $0x0;
	_ =	sdelay $0x2  }
0xea: {  	v5 =	vld [tilespmem:s6+$0x480];
	_ =	sdelay $0x4  }
0xeb: {  	(v2sf) =	vpush v5, $0x0;
	_ =	sdelay $0x6  }
0xec: {  	s19 =	spop (v2sf)  }
0xed: {  	p0 =	slt.s32 s19, $0x200  }
0xee: {  	s19 =	simm.s32 @!p0 $0x200  }
0xef: {  	p0 =	sge.s32 s6, s19  }
.Ltmp13:
0xf0: {  	_ = 	snop;
	(pc) =	sbr.rel @p0 .LBB2_17-.Ltmp13, $2  }
0xf1: {  	_ =	sdelay $0x2  }
0xf2: {  	s14 =	spop (v2sf)  }
0xf3: {  	s5 =	sshll.u32 s6, $0x2  }
0xf4: {  	s8 =	sshra.s32 s5, $0x2  }
0xf5: {  	v4 =	vld [tilespmem:s8+$0x0];
	_ =	sdelay $0x4  }
0xf6: {  	(v2sf) =	vpush v4, $0x0;
	_ =	sdelay $0xe  }
0xf7: {  	s9 =	spop (v2sf)  }
0xf8: {  	s9 =	ssub.s32 s9, s14  }
0xf9: {  	v4 =	vadd.s32 s9, v0  }
0xfa: {  	s10 =	sshll.u32 s6, $0x9  }
0xfb: {  	s5 =	sshra.s32 s10, $0x2;
	v5 =	vadd.s32 s9, v1  }
0xfc: {  	s5 =	sadd.s32 $0xA20, s5  }
0xfd: {  	v7 =	vld [tilespmem:s5+$0xFFFFFFE0];
	v6 =	vadd.s32 s9, v2  }
0xfe: {  	v4 =	vld.idx.msk [tilespmem:v4+s20+$0x0], $0xffff  }
0xff: {  	v9 =	vld [tilespmem:s5+$0xFFFFFFF0];
	v8 =	vadd.s32 s9, v3  }
0x100: {  	v5 =	vld.idx.msk [tilespmem:v5+s20+$0x0], $0xffff  }
0x101: {  	v10 =	vld [tilespmem:s5+$0x0]  }
0x102: {  	v6 =	vld.idx.msk [tilespmem:v6+s20+$0x0], $0xffff  }
0x103: {  	v63 =	vld [tilespmem:s5+$0x10];
	v4 =	vmul.f32 v7, v4  }
0x104: {  	v62 =	vld.idx.msk [tilespmem:v8+s20+$0x0], $0xffff  }
0x105: {  	v5 =	vmul.f32 v9, v5;
	v4 =	vadd.f32 $0.0e+00, v4;
	_ =	sdelay $0x1  }
0x106: {  	v4 =	vadd.f32 v5, v4;
	v5 =	vmul.f32 v10, v6;
	_ =	sdelay $0x1  }
0x107: {  	v4 =	vadd.f32 v5, v4;
	v5 =	vmul.f32 v63, v62;
	_ =	sdelay $0x1  }
0x108: {  	v4 =	vadd.f32 v5, v4;
	_ =	sdelay $0x1  }
0x109: {  	(xrf2) =	vadd.scan.msk.f32 $0xffff, v4;
	_ =	sdelay $0x4  }
0x10a: {  	v4 =	vmov s6;
	s6 =	sadd.s32 $0x1, s6  }
0x10b: {  	p0 =	sne.s32 s19, s6  }
.Ltmp14:
0x10c: {  	_ = 	snop;
	(pc) =	sbr.rel @!p0 .LBB2_17-.Ltmp14, $3  }
0x10d: {  	_ =	sdelay $0x1  }
0x10e: {  	v5, _, _ =	vpop (xrf2)  }
0x10f: {  	s8 =	sadd.s32 $0x1, s8;
	[tilespmem:v4+s26+$0x0] =	vst.idx.msk vm0, v5  }
.LBB2_16:
0x110: {  	v4 =	vld [tilespmem:s8+$0x0];
	s9 =	smov.u32 s6;
	s6 =	sadd.s32 $0x1, s6  }
0x111: {  	p0 =	sne.s32 s19, s6;
	_ =	sdelay $0x3  }
0x112: {  	(v2sf) =	vpush v4, $0x0;
	_ =	sdelay $0xe  }
0x113: {  	s10 =	spop (v2sf)  }
0x114: {  	s10 =	ssub.s32 s10, s14  }
0x115: {  	v4 =	vadd.s32 s10, v0;
	_ =	sdelay $0x1  }
0x116: {  	v5 =	vadd.s32 s10, v1;
	_ =	sdelay $0x1  }
0x117: {  	v6 =	vadd.s32 s10, v2  }
0x118: {  	s5 =	sadd.s32 $0x80, s5;
	v4 =	vld.idx.msk [tilespmem:v4+s20+$0x0], $0xffff  }
0x119: {  	v8 =	vadd.s32 s10, v3;
	v7 =	vld [tilespmem:s5+$0xFFFFFFE0]  }
0x11a: {  	v5 =	vld.idx.msk [tilespmem:v5+s20+$0x0], $0xffff  }
0x11b: {  	v9 =	vld [tilespmem:s5+$0xFFFFFFF0]  }
0x11c: {  	v6 =	vld.idx.msk [tilespmem:v6+s20+$0x0], $0xffff  }
0x11d: {  	v10 =	vld [tilespmem:s5+$0x0]  }
0x11e: {  	v4 =	vmul.f32 v7, v4;
	v7 =	vld.idx.msk [tilespmem:v8+s20+$0x0], $0xffff  }
0x11f: {  	v8 =	vld [tilespmem:s5+$0x10]  }
0x120: {  	v4 =	vadd.f32 $0.0e+00, v4;
	v5 =	vmul.f32 v9, v5;
	_ =	sdelay $0x1  }
0x121: {  	v4 =	vadd.f32 v5, v4;
	v5 =	vmul.f32 v10, v6;
	_ =	sdelay $0x1  }
0x122: {  	v4 =	vadd.f32 v5, v4;
	v5 =	vmul.f32 v8, v7;
	_ =	sdelay $0x1  }
0x123: {  	v4 =	vadd.f32 v5, v4;
	_ =	sdelay $0x1  }
0x124: {  	(xrf2) =	vadd.scan.msk.f32 $0xffff, v4;
	_ =	sdelay $0x5  }
0x125: {  	v4 =	vmov s9  }
.Ltmp15:
0x126: {  	(pc) =	sbr.rel @p0 .LBB2_16-.Ltmp15, $3  }
0x127: {  	_ =	sdelay $0x1  }
0x128: {  	v5, _, _ =	vpop (xrf2)  }
0x129: {  	s8 =	sadd.s32 $0x1, s8;
	[tilespmem:v4+s26+$0x0] =	vst.idx.msk vm0, v5  }
.LBB2_17:
0x12a: {  	s5 =	sadd.s32 $0x6, s18  }
0x12b: {  	p0 =	sge.s32 s5, s17  }
0x12c: {  	v4 =	vld @!p0 [tilespmem:s5+$0x700];
	_ =	sdelay $0x4  }
0x12d: {  	(v2sf) =	vpush @!p0 v4, $0x0;
	_ =	sdelay $0xe  }
0x12e: {  	s5 =	spop @!p0 (v2sf)  }
0x12f: {  	v4 =	vld @!p0 [tilespmem:s5+$0x480];
	_ =	sdelay $0x4  }
0x130: {  	(v2sf) =	vpush @!p0 v4, $0x0;
	_ =	sdelay $0xd  }
.Ltmp16:
0x131: {  	_ = 	snop;
	(pc) =	sbr.rel .LBB2_34-.Ltmp16, $4  }
0x132: {  	s5 =	spop @!p0 (v2sf)  }
0x133: {  	s6 =	simm.s32 @!p0 $0x400;
	s5 =	sand.u32 @!p0 $0xFFFFF80, s5  }
0x134: {  	s8 =	simm.s32 @!p0 $0x7A1400;
	s9 =	simm.s32 @!p0 $0x18A00;
	s5 =	sadd.s32 @!p0 s2, s5  }
0x135: {  	[tilespmem:s9], [sflag:$0x6] =	stream.strided.gather @!p0 [hbm4b:s5+s6], $0x2000, s8, s6, $0x38;
	[tilespmem:$0x1CC00] =	vst v63  }
.LBB2_18:
0x136: {  	_ =	swait.ge [sflag:s25], $0x2000  }
0x137: {  	[sflag:s25] =	ssyncset.done $0x0  }
0x138: {  	[sflag:s25] =	ssyncadd.s32 $0xFFFFE000  }
0x139: {  	v4 =	vld [tilespmem:s18+$0x700];
	_ =	sdelay $0x4  }
0x13a: {  	(v2sf) =	vpush v4, $0x0;
	_ =	sdelay $0x9  }
0x13b: {  	v4 =	vld [tilespmem:s18+$0x701];
	_ =	sdelay $0x4  }
0x13c: {  	s6 =	spop (v2sf);
	(v2sf) =	vpush v4, $0x0;
	_ =	sdelay $0x2  }
0x13d: {  	v5 =	vld [tilespmem:s6+$0x480];
	_ =	sdelay $0x4  }
0x13e: {  	(v2sf) =	vpush v5, $0x0;
	_ =	sdelay $0x6  }
0x13f: {  	s19 =	spop (v2sf)  }
0x140: {  	p0 =	slt.s32 s19, $0x200  }
0x141: {  	s19 =	simm.s32 @!p0 $0x200  }
0x142: {  	p0 =	sge.s32 s6, s19  }
.Ltmp17:
0x143: {  	_ = 	snop;
	(pc) =	sbr.rel @p0 .LBB2_21-.Ltmp17, $2  }
0x144: {  	_ =	sdelay $0x2  }
0x145: {  	s14 =	spop (v2sf)  }
0x146: {  	s5 =	sshll.u32 s6, $0x2  }
0x147: {  	s8 =	sshra.s32 s5, $0x2  }
0x148: {  	v4 =	vld [tilespmem:s8+$0x0];
	_ =	sdelay $0x4  }
0x149: {  	(v2sf) =	vpush v4, $0x0;
	_ =	sdelay $0xe  }
0x14a: {  	s9 =	spop (v2sf)  }
0x14b: {  	s9 =	ssub.s32 s9, s14  }
0x14c: {  	v4 =	vadd.s32 s9, v0  }
0x14d: {  	s10 =	sshll.u32 s6, $0x9  }
0x14e: {  	s5 =	sshra.s32 s10, $0x2;
	v5 =	vadd.s32 s9, v1  }
0x14f: {  	s5 =	sadd.s32 $0xA20, s5  }
0x150: {  	v7 =	vld [tilespmem:s5+$0xFFFFFFE0];
	v6 =	vadd.s32 s9, v2  }
0x151: {  	v4 =	vld.idx.msk [tilespmem:v4+s22+$0x0], $0xffff  }
0x152: {  	v9 =	vld [tilespmem:s5+$0xFFFFFFF0];
	v8 =	vadd.s32 s9, v3  }
0x153: {  	v5 =	vld.idx.msk [tilespmem:v5+s22+$0x0], $0xffff  }
0x154: {  	v10 =	vld [tilespmem:s5+$0x0]  }
0x155: {  	v6 =	vld.idx.msk [tilespmem:v6+s22+$0x0], $0xffff  }
0x156: {  	v63 =	vld [tilespmem:s5+$0x10];
	v4 =	vmul.f32 v7, v4  }
0x157: {  	v62 =	vld.idx.msk [tilespmem:v8+s22+$0x0], $0xffff  }
0x158: {  	v5 =	vmul.f32 v9, v5;
	v4 =	vadd.f32 $0.0e+00, v4;
	_ =	sdelay $0x1  }
0x159: {  	v4 =	vadd.f32 v5, v4;
	v5 =	vmul.f32 v10, v6;
	_ =	sdelay $0x1  }
0x15a: {  	v4 =	vadd.f32 v5, v4;
	v5 =	vmul.f32 v63, v62;
	_ =	sdelay $0x1  }
0x15b: {  	v4 =	vadd.f32 v5, v4;
	_ =	sdelay $0x1  }
0x15c: {  	(xrf2) =	vadd.scan.msk.f32 $0xffff, v4;
	_ =	sdelay $0x4  }
0x15d: {  	v4 =	vmov s6;
	s6 =	sadd.s32 $0x1, s6  }
0x15e: {  	p0 =	sne.s32 s19, s6  }
.Ltmp18:
0x15f: {  	_ = 	snop;
	(pc) =	sbr.rel @!p0 .LBB2_21-.Ltmp18, $3  }
0x160: {  	_ =	sdelay $0x1  }
0x161: {  	v5, _, _ =	vpop (xrf2)  }
0x162: {  	s8 =	sadd.s32 $0x1, s8;
	[tilespmem:v4+s26+$0x0] =	vst.idx.msk vm0, v5  }
.LBB2_20:
0x163: {  	v4 =	vld [tilespmem:s8+$0x0];
	s9 =	smov.u32 s6;
	s6 =	sadd.s32 $0x1, s6  }
0x164: {  	p0 =	sne.s32 s19, s6;
	_ =	sdelay $0x3  }
0x165: {  	(v2sf) =	vpush v4, $0x0;
	_ =	sdelay $0xe  }
0x166: {  	s10 =	spop (v2sf)  }
0x167: {  	s10 =	ssub.s32 s10, s14  }
0x168: {  	v4 =	vadd.s32 s10, v0;
	_ =	sdelay $0x1  }
0x169: {  	v5 =	vadd.s32 s10, v1;
	_ =	sdelay $0x1  }
0x16a: {  	v6 =	vadd.s32 s10, v2  }
0x16b: {  	s5 =	sadd.s32 $0x80, s5;
	v4 =	vld.idx.msk [tilespmem:v4+s22+$0x0], $0xffff  }
0x16c: {  	v8 =	vadd.s32 s10, v3;
	v7 =	vld [tilespmem:s5+$0xFFFFFFE0]  }
0x16d: {  	v5 =	vld.idx.msk [tilespmem:v5+s22+$0x0], $0xffff  }
0x16e: {  	v9 =	vld [tilespmem:s5+$0xFFFFFFF0]  }
0x16f: {  	v6 =	vld.idx.msk [tilespmem:v6+s22+$0x0], $0xffff  }
0x170: {  	v10 =	vld [tilespmem:s5+$0x0]  }
0x171: {  	v4 =	vmul.f32 v7, v4;
	v7 =	vld.idx.msk [tilespmem:v8+s22+$0x0], $0xffff  }
0x172: {  	v8 =	vld [tilespmem:s5+$0x10]  }
0x173: {  	v4 =	vadd.f32 $0.0e+00, v4;
	v5 =	vmul.f32 v9, v5;
	_ =	sdelay $0x1  }
0x174: {  	v4 =	vadd.f32 v5, v4;
	v5 =	vmul.f32 v10, v6;
	_ =	sdelay $0x1  }
0x175: {  	v4 =	vadd.f32 v5, v4;
	v5 =	vmul.f32 v8, v7;
	_ =	sdelay $0x1  }
0x176: {  	v4 =	vadd.f32 v5, v4;
	_ =	sdelay $0x1  }
0x177: {  	(xrf2) =	vadd.scan.msk.f32 $0xffff, v4;
	_ =	sdelay $0x5  }
0x178: {  	v4 =	vmov s9  }
.Ltmp19:
0x179: {  	(pc) =	sbr.rel @p0 .LBB2_20-.Ltmp19, $3  }
0x17a: {  	_ =	sdelay $0x1  }
0x17b: {  	v5, _, _ =	vpop (xrf2)  }
0x17c: {  	s8 =	sadd.s32 $0x1, s8;
	[tilespmem:v4+s26+$0x0] =	vst.idx.msk vm0, v5  }
.Ltmp20:
0x17d: {  	_ = 	snop;
	(pc) =	sbr.rel .LBB2_21-.Ltmp20, $1  }
0x17e: {  	_ =	sdelay $0x3  }
.LBB2_26:
0x17f: {  	_ =	swait.ge [sflag:s31], $0x2000  }
0x180: {  	[sflag:s31] =	ssyncset.done $0x0  }
0x181: {  	[sflag:s31] =	ssyncadd.s32 $0xFFFFE000  }
0x182: {  	v4 =	vld [tilespmem:s18+$0x700];
	_ =	sdelay $0x4  }
0x183: {  	(v2sf) =	vpush v4, $0x0;
	_ =	sdelay $0x9  }
0x184: {  	v4 =	vld [tilespmem:s18+$0x701];
	_ =	sdelay $0x4  }
0x185: {  	s6 =	spop (v2sf);
	(v2sf) =	vpush v4, $0x0;
	_ =	sdelay $0x2  }
0x186: {  	v5 =	vld [tilespmem:s6+$0x480];
	_ =	sdelay $0x4  }
0x187: {  	(v2sf) =	vpush v5, $0x0;
	_ =	sdelay $0x6  }
0x188: {  	s19 =	spop (v2sf)  }
0x189: {  	p0 =	slt.s32 s19, $0x200  }
0x18a: {  	s19 =	simm.s32 @!p0 $0x200  }
0x18b: {  	p0 =	sge.s32 s6, s19  }
.Ltmp21:
0x18c: {  	_ = 	snop;
	(pc) =	sbr.rel @p0 .LBB2_29-.Ltmp21, $2  }
0x18d: {  	_ =	sdelay $0x2  }
0x18e: {  	s14 =	spop (v2sf)  }
0x18f: {  	s5 =	sshll.u32 s6, $0x2  }
0x190: {  	s8 =	sshra.s32 s5, $0x2  }
0x191: {  	v4 =	vld [tilespmem:s8+$0x0];
	_ =	sdelay $0x4  }
0x192: {  	(v2sf) =	vpush v4, $0x0;
	_ =	sdelay $0xe  }
0x193: {  	s9 =	spop (v2sf)  }
0x194: {  	s9 =	ssub.s32 s9, s14  }
0x195: {  	v4 =	vadd.s32 s9, v0  }
0x196: {  	s10 =	sshll.u32 s6, $0x9  }
0x197: {  	s5 =	sshra.s32 s10, $0x2;
	v5 =	vadd.s32 s9, v1  }
0x198: {  	s5 =	sadd.s32 $0xA20, s5  }
0x199: {  	v7 =	vld [tilespmem:s5+$0xFFFFFFE0];
	v6 =	vadd.s32 s9, v2  }
0x19a: {  	v4 =	vld.idx.msk [tilespmem:v4+s1+$0x0], $0xffff  }
0x19b: {  	v9 =	vld [tilespmem:s5+$0xFFFFFFF0];
	v8 =	vadd.s32 s9, v3  }
0x19c: {  	v5 =	vld.idx.msk [tilespmem:v5+s1+$0x0], $0xffff  }
0x19d: {  	v10 =	vld [tilespmem:s5+$0x0]  }
0x19e: {  	v6 =	vld.idx.msk [tilespmem:v6+s1+$0x0], $0xffff  }
0x19f: {  	v63 =	vld [tilespmem:s5+$0x10];
	v4 =	vmul.f32 v7, v4  }
0x1a0: {  	v62 =	vld.idx.msk [tilespmem:v8+s1+$0x0], $0xffff  }
0x1a1: {  	v5 =	vmul.f32 v9, v5;
	v4 =	vadd.f32 $0.0e+00, v4;
	_ =	sdelay $0x1  }
0x1a2: {  	v4 =	vadd.f32 v5, v4;
	v5 =	vmul.f32 v10, v6;
	_ =	sdelay $0x1  }
0x1a3: {  	v4 =	vadd.f32 v5, v4;
	v5 =	vmul.f32 v63, v62;
	_ =	sdelay $0x1  }
0x1a4: {  	v4 =	vadd.f32 v5, v4;
	_ =	sdelay $0x1  }
0x1a5: {  	(xrf2) =	vadd.scan.msk.f32 $0xffff, v4;
	_ =	sdelay $0x4  }
0x1a6: {  	v4 =	vmov s6;
	s6 =	sadd.s32 $0x1, s6  }
0x1a7: {  	p0 =	sne.s32 s19, s6  }
.Ltmp22:
0x1a8: {  	_ = 	snop;
	(pc) =	sbr.rel @!p0 .LBB2_29-.Ltmp22, $3  }
0x1a9: {  	_ =	sdelay $0x1  }
0x1aa: {  	v5, _, _ =	vpop (xrf2)  }
0x1ab: {  	s8 =	sadd.s32 $0x1, s8;
	[tilespmem:v4+s26+$0x0] =	vst.idx.msk vm0, v5  }
.LBB2_28:
0x1ac: {  	v4 =	vld [tilespmem:s8+$0x0];
	s9 =	smov.u32 s6;
	s6 =	sadd.s32 $0x1, s6  }
0x1ad: {  	p0 =	sne.s32 s19, s6;
	_ =	sdelay $0x3  }
0x1ae: {  	(v2sf) =	vpush v4, $0x0;
	_ =	sdelay $0xe  }
0x1af: {  	s10 =	spop (v2sf)  }
0x1b0: {  	s10 =	ssub.s32 s10, s14  }
0x1b1: {  	v4 =	vadd.s32 s10, v0;
	_ =	sdelay $0x1  }
0x1b2: {  	v5 =	vadd.s32 s10, v1;
	_ =	sdelay $0x1  }
0x1b3: {  	v6 =	vadd.s32 s10, v2  }
0x1b4: {  	s5 =	sadd.s32 $0x80, s5;
	v4 =	vld.idx.msk [tilespmem:v4+s1+$0x0], $0xffff  }
0x1b5: {  	v8 =	vadd.s32 s10, v3;
	v7 =	vld [tilespmem:s5+$0xFFFFFFE0]  }
0x1b6: {  	v5 =	vld.idx.msk [tilespmem:v5+s1+$0x0], $0xffff  }
0x1b7: {  	v9 =	vld [tilespmem:s5+$0xFFFFFFF0]  }
0x1b8: {  	v6 =	vld.idx.msk [tilespmem:v6+s1+$0x0], $0xffff  }
0x1b9: {  	v10 =	vld [tilespmem:s5+$0x0]  }
0x1ba: {  	v4 =	vmul.f32 v7, v4;
	v7 =	vld.idx.msk [tilespmem:v8+s1+$0x0], $0xffff  }
0x1bb: {  	v8 =	vld [tilespmem:s5+$0x10]  }
0x1bc: {  	v4 =	vadd.f32 $0.0e+00, v4;
	v5 =	vmul.f32 v9, v5;
	_ =	sdelay $0x1  }
0x1bd: {  	v4 =	vadd.f32 v5, v4;
	v5 =	vmul.f32 v10, v6;
	_ =	sdelay $0x1  }
0x1be: {  	v4 =	vadd.f32 v5, v4;
	v5 =	vmul.f32 v8, v7;
	_ =	sdelay $0x1  }
0x1bf: {  	v4 =	vadd.f32 v5, v4;
	_ =	sdelay $0x1  }
0x1c0: {  	(xrf2) =	vadd.scan.msk.f32 $0xffff, v4;
	_ =	sdelay $0x5  }
0x1c1: {  	v4 =	vmov s9  }
.Ltmp23:
0x1c2: {  	(pc) =	sbr.rel @p0 .LBB2_28-.Ltmp23, $3  }
0x1c3: {  	_ =	sdelay $0x1  }
0x1c4: {  	v5, _, _ =	vpop (xrf2)  }
0x1c5: {  	s8 =	sadd.s32 $0x1, s8;
	[tilespmem:v4+s26+$0x0] =	vst.idx.msk vm0, v5  }
.LBB2_29:
0x1c6: {  	s5 =	sadd.s32 $0x6, s18  }
0x1c7: {  	p0 =	sge.s32 s5, s17  }
0x1c8: {  	v4 =	vld @!p0 [tilespmem:s5+$0x700];
	_ =	sdelay $0x4  }
0x1c9: {  	(v2sf) =	vpush @!p0 v4, $0x0;
	_ =	sdelay $0xe  }
0x1ca: {  	s5 =	spop @!p0 (v2sf)  }
0x1cb: {  	v4 =	vld @!p0 [tilespmem:s5+$0x480];
	_ =	sdelay $0x4  }
0x1cc: {  	(v2sf) =	vpush @!p0 v4, $0x0;
	_ =	sdelay $0xd  }
.Ltmp24:
0x1cd: {  	_ = 	snop;
	(pc) =	sbr.rel .LBB2_34-.Ltmp24, $4  }
0x1ce: {  	s5 =	spop @!p0 (v2sf)  }
0x1cf: {  	s6 =	simm.s32 @!p0 $0x400;
	s5 =	sand.u32 @!p0 $0xFFFFF80, s5  }
0x1d0: {  	s8 =	simm.s32 @!p0 $0x7A1400;
	s9 =	simm.s32 @!p0 $0x16A00;
	s5 =	sadd.s32 @!p0 s2, s5  }
0x1d1: {  	[tilespmem:s9], [sflag:$0x5] =	stream.strided.gather @!p0 [hbm4b:s5+s6], $0x2000, s8, s6, $0x38;
	[tilespmem:$0x1CC00] =	vst v63  }
.LBB2_22:
0x1d2: {  	_ =	swait.ge [sflag:s30], $0x2000  }
0x1d3: {  	[sflag:s30] =	ssyncset.done $0x0  }
0x1d4: {  	[sflag:s30] =	ssyncadd.s32 $0xFFFFE000  }
0x1d5: {  	v4 =	vld [tilespmem:s18+$0x700];
	_ =	sdelay $0x4  }
0x1d6: {  	(v2sf) =	vpush v4, $0x0;
	_ =	sdelay $0x9  }
0x1d7: {  	v4 =	vld [tilespmem:s18+$0x701];
	_ =	sdelay $0x4  }
0x1d8: {  	s6 =	spop (v2sf);
	(v2sf) =	vpush v4, $0x0;
	_ =	sdelay $0x2  }
0x1d9: {  	v5 =	vld [tilespmem:s6+$0x480];
	_ =	sdelay $0x4  }
0x1da: {  	(v2sf) =	vpush v5, $0x0;
	_ =	sdelay $0x6  }
0x1db: {  	s19 =	spop (v2sf)  }
0x1dc: {  	p0 =	slt.s32 s19, $0x200  }
0x1dd: {  	s19 =	simm.s32 @!p0 $0x200  }
0x1de: {  	p0 =	sge.s32 s6, s19  }
.Ltmp25:
0x1df: {  	_ = 	snop;
	(pc) =	sbr.rel @p0 .LBB2_25-.Ltmp25, $2  }
0x1e0: {  	_ =	sdelay $0x2  }
0x1e1: {  	s14 =	spop (v2sf)  }
0x1e2: {  	s5 =	sshll.u32 s6, $0x2  }
0x1e3: {  	s8 =	sshra.s32 s5, $0x2  }
0x1e4: {  	v4 =	vld [tilespmem:s8+$0x0];
	_ =	sdelay $0x4  }
0x1e5: {  	(v2sf) =	vpush v4, $0x0;
	_ =	sdelay $0xe  }
0x1e6: {  	s9 =	spop (v2sf)  }
0x1e7: {  	s9 =	ssub.s32 s9, s14  }
0x1e8: {  	v4 =	vadd.s32 s9, v0  }
0x1e9: {  	s10 =	sshll.u32 s6, $0x9  }
0x1ea: {  	s5 =	sshra.s32 s10, $0x2;
	v5 =	vadd.s32 s9, v1  }
0x1eb: {  	s5 =	sadd.s32 $0xA20, s5  }
0x1ec: {  	v7 =	vld [tilespmem:s5+$0xFFFFFFE0];
	v6 =	vadd.s32 s9, v2  }
0x1ed: {  	v4 =	vld.idx.msk [tilespmem:v4+s23+$0x0], $0xffff  }
0x1ee: {  	v9 =	vld [tilespmem:s5+$0xFFFFFFF0];
	v8 =	vadd.s32 s9, v3  }
0x1ef: {  	v5 =	vld.idx.msk [tilespmem:v5+s23+$0x0], $0xffff  }
0x1f0: {  	v10 =	vld [tilespmem:s5+$0x0]  }
0x1f1: {  	v6 =	vld.idx.msk [tilespmem:v6+s23+$0x0], $0xffff  }
0x1f2: {  	v63 =	vld [tilespmem:s5+$0x10];
	v4 =	vmul.f32 v7, v4  }
0x1f3: {  	v62 =	vld.idx.msk [tilespmem:v8+s23+$0x0], $0xffff  }
0x1f4: {  	v5 =	vmul.f32 v9, v5;
	v4 =	vadd.f32 $0.0e+00, v4;
	_ =	sdelay $0x1  }
0x1f5: {  	v4 =	vadd.f32 v5, v4;
	v5 =	vmul.f32 v10, v6;
	_ =	sdelay $0x1  }
0x1f6: {  	v4 =	vadd.f32 v5, v4;
	v5 =	vmul.f32 v63, v62;
	_ =	sdelay $0x1  }
0x1f7: {  	v4 =	vadd.f32 v5, v4;
	_ =	sdelay $0x1  }
0x1f8: {  	(xrf2) =	vadd.scan.msk.f32 $0xffff, v4;
	_ =	sdelay $0x4  }
0x1f9: {  	v4 =	vmov s6;
	s6 =	sadd.s32 $0x1, s6  }
0x1fa: {  	p0 =	sne.s32 s19, s6  }
.Ltmp26:
0x1fb: {  	_ = 	snop;
	(pc) =	sbr.rel @!p0 .LBB2_25-.Ltmp26, $3  }
0x1fc: {  	_ =	sdelay $0x1  }
0x1fd: {  	v5, _, _ =	vpop (xrf2)  }
0x1fe: {  	s8 =	sadd.s32 $0x1, s8;
	[tilespmem:v4+s26+$0x0] =	vst.idx.msk vm0, v5  }
.LBB2_24:
0x1ff: {  	v4 =	vld [tilespmem:s8+$0x0];
	s9 =	smov.u32 s6;
	s6 =	sadd.s32 $0x1, s6  }
0x200: {  	p0 =	sne.s32 s19, s6;
	_ =	sdelay $0x3  }
0x201: {  	(v2sf) =	vpush v4, $0x0;
	_ =	sdelay $0xe  }
0x202: {  	s10 =	spop (v2sf)  }
0x203: {  	s10 =	ssub.s32 s10, s14  }
0x204: {  	v4 =	vadd.s32 s10, v0;
	_ =	sdelay $0x1  }
0x205: {  	v5 =	vadd.s32 s10, v1;
	_ =	sdelay $0x1  }
0x206: {  	v6 =	vadd.s32 s10, v2  }
0x207: {  	s5 =	sadd.s32 $0x80, s5;
	v4 =	vld.idx.msk [tilespmem:v4+s23+$0x0], $0xffff  }
0x208: {  	v8 =	vadd.s32 s10, v3;
	v7 =	vld [tilespmem:s5+$0xFFFFFFE0]  }
0x209: {  	v5 =	vld.idx.msk [tilespmem:v5+s23+$0x0], $0xffff  }
0x20a: {  	v9 =	vld [tilespmem:s5+$0xFFFFFFF0]  }
0x20b: {  	v6 =	vld.idx.msk [tilespmem:v6+s23+$0x0], $0xffff  }
0x20c: {  	v10 =	vld [tilespmem:s5+$0x0]  }
0x20d: {  	v4 =	vmul.f32 v7, v4;
	v7 =	vld.idx.msk [tilespmem:v8+s23+$0x0], $0xffff  }
0x20e: {  	v8 =	vld [tilespmem:s5+$0x10]  }
0x20f: {  	v4 =	vadd.f32 $0.0e+00, v4;
	v5 =	vmul.f32 v9, v5;
	_ =	sdelay $0x1  }
0x210: {  	v4 =	vadd.f32 v5, v4;
	v5 =	vmul.f32 v10, v6;
	_ =	sdelay $0x1  }
0x211: {  	v4 =	vadd.f32 v5, v4;
	v5 =	vmul.f32 v8, v7;
	_ =	sdelay $0x1  }
0x212: {  	v4 =	vadd.f32 v5, v4;
	_ =	sdelay $0x1  }
0x213: {  	(xrf2) =	vadd.scan.msk.f32 $0xffff, v4;
	_ =	sdelay $0x5  }
0x214: {  	v4 =	vmov s9  }
.Ltmp27:
0x215: {  	(pc) =	sbr.rel @p0 .LBB2_24-.Ltmp27, $3  }
0x216: {  	_ =	sdelay $0x1  }
0x217: {  	v5, _, _ =	vpop (xrf2)  }
0x218: {  	s8 =	sadd.s32 $0x1, s8;
	[tilespmem:v4+s26+$0x0] =	vst.idx.msk vm0, v5  }
.LBB2_25:
0x219: {  	s5 =	sadd.s32 $0x6, s18  }
0x21a: {  	p0 =	sge.s32 s5, s17  }
0x21b: {  	v4 =	vld @!p0 [tilespmem:s5+$0x700];
	_ =	sdelay $0x4  }
0x21c: {  	(v2sf) =	vpush @!p0 v4, $0x0;
	_ =	sdelay $0xe  }
0x21d: {  	s5 =	spop @!p0 (v2sf)  }
0x21e: {  	v4 =	vld @!p0 [tilespmem:s5+$0x480];
	_ =	sdelay $0x4  }
0x21f: {  	(v2sf) =	vpush @!p0 v4, $0x0;
	_ =	sdelay $0xd  }
.Ltmp28:
0x220: {  	_ = 	snop;
	(pc) =	sbr.rel .LBB2_34-.Ltmp28, $4  }
0x221: {  	s5 =	spop @!p0 (v2sf)  }
0x222: {  	s6 =	simm.s32 @!p0 $0x400;
	s5 =	sand.u32 @!p0 $0xFFFFF80, s5  }
0x223: {  	s8 =	simm.s32 @!p0 $0x7A1400;
	s9 =	simm.s32 @!p0 $0x14A00;
	s5 =	sadd.s32 @!p0 s2, s5  }
0x224: {  	[tilespmem:s9], [sflag:$0x4] =	stream.strided.gather @!p0 [hbm4b:s5+s6], $0x2000, s8, s6, $0x38;
	[tilespmem:$0x1CC00] =	vst v63  }
.LBB2_30:
0x225: {  	_ =	swait.ge [sflag:s21], $0x2000  }
0x226: {  	[sflag:s21] =	ssyncset.done $0x0  }
0x227: {  	[sflag:s21] =	ssyncadd.s32 $0xFFFFE000  }
0x228: {  	v4 =	vld [tilespmem:s18+$0x700];
	_ =	sdelay $0x4  }
0x229: {  	(v2sf) =	vpush v4, $0x0;
	_ =	sdelay $0x9  }
0x22a: {  	v4 =	vld [tilespmem:s18+$0x701];
	_ =	sdelay $0x4  }
0x22b: {  	s6 =	spop (v2sf);
	(v2sf) =	vpush v4, $0x0;
	_ =	sdelay $0x2  }
0x22c: {  	v5 =	vld [tilespmem:s6+$0x480];
	_ =	sdelay $0x4  }
0x22d: {  	(v2sf) =	vpush v5, $0x0;
	_ =	sdelay $0x6  }
0x22e: {  	s19 =	spop (v2sf)  }
0x22f: {  	p0 =	slt.s32 s19, $0x200  }
0x230: {  	s19 =	simm.s32 @!p0 $0x200  }
0x231: {  	p0 =	sge.s32 s6, s19  }
.Ltmp29:
0x232: {  	_ = 	snop;
	(pc) =	sbr.rel @p0 .LBB2_33-.Ltmp29, $2  }
0x233: {  	_ =	sdelay $0x2  }
0x234: {  	s14 =	spop (v2sf)  }
0x235: {  	s5 =	sshll.u32 s6, $0x2  }
0x236: {  	s8 =	sshra.s32 s5, $0x2  }
0x237: {  	v4 =	vld [tilespmem:s8+$0x0];
	_ =	sdelay $0x4  }
0x238: {  	(v2sf) =	vpush v4, $0x0;
	_ =	sdelay $0xe  }
0x239: {  	s9 =	spop (v2sf)  }
0x23a: {  	s9 =	ssub.s32 s9, s14  }
0x23b: {  	v4 =	vadd.s32 s9, v0  }
0x23c: {  	s10 =	sshll.u32 s6, $0x9  }
0x23d: {  	s5 =	sshra.s32 s10, $0x2;
	v5 =	vadd.s32 s9, v1  }
0x23e: {  	s5 =	sadd.s32 $0xA20, s5  }
0x23f: {  	v7 =	vld [tilespmem:s5+$0xFFFFFFE0];
	v6 =	vadd.s32 s9, v2  }
0x240: {  	v4 =	vld.idx.msk [tilespmem:v4+s15+$0x0], $0xffff  }
0x241: {  	v9 =	vld [tilespmem:s5+$0xFFFFFFF0];
	v8 =	vadd.s32 s9, v3  }
0x242: {  	v5 =	vld.idx.msk [tilespmem:v5+s15+$0x0], $0xffff  }
0x243: {  	v10 =	vld [tilespmem:s5+$0x0]  }
0x244: {  	v6 =	vld.idx.msk [tilespmem:v6+s15+$0x0], $0xffff  }
0x245: {  	v63 =	vld [tilespmem:s5+$0x10];
	v4 =	vmul.f32 v7, v4  }
0x246: {  	v62 =	vld.idx.msk [tilespmem:v8+s15+$0x0], $0xffff  }
0x247: {  	v5 =	vmul.f32 v9, v5;
	v4 =	vadd.f32 $0.0e+00, v4;
	_ =	sdelay $0x1  }
0x248: {  	v4 =	vadd.f32 v5, v4;
	v5 =	vmul.f32 v10, v6;
	_ =	sdelay $0x1  }
0x249: {  	v4 =	vadd.f32 v5, v4;
	v5 =	vmul.f32 v63, v62;
	_ =	sdelay $0x1  }
0x24a: {  	v4 =	vadd.f32 v5, v4;
	_ =	sdelay $0x1  }
0x24b: {  	(xrf2) =	vadd.scan.msk.f32 $0xffff, v4;
	_ =	sdelay $0x4  }
0x24c: {  	v4 =	vmov s6;
	s6 =	sadd.s32 $0x1, s6  }
0x24d: {  	p0 =	sne.s32 s19, s6  }
.Ltmp30:
0x24e: {  	_ = 	snop;
	(pc) =	sbr.rel @!p0 .LBB2_33-.Ltmp30, $3  }
0x24f: {  	_ =	sdelay $0x1  }
0x250: {  	v5, _, _ =	vpop (xrf2)  }
0x251: {  	s8 =	sadd.s32 $0x1, s8;
	[tilespmem:v4+s26+$0x0] =	vst.idx.msk vm0, v5  }
.LBB2_32:
0x252: {  	v4 =	vld [tilespmem:s8+$0x0];
	s9 =	smov.u32 s6;
	s6 =	sadd.s32 $0x1, s6  }
0x253: {  	p0 =	sne.s32 s19, s6;
	_ =	sdelay $0x3  }
0x254: {  	(v2sf) =	vpush v4, $0x0;
	_ =	sdelay $0xe  }
0x255: {  	s10 =	spop (v2sf)  }
0x256: {  	s10 =	ssub.s32 s10, s14  }
0x257: {  	v4 =	vadd.s32 s10, v0;
	_ =	sdelay $0x1  }
0x258: {  	v5 =	vadd.s32 s10, v1;
	_ =	sdelay $0x1  }
0x259: {  	v6 =	vadd.s32 s10, v2  }
0x25a: {  	s5 =	sadd.s32 $0x80, s5;
	v4 =	vld.idx.msk [tilespmem:v4+s15+$0x0], $0xffff  }
0x25b: {  	v8 =	vadd.s32 s10, v3;
	v7 =	vld [tilespmem:s5+$0xFFFFFFE0]  }
0x25c: {  	v5 =	vld.idx.msk [tilespmem:v5+s15+$0x0], $0xffff  }
0x25d: {  	v9 =	vld [tilespmem:s5+$0xFFFFFFF0]  }
0x25e: {  	v6 =	vld.idx.msk [tilespmem:v6+s15+$0x0], $0xffff  }
0x25f: {  	v10 =	vld [tilespmem:s5+$0x0]  }
0x260: {  	v4 =	vmul.f32 v7, v4;
	v7 =	vld.idx.msk [tilespmem:v8+s15+$0x0], $0xffff  }
0x261: {  	v8 =	vld [tilespmem:s5+$0x10]  }
0x262: {  	v4 =	vadd.f32 $0.0e+00, v4;
	v5 =	vmul.f32 v9, v5;
	_ =	sdelay $0x1  }
0x263: {  	v4 =	vadd.f32 v5, v4;
	v5 =	vmul.f32 v10, v6;
	_ =	sdelay $0x1  }
0x264: {  	v4 =	vadd.f32 v5, v4;
	v5 =	vmul.f32 v8, v7;
	_ =	sdelay $0x1  }
0x265: {  	v4 =	vadd.f32 v5, v4;
	_ =	sdelay $0x1  }
0x266: {  	(xrf2) =	vadd.scan.msk.f32 $0xffff, v4;
	_ =	sdelay $0x5  }
0x267: {  	v4 =	vmov s9  }
.Ltmp31:
0x268: {  	(pc) =	sbr.rel @p0 .LBB2_32-.Ltmp31, $3  }
0x269: {  	_ =	sdelay $0x1  }
0x26a: {  	v5, _, _ =	vpop (xrf2)  }
0x26b: {  	s8 =	sadd.s32 $0x1, s8;
	[tilespmem:v4+s26+$0x0] =	vst.idx.msk vm0, v5  }
.LBB2_33:
0x26c: {  	s5 =	sadd.s32 $0x6, s18  }
0x26d: {  	p0 =	sge.s32 s5, s17  }
0x26e: {  	v4 =	vld @!p0 [tilespmem:s5+$0x700];
	_ =	sdelay $0x4  }
0x26f: {  	(v2sf) =	vpush @!p0 v4, $0x0;
	_ =	sdelay $0xe  }
0x270: {  	s5 =	spop @!p0 (v2sf)  }
0x271: {  	v4 =	vld @!p0 [tilespmem:s5+$0x480];
	_ =	sdelay $0x4  }
0x272: {  	(v2sf) =	vpush @!p0 v4, $0x0;
	_ =	sdelay $0xd  }
.Ltmp32:
0x273: {  	_ = 	snop;
	(pc) =	sbr.rel .LBB2_34-.Ltmp32, $4  }
0x274: {  	s5 =	spop @!p0 (v2sf)  }
0x275: {  	s6 =	simm.s32 @!p0 $0x400;
	s5 =	sand.u32 @!p0 $0xFFFFF80, s5  }
0x276: {  	s8 =	simm.s32 @!p0 $0x7A1400;
	s9 =	simm.s32 @!p0 $0x1AA00;
	s5 =	sadd.s32 @!p0 s2, s5  }
0x277: {  	[tilespmem:s9], [sflag:$0x7] =	stream.strided.gather @!p0 [hbm4b:s5+s6], $0x2000, s8, s6, $0x38;
	[tilespmem:$0x1CC00] =	vst v63  }
.LBB2_39:
0x278: {  	_ =	swait.ge [sflag:s24], $0x10000  }
0x279: {  	[sflag:s24] =	ssyncset.done $0x0  }
0x27a: {  	[sflag:s24] =	ssyncadd.s32 $0xFFFF0000  }
.LBB2_35:
0x27b: {  	s5 =	simm.s32 $0x0;
	s6 =	simm.s32 $0x40  }
.LBB2_36:
0x27c: {  	p0 =	sne.s32 s6, $0x7C0;
	v4 =	vld [tilespmem:s5+$0x1CA00];
	_ =	sdelay $0x2  }
.Ltmp33:
0x27d: {  	(pc) =	sbr.rel @p0 .LBB2_36-.Ltmp33, $3  }
0x27e: {  	_ = 	snop  }
0x27f: {  	v4 =	vadd.f32 $0.0e+00, v4;
	_ =	sdelay $0x1  }
0x280: {  	[tilespmem:s5+$0x1CA00] =	vst v4;
	s5 =	sshra.s32 s6, $0x2;
	s6 =	sadd.s32 $0x40, s6  }
0x281: {  	v4 =	vld [tilespmem:s5+$0x1CA00];
	_ =	sdelay $0x4  }
0x282: {  	v4 =	vadd.f32 $0.0e+00, v4  }
0x283: {  	s16 =	sadd.s32 $0x1, s16  }
0x284: {  	p0 =	sne.s32 s16, s12;
	[tilespmem:s5+$0x1CA00] =	vst v4  }
.Ltmp34:
0x285: {  	[bflag:$0x0] =	sbarrier.arrive $0xFFFF;
	(pc) =	sbr.rel @p0 .LBB2_1-.Ltmp34, $4  }
0x286: {  	[hbm4b:s7+s4] =	stream.linear.scatter [tilespmem:s26], [sflag:$0x8], $0x200, $0x38;
	[tilespmem:$0x1CC00] =	vst v63  }
0x287: {  	_ =	swait.ge [sflag:s13], $0x200  }
0x288: {  	[sflag:s13] =	ssyncset.done $0x0  }
0x289: {  	[sflag:s13] =	ssyncadd.s32 $0xFFFFFE00  }
0x28a: {  	_ =	sfence.sel $0x180000  }
0x28b: {  	[bflag:$0x0] =	sbarrier.arrive $0xFFFF  }
0x28c: {  	_ =	strace $0x9000004A  }
0x28d: {  	s0 =	stileid.u32;
	[bflag:$0x2] =	sbarrier.arrive $0xFFFF  }
0x28e: {  	p0 =	sne.s32 s0, $0x0;
	s0 =	rddreg [dreg:$0x3]  }
0x28f: {  	s0 =	sadd.s32 @!p0 $0x100000, s0  }
0x290: {  	[sflag:s0] =	ssyncadd.tile.s32 @!p0 $0x1;
	_ =	shalt  }
.Lfunc_end2:
_tile_overlayer_lowered:
.L_overlay_start_2:
0x291: {  	(tag) =	ssettag $0x2  }
0x292: {  	s0 =	rddreg [dreg:$0x0];
	s2 =	stileid.u32  }
0x293: {  	s1 =	rddreg [dreg:$0x1];
	p0 =	sne.s32 s2, $0x0  }
0x294: {  	s3 =	rddreg [dreg:$0x2];
	[bflag:$0x3] =	sbarrier.arrive $0xFFFF;
	s2 =	simm.s32 @!p0 $0x1C08  }
0x295: {  	[timem:s3], [sflag:s2] =	dma.local @!p0 [hbm:s0], s1  }
0x296: {  	s0 =	simm.s32 @!p0 $0x8  }
0x297: {  	_ =	swait.ge @!p0 [sflag:s0], s1  }
0x298: {  	s1 =	ssub.s32 @!p0 $0x0, s1;
	[sflag:s0] =	ssyncset.done @!p0 $0x0  }
0x299: {  	[sflag:s0] =	ssyncadd.s32 @!p0 s1  }
0x29a: {  	[bflag:$0x3] =	sbarrier.arrive $0xFFFF  }
0x29b: {  	_ =	shalt  }

</sc_bundles>
